<compile_context>
chip_gen: v7x
topology: tpu7x:2x2x1
jax: 0.10.2.dev20260603
libtpu: 0.0.44.dev20260713+nightly
codegen_flags: <defaults>
</compile_context>

<pallas_src>
import functools

import jax
import jax.numpy as jnp
from jax import lax
from jax.experimental import pallas as pl
from jax.experimental.pallas import tpu as pltpu
from jax.experimental.pallas import tpu_sc as plsc

N = 10000
NP = 10240
D = 128
E = 320000
NCORE = 2
NSUB = 16
NW = NCORE * NSUB
CHUNK = 128
CPW = 80
IG = 8
NG = CPW // IG
HCH = CPW // 2
EP = NW * CPW * CHUNK
RPS = NP // NSUB
BR = 512
GRID = NP // BR

_mesh = plsc.VectorSubcoreMesh(core_axis_name="c", subcore_axis_name="s",
                               num_cores=NCORE, num_subcores=NSUB)



NR = NP // D


def _deg_body(srcA, dstA, ident, zer80, degO_hbm, degI_hbm,
              src_v, dst_v, id_v, dO_v, dI_v, shO, shI):
    c = lax.axis_index("c")
    s = lax.axis_index("s")
    wid = s * NCORE + c
    pltpu.sync_copy(srcA.at[wid], src_v)
    pltpu.sync_copy(dstA.at[wid], dst_v)
    pltpu.sync_copy(ident, id_v)

    @pl.when(s == 0)
    def _():
        pltpu.sync_copy(zer80, shO)
        pltpu.sync_copy(zer80, shI)

    z = jnp.zeros((16,), jnp.float32)

    def zero(i, carry):
        for k in range(8):
            dO_v[i, pl.ds(k * 16, 16)] = z
            dI_v[i, pl.ds(k * 16, 16)] = z
        return carry

    lax.fori_loop(0, NR, zero, 0)
    ones = jnp.ones((16,), jnp.float32)

    def step(j, carry):
        for k in range(8):
            i_s = src_v[j, pl.ds(k * 16, 16)]
            plsc.addupdate_scatter(
                dO_v, [lax.shift_right_logical(i_s, 7),
                       lax.bitwise_and(i_s, 127)], ones)
            i_d = dst_v[j, pl.ds(k * 16, 16)]
            plsc.addupdate_scatter(
                dI_v, [lax.shift_right_logical(i_d, 7),
                       lax.bitwise_and(i_d, 127)], ones)
        return carry

    lax.fori_loop(0, CPW, step, 0)
    plsc.subcore_barrier()
    pltpu.sync_copy(dO_v, shO.at[id_v], add=True)
    pltpu.sync_copy(dI_v, shI.at[id_v], add=True)
    plsc.subcore_barrier()

    @pl.when(s == 0)
    def _():
        pltpu.sync_copy(shO, degO_hbm.at[c])

    @pl.when(s == 1)
    def _():
        pltpu.sync_copy(shI, degI_hbm.at[c])


_deg_call = pl.kernel(
    _deg_body,
    out_type=(jax.ShapeDtypeStruct((NCORE, NR, D), jnp.float32),
              jax.ShapeDtypeStruct((NCORE, NR, D), jnp.float32)),
    mesh=_mesh,
    compiler_params=pltpu.CompilerParams(needs_layout_passes=False),
    scratch_types=[
        pltpu.VMEM((CPW, CHUNK), jnp.int32),
        pltpu.VMEM((CPW, CHUNK), jnp.int32),
        pltpu.VMEM((NR,), jnp.int32),
        pltpu.VMEM((NR, D), jnp.float32),
        pltpu.VMEM((NR, D), jnp.float32),
        pltpu.VMEM_SHARED((NR, D), jnp.float32),
        pltpu.VMEM_SHARED((NR, D), jnp.float32),
    ],
)


def _agg_body(y_hbm, srcA, dstA, zer, out_hbm,
              src_v, dst_v, buf, acc_sh, sem, sem1):
    c = lax.axis_index("c")
    s = lax.axis_index("s")
    wid = s * NCORE + c
    pltpu.sync_copy(zer.at[pl.ds(s * RPS, RPS)], acc_sh.at[pl.ds(s * RPS, RPS)])
    plsc.subcore_barrier()

    buf0 = buf.at[pl.ds(0, CHUNK)]
    buf1 = buf.at[pl.ds(CHUNK, CHUNK)]
    for half in range(2):
        pltpu.sync_copy(srcA.at[wid].at[pl.ds(half * HCH, HCH)], src_v)
        pltpu.sync_copy(dstA.at[wid].at[pl.ds(half * HCH, HCH)], dst_v)
        pltpu.async_copy(y_hbm.at[src_v.at[0]], buf0, sem)

        def step(j, carry):
            pltpu.make_async_copy(y_hbm.at[src_v.at[2 * j]], buf0, sem).wait()
            pltpu.async_copy(y_hbm.at[src_v.at[2 * j + 1]], buf1, sem1)
            pltpu.sync_copy(buf0, acc_sh.at[dst_v.at[2 * j]], add=True)
            pltpu.make_async_copy(y_hbm.at[src_v.at[2 * j + 1]], buf1,
                                  sem1).wait()

            @pl.when(2 * j + 2 < HCH)
            def _():
                pltpu.async_copy(y_hbm.at[src_v.at[2 * j + 2]], buf0, sem)

            pltpu.sync_copy(buf1, acc_sh.at[dst_v.at[2 * j + 1]], add=True)
            return carry

        lax.fori_loop(0, HCH // 2, step, 0)

    plsc.subcore_barrier()
    pltpu.sync_copy(acc_sh.at[pl.ds(s * RPS, RPS)],
                    out_hbm.at[c].at[pl.ds(s * RPS, RPS)])


_agg_call = pl.kernel(
    _agg_body,
    out_type=jax.ShapeDtypeStruct((NCORE, NP, D), jnp.float32),
    mesh=_mesh,
    scratch_types=[
        pltpu.VMEM((HCH, CHUNK), jnp.int32),
        pltpu.VMEM((HCH, CHUNK), jnp.int32),
        pltpu.VMEM((2 * CHUNK, D), jnp.float32),
        pltpu.VMEM_SHARED((NP, D), jnp.float32),
        pltpu.SemaphoreType.DMA,
        pltpu.SemaphoreType.DMA,
    ],
)



def _y1_body(h_ref, dO_ref, W_ref, o_ref):
    d = dO_ref[0] + dO_ref[1]
    norm = lax.rsqrt(jnp.maximum(d, 1.0))
    o_ref[...] = jnp.dot(h_ref[...] * norm[:, None], W_ref[...],
                         preferred_element_type=jnp.float32)


_y1_call = pl.pallas_call(
    _y1_body,
    grid=(GRID,),
    in_specs=[
        pl.BlockSpec((BR, D), lambda i: (i, 0)),
        pl.BlockSpec((NCORE, BR), lambda i: (0, i)),
        pl.BlockSpec((D, D), lambda i: (0, 0)),
    ],
    out_specs=pl.BlockSpec((BR, D), lambda i: (i, 0)),
    out_shape=jax.ShapeDtypeStruct((NP, D), jnp.float32),
)


def _lyr_body(p_ref, dO_ref, dI_ref, b_ref, W_ref, o_ref):
    agg = p_ref[0] + p_ref[1]
    dI = dI_ref[0] + dI_ref[1]
    nD = lax.rsqrt(jnp.maximum(dI, 1.0))
    hh = jnp.maximum(agg * nD[:, None] + b_ref[...], 0.0)
    dO = dO_ref[0] + dO_ref[1]
    nS = lax.rsqrt(jnp.maximum(dO, 1.0))
    o_ref[...] = jnp.dot(hh * nS[:, None], W_ref[...],
                         preferred_element_type=jnp.float32)


_lyr_call = pl.pallas_call(
    _lyr_body,
    grid=(GRID,),
    in_specs=[
        pl.BlockSpec((NCORE, BR, D), lambda i: (0, i, 0)),
        pl.BlockSpec((NCORE, BR), lambda i: (0, i)),
        pl.BlockSpec((NCORE, BR), lambda i: (0, i)),
        pl.BlockSpec((1, D), lambda i: (0, 0)),
        pl.BlockSpec((D, D), lambda i: (0, 0)),
    ],
    out_specs=pl.BlockSpec((BR, D), lambda i: (i, 0)),
    out_shape=jax.ShapeDtypeStruct((NP, D), jnp.float32),
)


def _fin_body(p_ref, dI_ref, b_ref, Wf1_ref, bf1_ref, Wf2T_ref, bf2_ref,
              o_ref, acc):
    i = pl.program_id(0)

    @pl.when(i == 0)
    def _():
        acc[...] = jnp.zeros_like(acc)

    agg = p_ref[0] + p_ref[1]
    dI = dI_ref[0] + dI_ref[1]
    nD = lax.rsqrt(jnp.maximum(dI, 1.0))
    hh = jnp.maximum(agg * nD[:, None] + b_ref[...], 0.0)
    rows = i * BR + lax.broadcasted_iota(jnp.int32, (BR, 1), 0)
    hh = jnp.where(rows < N, hh, 0.0)
    acc[...] += jnp.sum(hh, axis=0, keepdims=True)

    @pl.when(i == pl.num_programs(0) - 1)
    def _():
        hg = acc[...] * (1.0 / N)
        t = jnp.maximum(jnp.dot(hg, Wf1_ref[...],
                                preferred_element_type=jnp.float32)
                        + bf1_ref[...], 0.0)
        logit = jnp.sum(t * Wf2T_ref[...], axis=1, keepdims=True) + bf2_ref[...]
        o_ref[...] = 1.0 / (1.0 + jnp.exp(-logit))


_fin_call = pl.pallas_call(
    _fin_body,
    grid=(GRID,),
    in_specs=[
        pl.BlockSpec((NCORE, BR, D), lambda i: (0, i, 0)),
        pl.BlockSpec((NCORE, BR), lambda i: (0, i)),
        pl.BlockSpec((1, D), lambda i: (0, 0)),
        pl.BlockSpec((D, 64), lambda i: (0, 0)),
        pl.BlockSpec((1, 64), lambda i: (0, 0)),
        pl.BlockSpec((1, 64), lambda i: (0, 0)),
        pl.BlockSpec((1, 1), lambda i: (0, 0)),
    ],
    out_specs=pl.BlockSpec((1, 1), lambda i: (0, 0)),
    out_shape=jax.ShapeDtypeStruct((1, 1), jnp.float32),
    scratch_shapes=[pltpu.VMEM((1, D), jnp.float32)],
)


def kernel(h, edge_index, W1, b1, W2, b2, W3, b3, Wf1, bf1, Wf2, bf2):
    src = edge_index[0]
    dst = edge_index[1]
    pad = EP - E
    fill = N + jnp.arange(pad, dtype=jnp.int32) % (NP - N)
    srcA = jnp.concatenate([src, fill]).reshape(NW, CPW, CHUNK)
    dstA = jnp.concatenate([dst, fill]).reshape(NW, CPW, CHUNK)
    hp = jnp.pad(h, ((0, NP - N), (0, 0)))
    zer = jnp.zeros((NP, D), jnp.float32)
    zer80 = jnp.zeros((NR, D), jnp.float32)
    ident = jnp.arange(NR, dtype=jnp.int32)

    degO3, degI3 = _deg_call(srcA, dstA, ident, zer80)
    degO = degO3.reshape(NCORE, NP)
    degI = degI3.reshape(NCORE, NP)

    y1 = _y1_call(hp, degO, W1)
    p1 = _agg_call(y1, srcA, dstA, zer)
    y2 = _lyr_call(p1, degO, degI, b1.reshape(1, D), W2)
    p2 = _agg_call(y2, srcA, dstA, zer)
    y3 = _lyr_call(p2, degO, degI, b2.reshape(1, D), W3)
    p3 = _agg_call(y3, srcA, dstA, zer)

    out = _fin_call(p3, degI, b3.reshape(1, D), Wf1,
                    bf1.reshape(1, 64), Wf2.T.reshape(1, 64),
                    bf2.reshape(1, 1))
    return jnp.squeeze(out, axis=1)

# --- scband reference (transcript-rebuilt; emitter-appended) ---
"""Pipeline reference for scband-graph-conv-binary-classifier-74947179315796 (READ-ONLY COPY).

The authoritative reference and input builder live on the scoring server;
editing this copy changes nothing except your own understanding.
"""

import jax, jax.numpy as jnp
import numpy as np

N = 10000
E = 320000
D_IN = 128
H1 = 128
H2 = 128
FC1 = 128
FC2 = 64
NC = 1


def setup_inputs(seed: int = 0) -> dict:
    key = jax.random.key(seed)
    ks = jax.random.split(key, 16)
    h = jax.random.normal(ks[0], (N, D_IN), dtype=jnp.float32)
    edge_index = jax.random.randint(ks[1], (2, E), 0, N, dtype=jnp.int32)
    def w(k, shape):
        return jax.random.normal(k, shape, dtype=jnp.float32) * 0.05
    return {
        'h': h,
        'edge_index': edge_index,
        'W1': w(ks[2], (D_IN, H1)), 'b1': jnp.zeros((H1,), jnp.float32),
        'W2': w(ks[3], (H1, H2)), 'b2': jnp.zeros((H2,), jnp.float32),
        'W3': w(ks[4], (H2, FC1)), 'b3': jnp.zeros((FC1,), jnp.float32),
        'Wf1': w(ks[5], (FC1, FC2)), 'bf1': jnp.zeros((FC2,), jnp.float32),
        'Wf2': w(ks[6], (FC2, NC)), 'bf2': jnp.zeros((NC,), jnp.float32),
    }


def _graph_conv(h, W, b, src, dst):
    # DGL GraphConv with norm='both':
    # h_i = (1/sqrt(d_i)) * sum_{j->i} (1/sqrt(d_j)) * (h_j @ W) + b
    n = h.shape[0]
    deg_out = jnp.zeros((n,), jnp.float32).at[src].add(1.0)
    deg_in = jnp.zeros((n,), jnp.float32).at[dst].add(1.0)
    norm_src = jax.lax.rsqrt(jnp.maximum(deg_out, 1.0))
    norm_dst = jax.lax.rsqrt(jnp.maximum(deg_in, 1.0))
    x = h * norm_src[:, None]
    x = x @ W
    msgs = jnp.take(x, src, axis=0)
    agg = jnp.zeros((n, x.shape[1]), x.dtype).at[dst].add(msgs)
    return agg * norm_dst[:, None] + b


def reference(h, edge_index, W1, b1, W2, b2, W3, b3, Wf1, bf1, Wf2, bf2):
    src = edge_index[0]
    dst = edge_index[1]
    x = jax.nn.relu(_graph_conv(h, W1, b1, src, dst))
    x = jax.nn.relu(_graph_conv(x, W2, b2, src, dst))
    x = jax.nn.relu(_graph_conv(x, W3, b3, src, dst))
    # dgl.mean_nodes over a single graph -> [1, FC1]
    hg = jnp.mean(x, axis=0, keepdims=True)
    y = jax.nn.relu(hg @ Wf1 + bf1)
    y = y @ Wf2 + bf2
    out = jax.nn.sigmoid(y)
    return jnp.squeeze(out, axis=1)

if __name__ == "__main__":
    import jax
    _d = setup_inputs()
    print(jax.jit(kernel)(*tuple(_d.values())))

</pallas_src>

<mosaic_0001>
#map = affine_map<(d0, d1) -> (0, 0)>
#map1 = affine_map<(d0, d1) -> (0, 0, 0)>
module attributes {stable_mosaic.version = 14 : i64} {
  func.func @_agg_body(%arg0: i32, %arg1: i32, %arg2: memref<10240x128xf32, #tpu.memory_space<hbm>>, %arg3: memref<32x80x128xi32, #tpu.memory_space<hbm>>, %arg4: memref<32x80x128xi32, #tpu.memory_space<hbm>>, %arg5: memref<10240x128xf32, #tpu.memory_space<hbm>>, %arg6: memref<2x10240x128xf32, #tpu.memory_space<hbm>>, %arg7: memref<40x128xi32, #tpu.memory_space<vmem>>, %arg8: memref<40x128xi32, #tpu.memory_space<vmem>>, %arg9: memref<256x128xf32, #tpu.memory_space<vmem>>, %arg10: memref<10240x128xf32, #tpu.memory_space<vmem_shared>>, %arg11: memref<!tpu.dma_semaphore, #tpu.memory_space<semaphore_mem>>, %arg12: memref<!tpu.dma_semaphore, #tpu.memory_space<semaphore_mem>>) attributes {dimension_semantics = [#tpu.dimension_semantics<core_parallel>, #tpu.dimension_semantics<subcore_parallel>], iteration_bounds = array<i64: 2, 16>, scalar_prefetch = 0 : i64, scratch_operands = 6 : i64, tpu.core_type = #tpu.core_type<sc_vector_subcore>, window_params = [{transform_indices = #map}, {transform_indices = #map1}, {transform_indices = #map1}, {transform_indices = #map}, {transform_indices = #map1}]} {
    %mul3A = arith.constant 2 : i32
    %mul3A_0 = arith.muli %arg1, %mul3A : i32
    %add3A = arith.addi %mul3A_0, %arg0 : i32
    %mul3A_1 = arith.constant 640 : i32
    %mul3A_2 = arith.muli %arg1, %mul3A_1 : i32
    %mul3A_3 = arith.constant 640 : i32
    %mul3A_4 = arith.muli %arg1, %mul3A_3 : i32
    "tpu.region"() ({
      %run_scoped3A = tpu.sem_alloc : memref<!tpu.dma_semaphore, #tpu.memory_space<semaphore_mem>>
      %dma_start3A_40 = arith.constant 0 : i32
      %dma_start3A_41 = tpu.memref_slice %arg10[%mul3A_4, %dma_start3A_40] : memref<10240x128xf32, #tpu.memory_space<vmem_shared>> -> memref<640x128xf32, #tpu.memory_space<vmem_shared>>
      %dma_start3A_42 = arith.constant 0 : i32
      %dma_start3A_43 = tpu.memref_slice %arg5[%mul3A_2, %dma_start3A_42] : memref<10240x128xf32, #tpu.memory_space<hbm>> -> memref<640x128xf32, #tpu.memory_space<hbm>>
      tpu.enqueue_dma source(%dma_start3A_43 : memref<640x128xf32, #tpu.memory_space<hbm>>) target(%dma_start3A_41 : memref<640x128xf32, #tpu.memory_space<vmem_shared>>) target_semaphore(%run_scoped3A : memref<!tpu.dma_semaphore, #tpu.memory_space<semaphore_mem>>)
      %dma_wait3A = arith.constant 0 : i32
      %dma_wait3A_44 = tpu.memref_slice %arg10[%mul3A_4, %dma_wait3A] : memref<10240x128xf32, #tpu.memory_space<vmem_shared>> -> memref<640x128xf32, #tpu.memory_space<vmem_shared>>
      %dma_wait3A_45 = arith.constant 0 : i32
      %dma_wait3A_46 = tpu.memref_slice %arg5[%mul3A_2, %dma_wait3A_45] : memref<10240x128xf32, #tpu.memory_space<hbm>> -> memref<640x128xf32, #tpu.memory_space<hbm>>
      tpu.wait_dma2 semaphore(%run_scoped3A : memref<!tpu.dma_semaphore, #tpu.memory_space<semaphore_mem>>) src(%dma_wait3A_46 : memref<640x128xf32, #tpu.memory_space<hbm>>) dst(%dma_wait3A_44 : memref<640x128xf32, #tpu.memory_space<vmem_shared>>)
      tpu.yield
    }) : () -> ()
    %barrier3A = arith.constant 0 : index
    tpu.barrier barrier_id(%barrier3A)
    "tpu.region"() ({
      %run_scoped3A = tpu.sem_alloc : memref<!tpu.dma_semaphore, #tpu.memory_space<semaphore_mem>>
      %dma_start3A_40 = arith.constant 0 : i32
      %dma_start3A_41 = arith.constant 0 : i32
      %dma_start3A_42 = tpu.memref_slice %arg3[%add3A, %dma_start3A_40, %dma_start3A_41] : memref<32x80x128xi32, #tpu.memory_space<hbm>> -> memref<1x80x128xi32, #tpu.memory_space<hbm>>
      %dma_start3A_43 = tpu.memref_squeeze %dma_start3A_42 : memref<1x80x128xi32, #tpu.memory_space<hbm>> -> memref<80x128xi32, #tpu.memory_space<hbm>>
      %dma_start3A_44 = arith.constant 0 : i32
      %dma_start3A_45 = arith.constant 0 : i32
      %dma_start3A_46 = tpu.memref_slice %dma_start3A_43[%dma_start3A_44, %dma_start3A_45] : memref<80x128xi32, #tpu.memory_space<hbm>> -> memref<40x128xi32, #tpu.memory_space<hbm>>
      %dma_start3A_47 = arith.constant 0 : i32
      %dma_start3A_48 = arith.constant 0 : i32
      %dma_start3A_49 = tpu.memref_slice %arg3[%add3A, %dma_start3A_47, %dma_start3A_48] : memref<32x80x128xi32, #tpu.memory_space<hbm>> -> memref<1x80x128xi32, #tpu.memory_space<hbm>>
      %dma_start3A_50 = tpu.memref_squeeze %dma_start3A_49 : memref<1x80x128xi32, #tpu.memory_space<hbm>> -> memref<80x128xi32, #tpu.memory_space<hbm>>
      %dma_start3A_51 = arith.constant 0 : i32
      %dma_start3A_52 = arith.constant 0 : i32
      %dma_start3A_53 = tpu.memref_slice %dma_start3A_50[%dma_start3A_51, %dma_start3A_52] : memref<80x128xi32, #tpu.memory_space<hbm>> -> memref<40x128xi32, #tpu.memory_space<hbm>>
      tpu.enqueue_dma source(%dma_start3A_53 : memref<40x128xi32, #tpu.memory_space<hbm>>) target(%arg7 : memref<40x128xi32, #tpu.memory_space<vmem>>) target_semaphore(%run_scoped3A : memref<!tpu.dma_semaphore, #tpu.memory_space<semaphore_mem>>)
      %dma_wait3A = arith.constant 0 : i32
      %dma_wait3A_54 = arith.constant 0 : i32
      %dma_wait3A_55 = tpu.memref_slice %arg3[%add3A, %dma_wait3A, %dma_wait3A_54] : memref<32x80x128xi32, #tpu.memory_space<hbm>> -> memref<1x80x128xi32, #tpu.memory_space<hbm>>
      %dma_wait3A_56 = tpu.memref_squeeze %dma_wait3A_55 : memref<1x80x128xi32, #tpu.memory_space<hbm>> -> memref<80x128xi32, #tpu.memory_space<hbm>>
      %dma_wait3A_57 = arith.constant 0 : i32
      %dma_wait3A_58 = arith.constant 0 : i32
      %dma_wait3A_59 = tpu.memref_slice %dma_wait3A_56[%dma_wait3A_57, %dma_wait3A_58] : memref<80x128xi32, #tpu.memory_space<hbm>> -> memref<40x128xi32, #tpu.memory_space<hbm>>
      %dma_wait3A_60 = arith.constant 0 : i32
      %dma_wait3A_61 = arith.constant 0 : i32
      %dma_wait3A_62 = tpu.memref_slice %arg3[%add3A, %dma_wait3A_60, %dma_wait3A_61] : memref<32x80x128xi32, #tpu.memory_space<hbm>> -> memref<1x80x128xi32, #tpu.memory_space<hbm>>
      %dma_wait3A_63 = tpu.memref_squeeze %dma_wait3A_62 : memref<1x80x128xi32, #tpu.memory_space<hbm>> -> memref<80x128xi32, #tpu.memory_space<hbm>>
      %dma_wait3A_64 = arith.constant 0 : i32
      %dma_wait3A_65 = arith.constant 0 : i32
      %dma_wait3A_66 = tpu.memref_slice %dma_wait3A_63[%dma_wait3A_64, %dma_wait3A_65] : memref<80x128xi32, #tpu.memory_space<hbm>> -> memref<40x128xi32, #tpu.memory_space<hbm>>
      tpu.wait_dma2 semaphore(%run_scoped3A : memref<!tpu.dma_semaphore, #tpu.memory_space<semaphore_mem>>) src(%dma_wait3A_66 : memref<40x128xi32, #tpu.memory_space<hbm>>) dst(%arg7 : memref<40x128xi32, #tpu.memory_space<vmem>>)
      tpu.yield
    }) : () -> ()
    "tpu.region"() ({
      %run_scoped3A = tpu.sem_alloc : memref<!tpu.dma_semaphore, #tpu.memory_space<semaphore_mem>>
      %dma_start3A_40 = arith.constant 0 : i32
      %dma_start3A_41 = arith.constant 0 : i32
      %dma_start3A_42 = tpu.memref_slice %arg4[%add3A, %dma_start3A_40, %dma_start3A_41] : memref<32x80x128xi32, #tpu.memory_space<hbm>> -> memref<1x80x128xi32, #tpu.memory_space<hbm>>
      %dma_start3A_43 = tpu.memref_squeeze %dma_start3A_42 : memref<1x80x128xi32, #tpu.memory_space<hbm>> -> memref<80x128xi32, #tpu.memory_space<hbm>>
      %dma_start3A_44 = arith.constant 0 : i32
      %dma_start3A_45 = arith.constant 0 : i32
      %dma_start3A_46 = tpu.memref_slice %dma_start3A_43[%dma_start3A_44, %dma_start3A_45] : memref<80x128xi32, #tpu.memory_space<hbm>> -> memref<40x128xi32, #tpu.memory_space<hbm>>
      %dma_start3A_47 = arith.constant 0 : i32
      %dma_start3A_48 = arith.constant 0 : i32
      %dma_start3A_49 = tpu.memref_slice %arg4[%add3A, %dma_start3A_47, %dma_start3A_48] : memref<32x80x128xi32, #tpu.memory_space<hbm>> -> memref<1x80x128xi32, #tpu.memory_space<hbm>>
      %dma_start3A_50 = tpu.memref_squeeze %dma_start3A_49 : memref<1x80x128xi32, #tpu.memory_space<hbm>> -> memref<80x128xi32, #tpu.memory_space<hbm>>
      %dma_start3A_51 = arith.constant 0 : i32
      %dma_start3A_52 = arith.constant 0 : i32
      %dma_start3A_53 = tpu.memref_slice %dma_start3A_50[%dma_start3A_51, %dma_start3A_52] : memref<80x128xi32, #tpu.memory_space<hbm>> -> memref<40x128xi32, #tpu.memory_space<hbm>>
      tpu.enqueue_dma source(%dma_start3A_53 : memref<40x128xi32, #tpu.memory_space<hbm>>) target(%arg8 : memref<40x128xi32, #tpu.memory_space<vmem>>) target_semaphore(%run_scoped3A : memref<!tpu.dma_semaphore, #tpu.memory_space<semaphore_mem>>)
      %dma_wait3A = arith.constant 0 : i32
      %dma_wait3A_54 = arith.constant 0 : i32
      %dma_wait3A_55 = tpu.memref_slice %arg4[%add3A, %dma_wait3A, %dma_wait3A_54] : memref<32x80x128xi32, #tpu.memory_space<hbm>> -> memref<1x80x128xi32, #tpu.memory_space<hbm>>
      %dma_wait3A_56 = tpu.memref_squeeze %dma_wait3A_55 : memref<1x80x128xi32, #tpu.memory_space<hbm>> -> memref<80x128xi32, #tpu.memory_space<hbm>>
      %dma_wait3A_57 = arith.constant 0 : i32
      %dma_wait3A_58 = arith.constant 0 : i32
      %dma_wait3A_59 = tpu.memref_slice %dma_wait3A_56[%dma_wait3A_57, %dma_wait3A_58] : memref<80x128xi32, #tpu.memory_space<hbm>> -> memref<40x128xi32, #tpu.memory_space<hbm>>
      %dma_wait3A_60 = arith.constant 0 : i32
      %dma_wait3A_61 = arith.constant 0 : i32
      %dma_wait3A_62 = tpu.memref_slice %arg4[%add3A, %dma_wait3A_60, %dma_wait3A_61] : memref<32x80x128xi32, #tpu.memory_space<hbm>> -> memref<1x80x128xi32, #tpu.memory_space<hbm>>
      %dma_wait3A_63 = tpu.memref_squeeze %dma_wait3A_62 : memref<1x80x128xi32, #tpu.memory_space<hbm>> -> memref<80x128xi32, #tpu.memory_space<hbm>>
      %dma_wait3A_64 = arith.constant 0 : i32
      %dma_wait3A_65 = arith.constant 0 : i32
      %dma_wait3A_66 = tpu.memref_slice %dma_wait3A_63[%dma_wait3A_64, %dma_wait3A_65] : memref<80x128xi32, #tpu.memory_space<hbm>> -> memref<40x128xi32, #tpu.memory_space<hbm>>
      tpu.wait_dma2 semaphore(%run_scoped3A : memref<!tpu.dma_semaphore, #tpu.memory_space<semaphore_mem>>) src(%dma_wait3A_66 : memref<40x128xi32, #tpu.memory_space<hbm>>) dst(%arg8 : memref<40x128xi32, #tpu.memory_space<vmem>>)
      tpu.yield
    }) : () -> ()
    %dma_start3A = arith.constant 0 : i32
    %dma_start3A_5 = arith.constant 0 : i32
    %dma_start3A_6 = arith.constant 0 : i32
    %dma_start3A_7 = tpu.memref_slice %arg9[%dma_start3A_5, %dma_start3A_6] : memref<256x128xf32, #tpu.memory_space<vmem>> -> memref<128x128xf32, #tpu.memory_space<vmem>>
    %dma_start3A_8 = arith.constant 0 : i32
    %dma_start3A_9 = tpu.memref_slice %arg7[%dma_start3A, %dma_start3A_8] : memref<40x128xi32, #tpu.memory_space<vmem>> -> memref<1x128xi32, #tpu.memory_space<vmem>>
    %dma_start3A_10 = tpu.memref_squeeze %dma_start3A_9 : memref<1x128xi32, #tpu.memory_space<vmem>> -> memref<128xi32, #tpu.memory_space<vmem>>
    %dma_start3A_11 = arith.constant 0 : i32
    %dma_start3A_12 = arith.constant 0 : i32
    %dma_start3A_13 = tpu.memref_slice %arg2[%dma_start3A_11, %dma_start3A_12] : memref<10240x128xf32, #tpu.memory_space<hbm>> -> memref<10240x128xf32, #tpu.memory_space<hbm>>
    tpu.enqueue_indirect_dma source(%dma_start3A_13 : memref<10240x128xf32, #tpu.memory_space<hbm>>) target(%dma_start3A_7 : memref<128x128xf32, #tpu.memory_space<vmem>>) offsets(%dma_start3A_10 : memref<128xi32, #tpu.memory_space<vmem>>) semaphore(%arg11 : memref<!tpu.dma_semaphore, #tpu.memory_space<semaphore_mem>>)
    %scan3A = arith.constant 0 : i32
    %scan3A_14 = arith.constant 0 : i32
    %scan3A_15 = arith.constant 20 : i32
    %scan3A_16 = arith.addi %scan3A_14, %scan3A_15 : i32
    %scan3A_17 = arith.constant 1 : i32
    scf.for %scan3A_40 = %scan3A_14 to %scan3A_16 step %scan3A_17  : i32 {
      %mul3A_41 = arith.constant 2 : i32
      %mul3A_42 = arith.muli %mul3A_41, %scan3A_40 : i32
      %dma_wait3A = arith.constant 0 : i32
      %dma_wait3A_43 = arith.constant 0 : i32
      %dma_wait3A_44 = tpu.memref_slice %arg9[%dma_wait3A, %dma_wait3A_43] : memref<256x128xf32, #tpu.memory_space<vmem>> -> memref<128x128xf32, #tpu.memory_space<vmem>>
      %dma_wait3A_45 = arith.constant 0 : i32
      %dma_wait3A_46 = tpu.memref_slice %arg7[%mul3A_42, %dma_wait3A_45] : memref<40x128xi32, #tpu.memory_space<vmem>> -> memref<1x128xi32, #tpu.memory_space<vmem>>
      %dma_wait3A_47 = tpu.memref_squeeze %dma_wait3A_46 : memref<1x128xi32, #tpu.memory_space<vmem>> -> memref<128xi32, #tpu.memory_space<vmem>>
      %dma_wait3A_48 = arith.constant 0 : i32
      %dma_wait3A_49 = arith.constant 0 : i32
      %dma_wait3A_50 = tpu.memref_slice %arg2[%dma_wait3A_48, %dma_wait3A_49] : memref<10240x128xf32, #tpu.memory_space<hbm>> -> memref<10240x128xf32, #tpu.memory_space<hbm>>
      tpu.wait_indirect_dma semaphore(%arg11 : memref<!tpu.dma_semaphore, #tpu.memory_space<semaphore_mem>>) src(%dma_wait3A_50 : memref<10240x128xf32, #tpu.memory_space<hbm>>) dst(%dma_wait3A_44 : memref<128x128xf32, #tpu.memory_space<vmem>>)
      %mul3A_51 = arith.constant 2 : i32
      %mul3A_52 = arith.muli %mul3A_51, %scan3A_40 : i32
      %add3A_53 = arith.constant 1 : i32
      %add3A_54 = arith.addi %mul3A_52, %add3A_53 : i32
      %dma_start3A_55 = arith.constant 128 : i32
      %dma_start3A_56 = arith.constant 0 : i32
      %dma_start3A_57 = tpu.memref_slice %arg9[%dma_start3A_55, %dma_start3A_56] : memref<256x128xf32, #tpu.memory_space<vmem>> -> memref<128x128xf32, #tpu.memory_space<vmem>>
      %dma_start3A_58 = arith.constant 0 : i32
      %dma_start3A_59 = tpu.memref_slice %arg7[%add3A_54, %dma_start3A_58] : memref<40x128xi32, #tpu.memory_space<vmem>> -> memref<1x128xi32, #tpu.memory_space<vmem>>
      %dma_start3A_60 = tpu.memref_squeeze %dma_start3A_59 : memref<1x128xi32, #tpu.memory_space<vmem>> -> memref<128xi32, #tpu.memory_space<vmem>>
      %dma_start3A_61 = arith.constant 0 : i32
      %dma_start3A_62 = arith.constant 0 : i32
      %dma_start3A_63 = tpu.memref_slice %arg2[%dma_start3A_61, %dma_start3A_62] : memref<10240x128xf32, #tpu.memory_space<hbm>> -> memref<10240x128xf32, #tpu.memory_space<hbm>>
      tpu.enqueue_indirect_dma source(%dma_start3A_63 : memref<10240x128xf32, #tpu.memory_space<hbm>>) target(%dma_start3A_57 : memref<128x128xf32, #tpu.memory_space<vmem>>) offsets(%dma_start3A_60 : memref<128xi32, #tpu.memory_space<vmem>>) semaphore(%arg12 : memref<!tpu.dma_semaphore, #tpu.memory_space<semaphore_mem>>)
      %mul3A_64 = arith.constant 2 : i32
      %mul3A_65 = arith.muli %mul3A_64, %scan3A_40 : i32
      "tpu.region"() ({
        %run_scoped3A = tpu.sem_alloc : memref<!tpu.dma_semaphore, #tpu.memory_space<semaphore_mem>>
        %dma_start3A_89 = arith.constant 0 : i32
        %dma_start3A_90 = arith.constant 0 : i32
        %dma_start3A_91 = tpu.memref_slice %arg9[%dma_start3A_89, %dma_start3A_90] : memref<256x128xf32, #tpu.memory_space<vmem>> -> memref<128x128xf32, #tpu.memory_space<vmem>>
        %dma_start3A_92 = arith.constant 0 : i32
        %dma_start3A_93 = tpu.memref_slice %arg8[%mul3A_65, %dma_start3A_92] : memref<40x128xi32, #tpu.memory_space<vmem>> -> memref<1x128xi32, #tpu.memory_space<vmem>>
        %dma_start3A_94 = tpu.memref_squeeze %dma_start3A_93 : memref<1x128xi32, #tpu.memory_space<vmem>> -> memref<128xi32, #tpu.memory_space<vmem>>
        %dma_start3A_95 = arith.constant 0 : i32
        %dma_start3A_96 = arith.constant 0 : i32
        %dma_start3A_97 = tpu.memref_slice %arg10[%dma_start3A_95, %dma_start3A_96] : memref<10240x128xf32, #tpu.memory_space<vmem_shared>> -> memref<10240x128xf32, #tpu.memory_space<vmem_shared>>
        tpu.enqueue_indirect_dma source(%dma_start3A_91 : memref<128x128xf32, #tpu.memory_space<vmem>>) target(%dma_start3A_97 : memref<10240x128xf32, #tpu.memory_space<vmem_shared>>) offsets(%dma_start3A_94 : memref<128xi32, #tpu.memory_space<vmem>>) semaphore(%run_scoped3A : memref<!tpu.dma_semaphore, #tpu.memory_space<semaphore_mem>>) {add = true}
        %dma_wait3A_98 = arith.constant 0 : i32
        %dma_wait3A_99 = arith.constant 0 : i32
        %dma_wait3A_100 = tpu.memref_slice %arg9[%dma_wait3A_98, %dma_wait3A_99] : memref<256x128xf32, #tpu.memory_space<vmem>> -> memref<128x128xf32, #tpu.memory_space<vmem>>
        %dma_wait3A_101 = arith.constant 0 : i32
        %dma_wait3A_102 = tpu.memref_slice %arg8[%mul3A_65, %dma_wait3A_101] : memref<40x128xi32, #tpu.memory_space<vmem>> -> memref<1x128xi32, #tpu.memory_space<vmem>>
        %dma_wait3A_103 = tpu.memref_squeeze %dma_wait3A_102 : memref<1x128xi32, #tpu.memory_space<vmem>> -> memref<128xi32, #tpu.memory_space<vmem>>
        %dma_wait3A_104 = arith.constant 0 : i32
        %dma_wait3A_105 = arith.constant 0 : i32
        %dma_wait3A_106 = tpu.memref_slice %arg10[%dma_wait3A_104, %dma_wait3A_105] : memref<10240x128xf32, #tpu.memory_space<vmem_shared>> -> memref<10240x128xf32, #tpu.memory_space<vmem_shared>>
        tpu.wait_indirect_dma semaphore(%run_scoped3A : memref<!tpu.dma_semaphore, #tpu.memory_space<semaphore_mem>>) src(%dma_wait3A_100 : memref<128x128xf32, #tpu.memory_space<vmem>>) dst(%dma_wait3A_106 : memref<10240x128xf32, #tpu.memory_space<vmem_shared>>)
        tpu.yield
      }) : () -> ()
      %mul3A_66 = arith.constant 2 : i32
      %mul3A_67 = arith.muli %mul3A_66, %scan3A_40 : i32
      %add3A_68 = arith.constant 1 : i32
      %add3A_69 = arith.addi %mul3A_67, %add3A_68 : i32
      %dma_wait3A_70 = arith.constant 128 : i32
      %dma_wait3A_71 = arith.constant 0 : i32
      %dma_wait3A_72 = tpu.memref_slice %arg9[%dma_wait3A_70, %dma_wait3A_71] : memref<256x128xf32, #tpu.memory_space<vmem>> -> memref<128x128xf32, #tpu.memory_space<vmem>>
      %dma_wait3A_73 = arith.constant 0 : i32
      %dma_wait3A_74 = tpu.memref_slice %arg7[%add3A_69, %dma_wait3A_73] : memref<40x128xi32, #tpu.memory_space<vmem>> -> memref<1x128xi32, #tpu.memory_space<vmem>>
      %dma_wait3A_75 = tpu.memref_squeeze %dma_wait3A_74 : memref<1x128xi32, #tpu.memory_space<vmem>> -> memref<128xi32, #tpu.memory_space<vmem>>
      %dma_wait3A_76 = arith.constant 0 : i32
      %dma_wait3A_77 = arith.constant 0 : i32
      %dma_wait3A_78 = tpu.memref_slice %arg2[%dma_wait3A_76, %dma_wait3A_77] : memref<10240x128xf32, #tpu.memory_space<hbm>> -> memref<10240x128xf32, #tpu.memory_space<hbm>>
      tpu.wait_indirect_dma semaphore(%arg12 : memref<!tpu.dma_semaphore, #tpu.memory_space<semaphore_mem>>) src(%dma_wait3A_78 : memref<10240x128xf32, #tpu.memory_space<hbm>>) dst(%dma_wait3A_72 : memref<128x128xf32, #tpu.memory_space<vmem>>)
      %mul3A_79 = arith.constant 2 : i32
      %mul3A_80 = arith.muli %mul3A_79, %scan3A_40 : i32
      %add3A_81 = arith.constant 2 : i32
      %add3A_82 = arith.addi %mul3A_80, %add3A_81 : i32
      %lt3A = arith.constant 40 : i32
      %lt3A_83 = arith.cmpi slt, %add3A_82, %lt3A : i32
      %convert_element_type3A = arith.extui %lt3A_83 : i1 to i32
      %cond3A = arith.constant 0 : i32
      %cond3A_84 = arith.cmpi ne, %convert_element_type3A, %cond3A : i32
      scf.if %cond3A_84 {
        %mul3A_89 = arith.constant 2 : i32
        %mul3A_90 = arith.muli %mul3A_89, %scan3A_40 : i32
        %add3A_91 = arith.constant 2 : i32
        %add3A_92 = arith.addi %mul3A_90, %add3A_91 : i32
        %dma_start3A_93 = arith.constant 0 : i32
        %dma_start3A_94 = arith.constant 0 : i32
        %dma_start3A_95 = tpu.memref_slice %arg9[%dma_start3A_93, %dma_start3A_94] : memref<256x128xf32, #tpu.memory_space<vmem>> -> memref<128x128xf32, #tpu.memory_space<vmem>>
        %dma_start3A_96 = arith.constant 0 : i32
        %dma_start3A_97 = tpu.memref_slice %arg7[%add3A_92, %dma_start3A_96] : memref<40x128xi32, #tpu.memory_space<vmem>> -> memref<1x128xi32, #tpu.memory_space<vmem>>
        %dma_start3A_98 = tpu.memref_squeeze %dma_start3A_97 : memref<1x128xi32, #tpu.memory_space<vmem>> -> memref<128xi32, #tpu.memory_space<vmem>>
        %dma_start3A_99 = arith.constant 0 : i32
        %dma_start3A_100 = arith.constant 0 : i32
        %dma_start3A_101 = tpu.memref_slice %arg2[%dma_start3A_99, %dma_start3A_100] : memref<10240x128xf32, #tpu.memory_space<hbm>> -> memref<10240x128xf32, #tpu.memory_space<hbm>>
        tpu.enqueue_indirect_dma source(%dma_start3A_101 : memref<10240x128xf32, #tpu.memory_space<hbm>>) target(%dma_start3A_95 : memref<128x128xf32, #tpu.memory_space<vmem>>) offsets(%dma_start3A_98 : memref<128xi32, #tpu.memory_space<vmem>>) semaphore(%arg11 : memref<!tpu.dma_semaphore, #tpu.memory_space<semaphore_mem>>)
      } else {
      }
      %mul3A_85 = arith.constant 2 : i32
      %mul3A_86 = arith.muli %mul3A_85, %scan3A_40 : i32
      %add3A_87 = arith.constant 1 : i32
      %add3A_88 = arith.addi %mul3A_86, %add3A_87 : i32
      "tpu.region"() ({
        %run_scoped3A = tpu.sem_alloc : memref<!tpu.dma_semaphore, #tpu.memory_space<semaphore_mem>>
        %dma_start3A_89 = arith.constant 128 : i32
        %dma_start3A_90 = arith.constant 0 : i32
        %dma_start3A_91 = tpu.memref_slice %arg9[%dma_start3A_89, %dma_start3A_90] : memref<256x128xf32, #tpu.memory_space<vmem>> -> memref<128x128xf32, #tpu.memory_space<vmem>>
        %dma_start3A_92 = arith.constant 0 : i32
        %dma_start3A_93 = tpu.memref_slice %arg8[%add3A_88, %dma_start3A_92] : memref<40x128xi32, #tpu.memory_space<vmem>> -> memref<1x128xi32, #tpu.memory_space<vmem>>
        %dma_start3A_94 = tpu.memref_squeeze %dma_start3A_93 : memref<1x128xi32, #tpu.memory_space<vmem>> -> memref<128xi32, #tpu.memory_space<vmem>>
        %dma_start3A_95 = arith.constant 0 : i32
        %dma_start3A_96 = arith.constant 0 : i32
        %dma_start3A_97 = tpu.memref_slice %arg10[%dma_start3A_95, %dma_start3A_96] : memref<10240x128xf32, #tpu.memory_space<vmem_shared>> -> memref<10240x128xf32, #tpu.memory_space<vmem_shared>>
        tpu.enqueue_indirect_dma source(%dma_start3A_91 : memref<128x128xf32, #tpu.memory_space<vmem>>) target(%dma_start3A_97 : memref<10240x128xf32, #tpu.memory_space<vmem_shared>>) offsets(%dma_start3A_94 : memref<128xi32, #tpu.memory_space<vmem>>) semaphore(%run_scoped3A : memref<!tpu.dma_semaphore, #tpu.memory_space<semaphore_mem>>) {add = true}
        %dma_wait3A_98 = arith.constant 128 : i32
        %dma_wait3A_99 = arith.constant 0 : i32
        %dma_wait3A_100 = tpu.memref_slice %arg9[%dma_wait3A_98, %dma_wait3A_99] : memref<256x128xf32, #tpu.memory_space<vmem>> -> memref<128x128xf32, #tpu.memory_space<vmem>>
        %dma_wait3A_101 = arith.constant 0 : i32
        %dma_wait3A_102 = tpu.memref_slice %arg8[%add3A_88, %dma_wait3A_101] : memref<40x128xi32, #tpu.memory_space<vmem>> -> memref<1x128xi32, #tpu.memory_space<vmem>>
        %dma_wait3A_103 = tpu.memref_squeeze %dma_wait3A_102 : memref<1x128xi32, #tpu.memory_space<vmem>> -> memref<128xi32, #tpu.memory_space<vmem>>
        %dma_wait3A_104 = arith.constant 0 : i32
        %dma_wait3A_105 = arith.constant 0 : i32
        %dma_wait3A_106 = tpu.memref_slice %arg10[%dma_wait3A_104, %dma_wait3A_105] : memref<10240x128xf32, #tpu.memory_space<vmem_shared>> -> memref<10240x128xf32, #tpu.memory_space<vmem_shared>>
        tpu.wait_indirect_dma semaphore(%run_scoped3A : memref<!tpu.dma_semaphore, #tpu.memory_space<semaphore_mem>>) src(%dma_wait3A_100 : memref<128x128xf32, #tpu.memory_space<vmem>>) dst(%dma_wait3A_106 : memref<10240x128xf32, #tpu.memory_space<vmem_shared>>)
        tpu.yield
      }) : () -> ()
    }
    %scan3A_18 = arith.constant 20 : i32
    "tpu.region"() ({
      %run_scoped3A = tpu.sem_alloc : memref<!tpu.dma_semaphore, #tpu.memory_space<semaphore_mem>>
      %dma_start3A_40 = arith.constant 0 : i32
      %dma_start3A_41 = arith.constant 0 : i32
      %dma_start3A_42 = tpu.memref_slice %arg3[%add3A, %dma_start3A_40, %dma_start3A_41] : memref<32x80x128xi32, #tpu.memory_space<hbm>> -> memref<1x80x128xi32, #tpu.memory_space<hbm>>
      %dma_start3A_43 = tpu.memref_squeeze %dma_start3A_42 : memref<1x80x128xi32, #tpu.memory_space<hbm>> -> memref<80x128xi32, #tpu.memory_space<hbm>>
      %dma_start3A_44 = arith.constant 40 : i32
      %dma_start3A_45 = arith.constant 0 : i32
      %dma_start3A_46 = tpu.memref_slice %dma_start3A_43[%dma_start3A_44, %dma_start3A_45] : memref<80x128xi32, #tpu.memory_space<hbm>> -> memref<40x128xi32, #tpu.memory_space<hbm>>
      %dma_start3A_47 = arith.constant 0 : i32
      %dma_start3A_48 = arith.constant 0 : i32
      %dma_start3A_49 = tpu.memref_slice %arg3[%add3A, %dma_start3A_47, %dma_start3A_48] : memref<32x80x128xi32, #tpu.memory_space<hbm>> -> memref<1x80x128xi32, #tpu.memory_space<hbm>>
      %dma_start3A_50 = tpu.memref_squeeze %dma_start3A_49 : memref<1x80x128xi32, #tpu.memory_space<hbm>> -> memref<80x128xi32, #tpu.memory_space<hbm>>
      %dma_start3A_51 = arith.constant 40 : i32
      %dma_start3A_52 = arith.constant 0 : i32
      %dma_start3A_53 = tpu.memref_slice %dma_start3A_50[%dma_start3A_51, %dma_start3A_52] : memref<80x128xi32, #tpu.memory_space<hbm>> -> memref<40x128xi32, #tpu.memory_space<hbm>>
      tpu.enqueue_dma source(%dma_start3A_53 : memref<40x128xi32, #tpu.memory_space<hbm>>) target(%arg7 : memref<40x128xi32, #tpu.memory_space<vmem>>) target_semaphore(%run_scoped3A : memref<!tpu.dma_semaphore, #tpu.memory_space<semaphore_mem>>)
      %dma_wait3A = arith.constant 0 : i32
      %dma_wait3A_54 = arith.constant 0 : i32
      %dma_wait3A_55 = tpu.memref_slice %arg3[%add3A, %dma_wait3A, %dma_wait3A_54] : memref<32x80x128xi32, #tpu.memory_space<hbm>> -> memref<1x80x128xi32, #tpu.memory_space<hbm>>
      %dma_wait3A_56 = tpu.memref_squeeze %dma_wait3A_55 : memref<1x80x128xi32, #tpu.memory_space<hbm>> -> memref<80x128xi32, #tpu.memory_space<hbm>>
      %dma_wait3A_57 = arith.constant 40 : i32
      %dma_wait3A_58 = arith.constant 0 : i32
      %dma_wait3A_59 = tpu.memref_slice %dma_wait3A_56[%dma_wait3A_57, %dma_wait3A_58] : memref<80x128xi32, #tpu.memory_space<hbm>> -> memref<40x128xi32, #tpu.memory_space<hbm>>
      %dma_wait3A_60 = arith.constant 0 : i32
      %dma_wait3A_61 = arith.constant 0 : i32
      %dma_wait3A_62 = tpu.memref_slice %arg3[%add3A, %dma_wait3A_60, %dma_wait3A_61] : memref<32x80x128xi32, #tpu.memory_space<hbm>> -> memref<1x80x128xi32, #tpu.memory_space<hbm>>
      %dma_wait3A_63 = tpu.memref_squeeze %dma_wait3A_62 : memref<1x80x128xi32, #tpu.memory_space<hbm>> -> memref<80x128xi32, #tpu.memory_space<hbm>>
      %dma_wait3A_64 = arith.constant 40 : i32
      %dma_wait3A_65 = arith.constant 0 : i32
      %dma_wait3A_66 = tpu.memref_slice %dma_wait3A_63[%dma_wait3A_64, %dma_wait3A_65] : memref<80x128xi32, #tpu.memory_space<hbm>> -> memref<40x128xi32, #tpu.memory_space<hbm>>
      tpu.wait_dma2 semaphore(%run_scoped3A : memref<!tpu.dma_semaphore, #tpu.memory_space<semaphore_mem>>) src(%dma_wait3A_66 : memref<40x128xi32, #tpu.memory_space<hbm>>) dst(%arg7 : memref<40x128xi32, #tpu.memory_space<vmem>>)
      tpu.yield
    }) : () -> ()
    "tpu.region"() ({
      %run_scoped3A = tpu.sem_alloc : memref<!tpu.dma_semaphore, #tpu.memory_space<semaphore_mem>>
      %dma_start3A_40 = arith.constant 0 : i32
      %dma_start3A_41 = arith.constant 0 : i32
      %dma_start3A_42 = tpu.memref_slice %arg4[%add3A, %dma_start3A_40, %dma_start3A_41] : memref<32x80x128xi32, #tpu.memory_space<hbm>> -> memref<1x80x128xi32, #tpu.memory_space<hbm>>
      %dma_start3A_43 = tpu.memref_squeeze %dma_start3A_42 : memref<1x80x128xi32, #tpu.memory_space<hbm>> -> memref<80x128xi32, #tpu.memory_space<hbm>>
      %dma_start3A_44 = arith.constant 40 : i32
      %dma_start3A_45 = arith.constant 0 : i32
      %dma_start3A_46 = tpu.memref_slice %dma_start3A_43[%dma_start3A_44, %dma_start3A_45] : memref<80x128xi32, #tpu.memory_space<hbm>> -> memref<40x128xi32, #tpu.memory_space<hbm>>
      %dma_start3A_47 = arith.constant 0 : i32
      %dma_start3A_48 = arith.constant 0 : i32
      %dma_start3A_49 = tpu.memref_slice %arg4[%add3A, %dma_start3A_47, %dma_start3A_48] : memref<32x80x128xi32, #tpu.memory_space<hbm>> -> memref<1x80x128xi32, #tpu.memory_space<hbm>>
      %dma_start3A_50 = tpu.memref_squeeze %dma_start3A_49 : memref<1x80x128xi32, #tpu.memory_space<hbm>> -> memref<80x128xi32, #tpu.memory_space<hbm>>
      %dma_start3A_51 = arith.constant 40 : i32
      %dma_start3A_52 = arith.constant 0 : i32
      %dma_start3A_53 = tpu.memref_slice %dma_start3A_50[%dma_start3A_51, %dma_start3A_52] : memref<80x128xi32, #tpu.memory_space<hbm>> -> memref<40x128xi32, #tpu.memory_space<hbm>>
      tpu.enqueue_dma source(%dma_start3A_53 : memref<40x128xi32, #tpu.memory_space<hbm>>) target(%arg8 : memref<40x128xi32, #tpu.memory_space<vmem>>) target_semaphore(%run_scoped3A : memref<!tpu.dma_semaphore, #tpu.memory_space<semaphore_mem>>)
      %dma_wait3A = arith.constant 0 : i32
      %dma_wait3A_54 = arith.constant 0 : i32
      %dma_wait3A_55 = tpu.memref_slice %arg4[%add3A, %dma_wait3A, %dma_wait3A_54] : memref<32x80x128xi32, #tpu.memory_space<hbm>> -> memref<1x80x128xi32, #tpu.memory_space<hbm>>
      %dma_wait3A_56 = tpu.memref_squeeze %dma_wait3A_55 : memref<1x80x128xi32, #tpu.memory_space<hbm>> -> memref<80x128xi32, #tpu.memory_space<hbm>>
      %dma_wait3A_57 = arith.constant 40 : i32
      %dma_wait3A_58 = arith.constant 0 : i32
      %dma_wait3A_59 = tpu.memref_slice %dma_wait3A_56[%dma_wait3A_57, %dma_wait3A_58] : memref<80x128xi32, #tpu.memory_space<hbm>> -> memref<40x128xi32, #tpu.memory_space<hbm>>
      %dma_wait3A_60 = arith.constant 0 : i32
      %dma_wait3A_61 = arith.constant 0 : i32
      %dma_wait3A_62 = tpu.memref_slice %arg4[%add3A, %dma_wait3A_60, %dma_wait3A_61] : memref<32x80x128xi32, #tpu.memory_space<hbm>> -> memref<1x80x128xi32, #tpu.memory_space<hbm>>
      %dma_wait3A_63 = tpu.memref_squeeze %dma_wait3A_62 : memref<1x80x128xi32, #tpu.memory_space<hbm>> -> memref<80x128xi32, #tpu.memory_space<hbm>>
      %dma_wait3A_64 = arith.constant 40 : i32
      %dma_wait3A_65 = arith.constant 0 : i32
      %dma_wait3A_66 = tpu.memref_slice %dma_wait3A_63[%dma_wait3A_64, %dma_wait3A_65] : memref<80x128xi32, #tpu.memory_space<hbm>> -> memref<40x128xi32, #tpu.memory_space<hbm>>
      tpu.wait_dma2 semaphore(%run_scoped3A : memref<!tpu.dma_semaphore, #tpu.memory_space<semaphore_mem>>) src(%dma_wait3A_66 : memref<40x128xi32, #tpu.memory_space<hbm>>) dst(%arg8 : memref<40x128xi32, #tpu.memory_space<vmem>>)
      tpu.yield
    }) : () -> ()
    %dma_start3A_19 = arith.constant 0 : i32
    %dma_start3A_20 = arith.constant 0 : i32
    %dma_start3A_21 = arith.constant 0 : i32
    %dma_start3A_22 = tpu.memref_slice %arg9[%dma_start3A_20, %dma_start3A_21] : memref<256x128xf32, #tpu.memory_space<vmem>> -> memref<128x128xf32, #tpu.memory_space<vmem>>
    %dma_start3A_23 = arith.constant 0 : i32
    %dma_start3A_24 = tpu.memref_slice %arg7[%dma_start3A_19, %dma_start3A_23] : memref<40x128xi32, #tpu.memory_space<vmem>> -> memref<1x128xi32, #tpu.memory_space<vmem>>
    %dma_start3A_25 = tpu.memref_squeeze %dma_start3A_24 : memref<1x128xi32, #tpu.memory_space<vmem>> -> memref<128xi32, #tpu.memory_space<vmem>>
    %dma_start3A_26 = arith.constant 0 : i32
    %dma_start3A_27 = arith.constant 0 : i32
    %dma_start3A_28 = tpu.memref_slice %arg2[%dma_start3A_26, %dma_start3A_27] : memref<10240x128xf32, #tpu.memory_space<hbm>> -> memref<10240x128xf32, #tpu.memory_space<hbm>>
    tpu.enqueue_indirect_dma source(%dma_start3A_28 : memref<10240x128xf32, #tpu.memory_space<hbm>>) target(%dma_start3A_22 : memref<128x128xf32, #tpu.memory_space<vmem>>) offsets(%dma_start3A_25 : memref<128xi32, #tpu.memory_space<vmem>>) semaphore(%arg11 : memref<!tpu.dma_semaphore, #tpu.memory_space<semaphore_mem>>)
    %scan3A_29 = arith.constant 0 : i32
    %scan3A_30 = arith.constant 0 : i32
    %scan3A_31 = arith.constant 20 : i32
    %scan3A_32 = arith.addi %scan3A_30, %scan3A_31 : i32
    %scan3A_33 = arith.constant 1 : i32
    scf.for %scan3A_40 = %scan3A_30 to %scan3A_32 step %scan3A_33  : i32 {
      %mul3A_41 = arith.constant 2 : i32
      %mul3A_42 = arith.muli %mul3A_41, %scan3A_40 : i32
      %dma_wait3A = arith.constant 0 : i32
      %dma_wait3A_43 = arith.constant 0 : i32
      %dma_wait3A_44 = tpu.memref_slice %arg9[%dma_wait3A, %dma_wait3A_43] : memref<256x128xf32, #tpu.memory_space<vmem>> -> memref<128x128xf32, #tpu.memory_space<vmem>>
      %dma_wait3A_45 = arith.constant 0 : i32
      %dma_wait3A_46 = tpu.memref_slice %arg7[%mul3A_42, %dma_wait3A_45] : memref<40x128xi32, #tpu.memory_space<vmem>> -> memref<1x128xi32, #tpu.memory_space<vmem>>
      %dma_wait3A_47 = tpu.memref_squeeze %dma_wait3A_46 : memref<1x128xi32, #tpu.memory_space<vmem>> -> memref<128xi32, #tpu.memory_space<vmem>>
      %dma_wait3A_48 = arith.constant 0 : i32
      %dma_wait3A_49 = arith.constant 0 : i32
      %dma_wait3A_50 = tpu.memref_slice %arg2[%dma_wait3A_48, %dma_wait3A_49] : memref<10240x128xf32, #tpu.memory_space<hbm>> -> memref<10240x128xf32, #tpu.memory_space<hbm>>
      tpu.wait_indirect_dma semaphore(%arg11 : memref<!tpu.dma_semaphore, #tpu.memory_space<semaphore_mem>>) src(%dma_wait3A_50 : memref<10240x128xf32, #tpu.memory_space<hbm>>) dst(%dma_wait3A_44 : memref<128x128xf32, #tpu.memory_space<vmem>>)
      %mul3A_51 = arith.constant 2 : i32
      %mul3A_52 = arith.muli %mul3A_51, %scan3A_40 : i32
      %add3A_53 = arith.constant 1 : i32
      %add3A_54 = arith.addi %mul3A_52, %add3A_53 : i32
      %dma_start3A_55 = arith.constant 128 : i32
      %dma_start3A_56 = arith.constant 0 : i32
      %dma_start3A_57 = tpu.memref_slice %arg9[%dma_start3A_55, %dma_start3A_56] : memref<256x128xf32, #tpu.memory_space<vmem>> -> memref<128x128xf32, #tpu.memory_space<vmem>>
      %dma_start3A_58 = arith.constant 0 : i32
      %dma_start3A_59 = tpu.memref_slice %arg7[%add3A_54, %dma_start3A_58] : memref<40x128xi32, #tpu.memory_space<vmem>> -> memref<1x128xi32, #tpu.memory_space<vmem>>
      %dma_start3A_60 = tpu.memref_squeeze %dma_start3A_59 : memref<1x128xi32, #tpu.memory_space<vmem>> -> memref<128xi32, #tpu.memory_space<vmem>>
      %dma_start3A_61 = arith.constant 0 : i32
      %dma_start3A_62 = arith.constant 0 : i32
      %dma_start3A_63 = tpu.memref_slice %arg2[%dma_start3A_61, %dma_start3A_62] : memref<10240x128xf32, #tpu.memory_space<hbm>> -> memref<10240x128xf32, #tpu.memory_space<hbm>>
      tpu.enqueue_indirect_dma source(%dma_start3A_63 : memref<10240x128xf32, #tpu.memory_space<hbm>>) target(%dma_start3A_57 : memref<128x128xf32, #tpu.memory_space<vmem>>) offsets(%dma_start3A_60 : memref<128xi32, #tpu.memory_space<vmem>>) semaphore(%arg12 : memref<!tpu.dma_semaphore, #tpu.memory_space<semaphore_mem>>)
      %mul3A_64 = arith.constant 2 : i32
      %mul3A_65 = arith.muli %mul3A_64, %scan3A_40 : i32
      "tpu.region"() ({
        %run_scoped3A = tpu.sem_alloc : memref<!tpu.dma_semaphore, #tpu.memory_space<semaphore_mem>>
        %dma_start3A_89 = arith.constant 0 : i32
        %dma_start3A_90 = arith.constant 0 : i32
        %dma_start3A_91 = tpu.memref_slice %arg9[%dma_start3A_89, %dma_start3A_90] : memref<256x128xf32, #tpu.memory_space<vmem>> -> memref<128x128xf32, #tpu.memory_space<vmem>>
        %dma_start3A_92 = arith.constant 0 : i32
        %dma_start3A_93 = tpu.memref_slice %arg8[%mul3A_65, %dma_start3A_92] : memref<40x128xi32, #tpu.memory_space<vmem>> -> memref<1x128xi32, #tpu.memory_space<vmem>>
        %dma_start3A_94 = tpu.memref_squeeze %dma_start3A_93 : memref<1x128xi32, #tpu.memory_space<vmem>> -> memref<128xi32, #tpu.memory_space<vmem>>
        %dma_start3A_95 = arith.constant 0 : i32
        %dma_start3A_96 = arith.constant 0 : i32
        %dma_start3A_97 = tpu.memref_slice %arg10[%dma_start3A_95, %dma_start3A_96] : memref<10240x128xf32, #tpu.memory_space<vmem_shared>> -> memref<10240x128xf32, #tpu.memory_space<vmem_shared>>
        tpu.enqueue_indirect_dma source(%dma_start3A_91 : memref<128x128xf32, #tpu.memory_space<vmem>>) target(%dma_start3A_97 : memref<10240x128xf32, #tpu.memory_space<vmem_shared>>) offsets(%dma_start3A_94 : memref<128xi32, #tpu.memory_space<vmem>>) semaphore(%run_scoped3A : memref<!tpu.dma_semaphore, #tpu.memory_space<semaphore_mem>>) {add = true}
        %dma_wait3A_98 = arith.constant 0 : i32
        %dma_wait3A_99 = arith.constant 0 : i32
        %dma_wait3A_100 = tpu.memref_slice %arg9[%dma_wait3A_98, %dma_wait3A_99] : memref<256x128xf32, #tpu.memory_space<vmem>> -> memref<128x128xf32, #tpu.memory_space<vmem>>
        %dma_wait3A_101 = arith.constant 0 : i32
        %dma_wait3A_102 = tpu.memref_slice %arg8[%mul3A_65, %dma_wait3A_101] : memref<40x128xi32, #tpu.memory_space<vmem>> -> memref<1x128xi32, #tpu.memory_space<vmem>>
        %dma_wait3A_103 = tpu.memref_squeeze %dma_wait3A_102 : memref<1x128xi32, #tpu.memory_space<vmem>> -> memref<128xi32, #tpu.memory_space<vmem>>
        %dma_wait3A_104 = arith.constant 0 : i32
        %dma_wait3A_105 = arith.constant 0 : i32
        %dma_wait3A_106 = tpu.memref_slice %arg10[%dma_wait3A_104, %dma_wait3A_105] : memref<10240x128xf32, #tpu.memory_space<vmem_shared>> -> memref<10240x128xf32, #tpu.memory_space<vmem_shared>>
        tpu.wait_indirect_dma semaphore(%run_scoped3A : memref<!tpu.dma_semaphore, #tpu.memory_space<semaphore_mem>>) src(%dma_wait3A_100 : memref<128x128xf32, #tpu.memory_space<vmem>>) dst(%dma_wait3A_106 : memref<10240x128xf32, #tpu.memory_space<vmem_shared>>)
        tpu.yield
      }) : () -> ()
      %mul3A_66 = arith.constant 2 : i32
      %mul3A_67 = arith.muli %mul3A_66, %scan3A_40 : i32
      %add3A_68 = arith.constant 1 : i32
      %add3A_69 = arith.addi %mul3A_67, %add3A_68 : i32
      %dma_wait3A_70 = arith.constant 128 : i32
      %dma_wait3A_71 = arith.constant 0 : i32
      %dma_wait3A_72 = tpu.memref_slice %arg9[%dma_wait3A_70, %dma_wait3A_71] : memref<256x128xf32, #tpu.memory_space<vmem>> -> memref<128x128xf32, #tpu.memory_space<vmem>>
      %dma_wait3A_73 = arith.constant 0 : i32
      %dma_wait3A_74 = tpu.memref_slice %arg7[%add3A_69, %dma_wait3A_73] : memref<40x128xi32, #tpu.memory_space<vmem>> -> memref<1x128xi32, #tpu.memory_space<vmem>>
      %dma_wait3A_75 = tpu.memref_squeeze %dma_wait3A_74 : memref<1x128xi32, #tpu.memory_space<vmem>> -> memref<128xi32, #tpu.memory_space<vmem>>
      %dma_wait3A_76 = arith.constant 0 : i32
      %dma_wait3A_77 = arith.constant 0 : i32
      %dma_wait3A_78 = tpu.memref_slice %arg2[%dma_wait3A_76, %dma_wait3A_77] : memref<10240x128xf32, #tpu.memory_space<hbm>> -> memref<10240x128xf32, #tpu.memory_space<hbm>>
      tpu.wait_indirect_dma semaphore(%arg12 : memref<!tpu.dma_semaphore, #tpu.memory_space<semaphore_mem>>) src(%dma_wait3A_78 : memref<10240x128xf32, #tpu.memory_space<hbm>>) dst(%dma_wait3A_72 : memref<128x128xf32, #tpu.memory_space<vmem>>)
      %mul3A_79 = arith.constant 2 : i32
      %mul3A_80 = arith.muli %mul3A_79, %scan3A_40 : i32
      %add3A_81 = arith.constant 2 : i32
      %add3A_82 = arith.addi %mul3A_80, %add3A_81 : i32
      %lt3A = arith.constant 40 : i32
      %lt3A_83 = arith.cmpi slt, %add3A_82, %lt3A : i32
      %convert_element_type3A = arith.extui %lt3A_83 : i1 to i32
      %cond3A = arith.constant 0 : i32
      %cond3A_84 = arith.cmpi ne, %convert_element_type3A, %cond3A : i32
      scf.if %cond3A_84 {
        %mul3A_89 = arith.constant 2 : i32
        %mul3A_90 = arith.muli %mul3A_89, %scan3A_40 : i32
        %add3A_91 = arith.constant 2 : i32
        %add3A_92 = arith.addi %mul3A_90, %add3A_91 : i32
        %dma_start3A_93 = arith.constant 0 : i32
        %dma_start3A_94 = arith.constant 0 : i32
        %dma_start3A_95 = tpu.memref_slice %arg9[%dma_start3A_93, %dma_start3A_94] : memref<256x128xf32, #tpu.memory_space<vmem>> -> memref<128x128xf32, #tpu.memory_space<vmem>>
        %dma_start3A_96 = arith.constant 0 : i32
        %dma_start3A_97 = tpu.memref_slice %arg7[%add3A_92, %dma_start3A_96] : memref<40x128xi32, #tpu.memory_space<vmem>> -> memref<1x128xi32, #tpu.memory_space<vmem>>
        %dma_start3A_98 = tpu.memref_squeeze %dma_start3A_97 : memref<1x128xi32, #tpu.memory_space<vmem>> -> memref<128xi32, #tpu.memory_space<vmem>>
        %dma_start3A_99 = arith.constant 0 : i32
        %dma_start3A_100 = arith.constant 0 : i32
        %dma_start3A_101 = tpu.memref_slice %arg2[%dma_start3A_99, %dma_start3A_100] : memref<10240x128xf32, #tpu.memory_space<hbm>> -> memref<10240x128xf32, #tpu.memory_space<hbm>>
        tpu.enqueue_indirect_dma source(%dma_start3A_101 : memref<10240x128xf32, #tpu.memory_space<hbm>>) target(%dma_start3A_95 : memref<128x128xf32, #tpu.memory_space<vmem>>) offsets(%dma_start3A_98 : memref<128xi32, #tpu.memory_space<vmem>>) semaphore(%arg11 : memref<!tpu.dma_semaphore, #tpu.memory_space<semaphore_mem>>)
      } else {
      }
      %mul3A_85 = arith.constant 2 : i32
      %mul3A_86 = arith.muli %mul3A_85, %scan3A_40 : i32
      %add3A_87 = arith.constant 1 : i32
      %add3A_88 = arith.addi %mul3A_86, %add3A_87 : i32
      "tpu.region"() ({
        %run_scoped3A = tpu.sem_alloc : memref<!tpu.dma_semaphore, #tpu.memory_space<semaphore_mem>>
        %dma_start3A_89 = arith.constant 128 : i32
        %dma_start3A_90 = arith.constant 0 : i32
        %dma_start3A_91 = tpu.memref_slice %arg9[%dma_start3A_89, %dma_start3A_90] : memref<256x128xf32, #tpu.memory_space<vmem>> -> memref<128x128xf32, #tpu.memory_space<vmem>>
        %dma_start3A_92 = arith.constant 0 : i32
        %dma_start3A_93 = tpu.memref_slice %arg8[%add3A_88, %dma_start3A_92] : memref<40x128xi32, #tpu.memory_space<vmem>> -> memref<1x128xi32, #tpu.memory_space<vmem>>
        %dma_start3A_94 = tpu.memref_squeeze %dma_start3A_93 : memref<1x128xi32, #tpu.memory_space<vmem>> -> memref<128xi32, #tpu.memory_space<vmem>>
        %dma_start3A_95 = arith.constant 0 : i32
        %dma_start3A_96 = arith.constant 0 : i32
        %dma_start3A_97 = tpu.memref_slice %arg10[%dma_start3A_95, %dma_start3A_96] : memref<10240x128xf32, #tpu.memory_space<vmem_shared>> -> memref<10240x128xf32, #tpu.memory_space<vmem_shared>>
        tpu.enqueue_indirect_dma source(%dma_start3A_91 : memref<128x128xf32, #tpu.memory_space<vmem>>) target(%dma_start3A_97 : memref<10240x128xf32, #tpu.memory_space<vmem_shared>>) offsets(%dma_start3A_94 : memref<128xi32, #tpu.memory_space<vmem>>) semaphore(%run_scoped3A : memref<!tpu.dma_semaphore, #tpu.memory_space<semaphore_mem>>) {add = true}
        %dma_wait3A_98 = arith.constant 128 : i32
        %dma_wait3A_99 = arith.constant 0 : i32
        %dma_wait3A_100 = tpu.memref_slice %arg9[%dma_wait3A_98, %dma_wait3A_99] : memref<256x128xf32, #tpu.memory_space<vmem>> -> memref<128x128xf32, #tpu.memory_space<vmem>>
        %dma_wait3A_101 = arith.constant 0 : i32
        %dma_wait3A_102 = tpu.memref_slice %arg8[%add3A_88, %dma_wait3A_101] : memref<40x128xi32, #tpu.memory_space<vmem>> -> memref<1x128xi32, #tpu.memory_space<vmem>>
        %dma_wait3A_103 = tpu.memref_squeeze %dma_wait3A_102 : memref<1x128xi32, #tpu.memory_space<vmem>> -> memref<128xi32, #tpu.memory_space<vmem>>
        %dma_wait3A_104 = arith.constant 0 : i32
        %dma_wait3A_105 = arith.constant 0 : i32
        %dma_wait3A_106 = tpu.memref_slice %arg10[%dma_wait3A_104, %dma_wait3A_105] : memref<10240x128xf32, #tpu.memory_space<vmem_shared>> -> memref<10240x128xf32, #tpu.memory_space<vmem_shared>>
        tpu.wait_indirect_dma semaphore(%run_scoped3A : memref<!tpu.dma_semaphore, #tpu.memory_space<semaphore_mem>>) src(%dma_wait3A_100 : memref<128x128xf32, #tpu.memory_space<vmem>>) dst(%dma_wait3A_106 : memref<10240x128xf32, #tpu.memory_space<vmem_shared>>)
        tpu.yield
      }) : () -> ()
    }
    %scan3A_34 = arith.constant 20 : i32
    %barrier3A_35 = arith.constant 0 : index
    tpu.barrier barrier_id(%barrier3A_35)
    %mul3A_36 = arith.constant 640 : i32
    %mul3A_37 = arith.muli %arg1, %mul3A_36 : i32
    %mul3A_38 = arith.constant 640 : i32
    %mul3A_39 = arith.muli %arg1, %mul3A_38 : i32
    "tpu.region"() ({
      %run_scoped3A = tpu.sem_alloc : memref<!tpu.dma_semaphore, #tpu.memory_space<semaphore_mem>>
      %dma_start3A_40 = arith.constant 0 : i32
      %dma_start3A_41 = arith.constant 0 : i32
      %dma_start3A_42 = tpu.memref_slice %arg6[%arg0, %dma_start3A_40, %dma_start3A_41] : memref<2x10240x128xf32, #tpu.memory_space<hbm>> -> memref<1x10240x128xf32, #tpu.memory_space<hbm>>
      %dma_start3A_43 = tpu.memref_squeeze %dma_start3A_42 : memref<1x10240x128xf32, #tpu.memory_space<hbm>> -> memref<10240x128xf32, #tpu.memory_space<hbm>>
      %dma_start3A_44 = arith.constant 0 : i32
      %dma_start3A_45 = tpu.memref_slice %dma_start3A_43[%mul3A_39, %dma_start3A_44] : memref<10240x128xf32, #tpu.memory_space<hbm>> -> memref<640x128xf32, #tpu.memory_space<hbm>>
      %dma_start3A_46 = arith.constant 0 : i32
      %dma_start3A_47 = tpu.memref_slice %arg10[%mul3A_37, %dma_start3A_46] : memref<10240x128xf32, #tpu.memory_space<vmem_shared>> -> memref<640x128xf32, #tpu.memory_space<vmem_shared>>
      tpu.enqueue_dma source(%dma_start3A_47 : memref<640x128xf32, #tpu.memory_space<vmem_shared>>) target(%dma_start3A_45 : memref<640x128xf32, #tpu.memory_space<hbm>>) target_semaphore(%run_scoped3A : memref<!tpu.dma_semaphore, #tpu.memory_space<semaphore_mem>>)
      %dma_wait3A = arith.constant 0 : i32
      %dma_wait3A_48 = arith.constant 0 : i32
      %dma_wait3A_49 = tpu.memref_slice %arg6[%arg0, %dma_wait3A, %dma_wait3A_48] : memref<2x10240x128xf32, #tpu.memory_space<hbm>> -> memref<1x10240x128xf32, #tpu.memory_space<hbm>>
      %dma_wait3A_50 = tpu.memref_squeeze %dma_wait3A_49 : memref<1x10240x128xf32, #tpu.memory_space<hbm>> -> memref<10240x128xf32, #tpu.memory_space<hbm>>
      %dma_wait3A_51 = arith.constant 0 : i32
      %dma_wait3A_52 = tpu.memref_slice %dma_wait3A_50[%mul3A_39, %dma_wait3A_51] : memref<10240x128xf32, #tpu.memory_space<hbm>> -> memref<640x128xf32, #tpu.memory_space<hbm>>
      %dma_wait3A_53 = arith.constant 0 : i32
      %dma_wait3A_54 = tpu.memref_slice %arg10[%mul3A_37, %dma_wait3A_53] : memref<10240x128xf32, #tpu.memory_space<vmem_shared>> -> memref<640x128xf32, #tpu.memory_space<vmem_shared>>
      tpu.wait_dma2 semaphore(%run_scoped3A : memref<!tpu.dma_semaphore, #tpu.memory_space<semaphore_mem>>) src(%dma_wait3A_54 : memref<640x128xf32, #tpu.memory_space<vmem_shared>>) dst(%dma_wait3A_52 : memref<640x128xf32, #tpu.memory_space<hbm>>)
      tpu.yield
    }) : () -> ()
    return
  }
}

#map = affine_map<(d0, d1) -> (0, 0, 0)>
#map1 = affine_map<(d0, d1) -> (0)>
#map2 = affine_map<(d0, d1) -> (0, 0)>
module attributes {stable_mosaic.version = 14 : i64} {
  func.func @_deg_body(%arg0: i32, %arg1: i32, %arg2: memref<32x80x128xi32, #tpu.memory_space<hbm>>, %arg3: memref<32x80x128xi32, #tpu.memory_space<hbm>>, %arg4: memref<80xi32, #tpu.memory_space<hbm>>, %arg5: memref<80x128xf32, #tpu.memory_space<hbm>>, %arg6: memref<2x80x128xf32, #tpu.memory_space<hbm>>, %arg7: memref<2x80x128xf32, #tpu.memory_space<hbm>>, %arg8: memref<80x128xi32, #tpu.memory_space<vmem>>, %arg9: memref<80x128xi32, #tpu.memory_space<vmem>>, %arg10: memref<80xi32, #tpu.memory_space<vmem>>, %arg11: memref<80x128xf32, #tpu.memory_space<vmem>>, %arg12: memref<80x128xf32, #tpu.memory_space<vmem>>, %arg13: memref<80x128xf32, #tpu.memory_space<vmem_shared>>, %arg14: memref<80x128xf32, #tpu.memory_space<vmem_shared>>) attributes {dimension_semantics = [#tpu.dimension_semantics<core_parallel>, #tpu.dimension_semantics<subcore_parallel>], iteration_bounds = array<i64: 2, 16>, scalar_prefetch = 0 : i64, scratch_operands = 7 : i64, tpu.core_type = #tpu.core_type<sc_vector_subcore>, window_params = [{transform_indices = #map}, {transform_indices = #map}, {transform_indices = #map1}, {transform_indices = #map2}, {transform_indices = #map}, {transform_indices = #map}]} {
    %mul3A = arith.constant 2 : i32
    %mul3A_0 = arith.muli %arg1, %mul3A : i32
    %add3A = arith.addi %mul3A_0, %arg0 : i32
    "tpu.region"() ({
      %run_scoped3A = tpu.sem_alloc : memref<!tpu.dma_semaphore, #tpu.memory_space<semaphore_mem>>
      %dma_start3A = arith.constant 0 : i32
      %dma_start3A_28 = arith.constant 0 : i32
      %dma_start3A_29 = tpu.memref_slice %arg2[%add3A, %dma_start3A, %dma_start3A_28] : memref<32x80x128xi32, #tpu.memory_space<hbm>> -> memref<1x80x128xi32, #tpu.memory_space<hbm>>
      %dma_start3A_30 = tpu.memref_squeeze %dma_start3A_29 : memref<1x80x128xi32, #tpu.memory_space<hbm>> -> memref<80x128xi32, #tpu.memory_space<hbm>>
      %dma_start3A_31 = arith.constant 0 : i32
      %dma_start3A_32 = arith.constant 0 : i32
      %dma_start3A_33 = tpu.memref_slice %arg2[%add3A, %dma_start3A_31, %dma_start3A_32] : memref<32x80x128xi32, #tpu.memory_space<hbm>> -> memref<1x80x128xi32, #tpu.memory_space<hbm>>
      %dma_start3A_34 = tpu.memref_squeeze %dma_start3A_33 : memref<1x80x128xi32, #tpu.memory_space<hbm>> -> memref<80x128xi32, #tpu.memory_space<hbm>>
      tpu.enqueue_dma source(%dma_start3A_34 : memref<80x128xi32, #tpu.memory_space<hbm>>) target(%arg8 : memref<80x128xi32, #tpu.memory_space<vmem>>) target_semaphore(%run_scoped3A : memref<!tpu.dma_semaphore, #tpu.memory_space<semaphore_mem>>)
      %dma_wait3A = arith.constant 0 : i32
      %dma_wait3A_35 = arith.constant 0 : i32
      %dma_wait3A_36 = tpu.memref_slice %arg2[%add3A, %dma_wait3A, %dma_wait3A_35] : memref<32x80x128xi32, #tpu.memory_space<hbm>> -> memref<1x80x128xi32, #tpu.memory_space<hbm>>
      %dma_wait3A_37 = tpu.memref_squeeze %dma_wait3A_36 : memref<1x80x128xi32, #tpu.memory_space<hbm>> -> memref<80x128xi32, #tpu.memory_space<hbm>>
      %dma_wait3A_38 = arith.constant 0 : i32
      %dma_wait3A_39 = arith.constant 0 : i32
      %dma_wait3A_40 = tpu.memref_slice %arg2[%add3A, %dma_wait3A_38, %dma_wait3A_39] : memref<32x80x128xi32, #tpu.memory_space<hbm>> -> memref<1x80x128xi32, #tpu.memory_space<hbm>>
      %dma_wait3A_41 = tpu.memref_squeeze %dma_wait3A_40 : memref<1x80x128xi32, #tpu.memory_space<hbm>> -> memref<80x128xi32, #tpu.memory_space<hbm>>
      tpu.wait_dma2 semaphore(%run_scoped3A : memref<!tpu.dma_semaphore, #tpu.memory_space<semaphore_mem>>) src(%dma_wait3A_41 : memref<80x128xi32, #tpu.memory_space<hbm>>) dst(%arg8 : memref<80x128xi32, #tpu.memory_space<vmem>>)
      tpu.yield
    }) : () -> ()
    "tpu.region"() ({
      %run_scoped3A = tpu.sem_alloc : memref<!tpu.dma_semaphore, #tpu.memory_space<semaphore_mem>>
      %dma_start3A = arith.constant 0 : i32
      %dma_start3A_28 = arith.constant 0 : i32
      %dma_start3A_29 = tpu.memref_slice %arg3[%add3A, %dma_start3A, %dma_start3A_28] : memref<32x80x128xi32, #tpu.memory_space<hbm>> -> memref<1x80x128xi32, #tpu.memory_space<hbm>>
      %dma_start3A_30 = tpu.memref_squeeze %dma_start3A_29 : memref<1x80x128xi32, #tpu.memory_space<hbm>> -> memref<80x128xi32, #tpu.memory_space<hbm>>
      %dma_start3A_31 = arith.constant 0 : i32
      %dma_start3A_32 = arith.constant 0 : i32
      %dma_start3A_33 = tpu.memref_slice %arg3[%add3A, %dma_start3A_31, %dma_start3A_32] : memref<32x80x128xi32, #tpu.memory_space<hbm>> -> memref<1x80x128xi32, #tpu.memory_space<hbm>>
      %dma_start3A_34 = tpu.memref_squeeze %dma_start3A_33 : memref<1x80x128xi32, #tpu.memory_space<hbm>> -> memref<80x128xi32, #tpu.memory_space<hbm>>
      tpu.enqueue_dma source(%dma_start3A_34 : memref<80x128xi32, #tpu.memory_space<hbm>>) target(%arg9 : memref<80x128xi32, #tpu.memory_space<vmem>>) target_semaphore(%run_scoped3A : memref<!tpu.dma_semaphore, #tpu.memory_space<semaphore_mem>>)
      %dma_wait3A = arith.constant 0 : i32
      %dma_wait3A_35 = arith.constant 0 : i32
      %dma_wait3A_36 = tpu.memref_slice %arg3[%add3A, %dma_wait3A, %dma_wait3A_35] : memref<32x80x128xi32, #tpu.memory_space<hbm>> -> memref<1x80x128xi32, #tpu.memory_space<hbm>>
      %dma_wait3A_37 = tpu.memref_squeeze %dma_wait3A_36 : memref<1x80x128xi32, #tpu.memory_space<hbm>> -> memref<80x128xi32, #tpu.memory_space<hbm>>
      %dma_wait3A_38 = arith.constant 0 : i32
      %dma_wait3A_39 = arith.constant 0 : i32
      %dma_wait3A_40 = tpu.memref_slice %arg3[%add3A, %dma_wait3A_38, %dma_wait3A_39] : memref<32x80x128xi32, #tpu.memory_space<hbm>> -> memref<1x80x128xi32, #tpu.memory_space<hbm>>
      %dma_wait3A_41 = tpu.memref_squeeze %dma_wait3A_40 : memref<1x80x128xi32, #tpu.memory_space<hbm>> -> memref<80x128xi32, #tpu.memory_space<hbm>>
      tpu.wait_dma2 semaphore(%run_scoped3A : memref<!tpu.dma_semaphore, #tpu.memory_space<semaphore_mem>>) src(%dma_wait3A_41 : memref<80x128xi32, #tpu.memory_space<hbm>>) dst(%arg9 : memref<80x128xi32, #tpu.memory_space<vmem>>)
      tpu.yield
    }) : () -> ()
    "tpu.region"() ({
      %run_scoped3A = tpu.sem_alloc : memref<!tpu.dma_semaphore, #tpu.memory_space<semaphore_mem>>
      tpu.enqueue_dma source(%arg4 : memref<80xi32, #tpu.memory_space<hbm>>) target(%arg10 : memref<80xi32, #tpu.memory_space<vmem>>) target_semaphore(%run_scoped3A : memref<!tpu.dma_semaphore, #tpu.memory_space<semaphore_mem>>)
      tpu.wait_dma2 semaphore(%run_scoped3A : memref<!tpu.dma_semaphore, #tpu.memory_space<semaphore_mem>>) src(%arg4 : memref<80xi32, #tpu.memory_space<hbm>>) dst(%arg10 : memref<80xi32, #tpu.memory_space<vmem>>)
      tpu.yield
    }) : () -> ()
    %eq3A = arith.constant 0 : i32
    %eq3A_1 = arith.cmpi eq, %arg1, %eq3A : i32
    %convert_element_type3A = arith.extui %eq3A_1 : i1 to i32
    %cond3A = arith.constant 0 : i32
    %cond3A_2 = arith.cmpi ne, %convert_element_type3A, %cond3A : i32
    scf.if %cond3A_2 {
      "tpu.region"() ({
        %run_scoped3A = tpu.sem_alloc : memref<!tpu.dma_semaphore, #tpu.memory_space<semaphore_mem>>
        tpu.enqueue_dma source(%arg5 : memref<80x128xf32, #tpu.memory_space<hbm>>) target(%arg13 : memref<80x128xf32, #tpu.memory_space<vmem_shared>>) target_semaphore(%run_scoped3A : memref<!tpu.dma_semaphore, #tpu.memory_space<semaphore_mem>>)
        tpu.wait_dma2 semaphore(%run_scoped3A : memref<!tpu.dma_semaphore, #tpu.memory_space<semaphore_mem>>) src(%arg5 : memref<80x128xf32, #tpu.memory_space<hbm>>) dst(%arg13 : memref<80x128xf32, #tpu.memory_space<vmem_shared>>)
        tpu.yield
      }) : () -> ()
      "tpu.region"() ({
        %run_scoped3A = tpu.sem_alloc : memref<!tpu.dma_semaphore, #tpu.memory_space<semaphore_mem>>
        tpu.enqueue_dma source(%arg5 : memref<80x128xf32, #tpu.memory_space<hbm>>) target(%arg14 : memref<80x128xf32, #tpu.memory_space<vmem_shared>>) target_semaphore(%run_scoped3A : memref<!tpu.dma_semaphore, #tpu.memory_space<semaphore_mem>>)
        tpu.wait_dma2 semaphore(%run_scoped3A : memref<!tpu.dma_semaphore, #tpu.memory_space<semaphore_mem>>) src(%arg5 : memref<80x128xf32, #tpu.memory_space<hbm>>) dst(%arg14 : memref<80x128xf32, #tpu.memory_space<vmem_shared>>)
        tpu.yield
      }) : () -> ()
    } else {
    }
    %broadcast_in_dim3A = arith.constant 0.000000e+00 : f32
    %broadcast_in_dim3A_3 = vector.broadcast %broadcast_in_dim3A : f32 to vector<16xf32>
    %scan3A = arith.constant 0 : i32
    %scan3A_4 = arith.constant 0 : i32
    %scan3A_5 = arith.constant 80 : i32
    %scan3A_6 = arith.addi %scan3A_4, %scan3A_5 : i32
    %scan3A_7 = arith.constant 1 : i32
    scf.for %scan3A_28 = %scan3A_4 to %scan3A_6 step %scan3A_7  : i32 {
      %swap3A = arith.index_cast %scan3A_28 : i32 to index
      %swap3A_29 = arith.constant 0 : index
      %swap3A_30 = tpu.vector_load %arg11[%swap3A, %swap3A_29] {strides = array<i32>} : memref<80x128xf32, #tpu.memory_space<vmem>>, vector<16xf32>,
      tpu.vector_store %arg11[%swap3A, %swap3A_29], %broadcast_in_dim3A_3 {strides = array<i32>} : memref<80x128xf32, #tpu.memory_space<vmem>>, vector<16xf32>,
      %swap3A_31 = arith.index_cast %scan3A_28 : i32 to index
      %swap3A_32 = arith.constant 0 : index
      %swap3A_33 = tpu.vector_load %arg12[%swap3A_31, %swap3A_32] {strides = array<i32>} : memref<80x128xf32, #tpu.memory_space<vmem>>, vector<16xf32>,
      tpu.vector_store %arg12[%swap3A_31, %swap3A_32], %broadcast_in_dim3A_3 {strides = array<i32>} : memref<80x128xf32, #tpu.memory_space<vmem>>, vector<16xf32>,
      %swap3A_34 = arith.index_cast %scan3A_28 : i32 to index
      %swap3A_35 = arith.constant 16 : index
      %swap3A_36 = tpu.vector_load %arg11[%swap3A_34, %swap3A_35] {strides = array<i32>} : memref<80x128xf32, #tpu.memory_space<vmem>>, vector<16xf32>,
      tpu.vector_store %arg11[%swap3A_34, %swap3A_35], %broadcast_in_dim3A_3 {strides = array<i32>} : memref<80x128xf32, #tpu.memory_space<vmem>>, vector<16xf32>,
      %swap3A_37 = arith.index_cast %scan3A_28 : i32 to index
      %swap3A_38 = arith.constant 16 : index
      %swap3A_39 = tpu.vector_load %arg12[%swap3A_37, %swap3A_38] {strides = array<i32>} : memref<80x128xf32, #tpu.memory_space<vmem>>, vector<16xf32>,
      tpu.vector_store %arg12[%swap3A_37, %swap3A_38], %broadcast_in_dim3A_3 {strides = array<i32>} : memref<80x128xf32, #tpu.memory_space<vmem>>, vector<16xf32>,
      %swap3A_40 = arith.index_cast %scan3A_28 : i32 to index
      %swap3A_41 = arith.constant 32 : index
      %swap3A_42 = tpu.vector_load %arg11[%swap3A_40, %swap3A_41] {strides = array<i32>} : memref<80x128xf32, #tpu.memory_space<vmem>>, vector<16xf32>,
      tpu.vector_store %arg11[%swap3A_40, %swap3A_41], %broadcast_in_dim3A_3 {strides = array<i32>} : memref<80x128xf32, #tpu.memory_space<vmem>>, vector<16xf32>,
      %swap3A_43 = arith.index_cast %scan3A_28 : i32 to index
      %swap3A_44 = arith.constant 32 : index
      %swap3A_45 = tpu.vector_load %arg12[%swap3A_43, %swap3A_44] {strides = array<i32>} : memref<80x128xf32, #tpu.memory_space<vmem>>, vector<16xf32>,
      tpu.vector_store %arg12[%swap3A_43, %swap3A_44], %broadcast_in_dim3A_3 {strides = array<i32>} : memref<80x128xf32, #tpu.memory_space<vmem>>, vector<16xf32>,
      %swap3A_46 = arith.index_cast %scan3A_28 : i32 to index
      %swap3A_47 = arith.constant 48 : index
      %swap3A_48 = tpu.vector_load %arg11[%swap3A_46, %swap3A_47] {strides = array<i32>} : memref<80x128xf32, #tpu.memory_space<vmem>>, vector<16xf32>,
      tpu.vector_store %arg11[%swap3A_46, %swap3A_47], %broadcast_in_dim3A_3 {strides = array<i32>} : memref<80x128xf32, #tpu.memory_space<vmem>>, vector<16xf32>,
      %swap3A_49 = arith.index_cast %scan3A_28 : i32 to index
      %swap3A_50 = arith.constant 48 : index
      %swap3A_51 = tpu.vector_load %arg12[%swap3A_49, %swap3A_50] {strides = array<i32>} : memref<80x128xf32, #tpu.memory_space<vmem>>, vector<16xf32>,
      tpu.vector_store %arg12[%swap3A_49, %swap3A_50], %broadcast_in_dim3A_3 {strides = array<i32>} : memref<80x128xf32, #tpu.memory_space<vmem>>, vector<16xf32>,
      %swap3A_52 = arith.index_cast %scan3A_28 : i32 to index
      %swap3A_53 = arith.constant 64 : index
      %swap3A_54 = tpu.vector_load %arg11[%swap3A_52, %swap3A_53] {strides = array<i32>} : memref<80x128xf32, #tpu.memory_space<vmem>>, vector<16xf32>,
      tpu.vector_store %arg11[%swap3A_52, %swap3A_53], %broadcast_in_dim3A_3 {strides = array<i32>} : memref<80x128xf32, #tpu.memory_space<vmem>>, vector<16xf32>,
      %swap3A_55 = arith.index_cast %scan3A_28 : i32 to index
      %swap3A_56 = arith.constant 64 : index
      %swap3A_57 = tpu.vector_load %arg12[%swap3A_55, %swap3A_56] {strides = array<i32>} : memref<80x128xf32, #tpu.memory_space<vmem>>, vector<16xf32>,
      tpu.vector_store %arg12[%swap3A_55, %swap3A_56], %broadcast_in_dim3A_3 {strides = array<i32>} : memref<80x128xf32, #tpu.memory_space<vmem>>, vector<16xf32>,
      %swap3A_58 = arith.index_cast %scan3A_28 : i32 to index
      %swap3A_59 = arith.constant 80 : index
      %swap3A_60 = tpu.vector_load %arg11[%swap3A_58, %swap3A_59] {strides = array<i32>} : memref<80x128xf32, #tpu.memory_space<vmem>>, vector<16xf32>,
      tpu.vector_store %arg11[%swap3A_58, %swap3A_59], %broadcast_in_dim3A_3 {strides = array<i32>} : memref<80x128xf32, #tpu.memory_space<vmem>>, vector<16xf32>,
      %swap3A_61 = arith.index_cast %scan3A_28 : i32 to index
      %swap3A_62 = arith.constant 80 : index
      %swap3A_63 = tpu.vector_load %arg12[%swap3A_61, %swap3A_62] {strides = array<i32>} : memref<80x128xf32, #tpu.memory_space<vmem>>, vector<16xf32>,
      tpu.vector_store %arg12[%swap3A_61, %swap3A_62], %broadcast_in_dim3A_3 {strides = array<i32>} : memref<80x128xf32, #tpu.memory_space<vmem>>, vector<16xf32>,
      %swap3A_64 = arith.index_cast %scan3A_28 : i32 to index
      %swap3A_65 = arith.constant 96 : index
      %swap3A_66 = tpu.vector_load %arg11[%swap3A_64, %swap3A_65] {strides = array<i32>} : memref<80x128xf32, #tpu.memory_space<vmem>>, vector<16xf32>,
      tpu.vector_store %arg11[%swap3A_64, %swap3A_65], %broadcast_in_dim3A_3 {strides = array<i32>} : memref<80x128xf32, #tpu.memory_space<vmem>>, vector<16xf32>,
      %swap3A_67 = arith.index_cast %scan3A_28 : i32 to index
      %swap3A_68 = arith.constant 96 : index
      %swap3A_69 = tpu.vector_load %arg12[%swap3A_67, %swap3A_68] {strides = array<i32>} : memref<80x128xf32, #tpu.memory_space<vmem>>, vector<16xf32>,
      tpu.vector_store %arg12[%swap3A_67, %swap3A_68], %broadcast_in_dim3A_3 {strides = array<i32>} : memref<80x128xf32, #tpu.memory_space<vmem>>, vector<16xf32>,
      %swap3A_70 = arith.index_cast %scan3A_28 : i32 to index
      %swap3A_71 = arith.constant 112 : index
      %swap3A_72 = tpu.vector_load %arg11[%swap3A_70, %swap3A_71] {strides = array<i32>} : memref<80x128xf32, #tpu.memory_space<vmem>>, vector<16xf32>,
      tpu.vector_store %arg11[%swap3A_70, %swap3A_71], %broadcast_in_dim3A_3 {strides = array<i32>} : memref<80x128xf32, #tpu.memory_space<vmem>>, vector<16xf32>,
      %swap3A_73 = arith.index_cast %scan3A_28 : i32 to index
      %swap3A_74 = arith.constant 112 : index
      %swap3A_75 = tpu.vector_load %arg12[%swap3A_73, %swap3A_74] {strides = array<i32>} : memref<80x128xf32, #tpu.memory_space<vmem>>, vector<16xf32>,
      tpu.vector_store %arg12[%swap3A_73, %swap3A_74], %broadcast_in_dim3A_3 {strides = array<i32>} : memref<80x128xf32, #tpu.memory_space<vmem>>, vector<16xf32>,
    }
    %scan3A_8 = arith.constant 80 : i32
    %broadcast_in_dim3A_9 = arith.constant 1.000000e+00 : f32
    %broadcast_in_dim3A_10 = vector.broadcast %broadcast_in_dim3A_9 : f32 to vector<16xf32>
    %scan3A_11 = arith.constant 0 : i32
    %scan3A_12 = arith.constant 0 : i32
    %scan3A_13 = arith.constant 80 : i32
    %scan3A_14 = arith.addi %scan3A_12, %scan3A_13 : i32
    %scan3A_15 = arith.constant 1 : i32
    scf.for %scan3A_28 = %scan3A_12 to %scan3A_14 step %scan3A_15  : i32 {
      %get3A = arith.index_cast %scan3A_28 : i32 to index
      %get3A_29 = arith.constant 0 : index
      %get3A_30 = tpu.vector_load %arg8[%get3A, %get3A_29] {strides = array<i32>} : memref<80x128xi32, #tpu.memory_space<vmem>>, vector<16xi32>,
      %shift_right_logical3A = arith.constant 7 : i32
      %shift_right_logical3A_31 = vector.broadcast %shift_right_logical3A : i32 to vector<16xi32>
      %shift_right_logical3A_32 = arith.shrui %get3A_30, %shift_right_logical3A_31 : vector<16xi32>
      %and3A = arith.constant 127 : i32
      %and3A_33 = vector.broadcast %and3A : i32 to vector<16xi32>
      %and3A_34 = arith.andi %get3A_30, %and3A_33 : vector<16xi32>
      tpu.vector_store_idx %arg11[%shift_right_logical3A_32, %and3A_34], %broadcast_in_dim3A_10 {add = true} : memref<80x128xf32, #tpu.memory_space<vmem>>[vector<16xi32>, vector<16xi32>], vector<16xf32>,
      %get3A_35 = arith.index_cast %scan3A_28 : i32 to index
      %get3A_36 = arith.constant 0 : index
      %get3A_37 = tpu.vector_load %arg9[%get3A_35, %get3A_36] {strides = array<i32>} : memref<80x128xi32, #tpu.memory_space<vmem>>, vector<16xi32>,
      %shift_right_logical3A_38 = arith.constant 7 : i32
      %shift_right_logical3A_39 = vector.broadcast %shift_right_logical3A_38 : i32 to vector<16xi32>
      %shift_right_logical3A_40 = arith.shrui %get3A_37, %shift_right_logical3A_39 : vector<16xi32>
      %and3A_41 = arith.constant 127 : i32
      %and3A_42 = vector.broadcast %and3A_41 : i32 to vector<16xi32>
      %and3A_43 = arith.andi %get3A_37, %and3A_42 : vector<16xi32>
      tpu.vector_store_idx %arg12[%shift_right_logical3A_40, %and3A_43], %broadcast_in_dim3A_10 {add = true} : memref<80x128xf32, #tpu.memory_space<vmem>>[vector<16xi32>, vector<16xi32>], vector<16xf32>,
      %get3A_44 = arith.index_cast %scan3A_28 : i32 to index
      %get3A_45 = arith.constant 16 : index
      %get3A_46 = tpu.vector_load %arg8[%get3A_44, %get3A_45] {strides = array<i32>} : memref<80x128xi32, #tpu.memory_space<vmem>>, vector<16xi32>,
      %shift_right_logical3A_47 = arith.constant 7 : i32
      %shift_right_logical3A_48 = vector.broadcast %shift_right_logical3A_47 : i32 to vector<16xi32>
      %shift_right_logical3A_49 = arith.shrui %get3A_46, %shift_right_logical3A_48 : vector<16xi32>
      %and3A_50 = arith.constant 127 : i32
      %and3A_51 = vector.broadcast %and3A_50 : i32 to vector<16xi32>
      %and3A_52 = arith.andi %get3A_46, %and3A_51 : vector<16xi32>
      tpu.vector_store_idx %arg11[%shift_right_logical3A_49, %and3A_52], %broadcast_in_dim3A_10 {add = true} : memref<80x128xf32, #tpu.memory_space<vmem>>[vector<16xi32>, vector<16xi32>], vector<16xf32>,
      %get3A_53 = arith.index_cast %scan3A_28 : i32 to index
      %get3A_54 = arith.constant 16 : index
      %get3A_55 = tpu.vector_load %arg9[%get3A_53, %get3A_54] {strides = array<i32>} : memref<80x128xi32, #tpu.memory_space<vmem>>, vector<16xi32>,
      %shift_right_logical3A_56 = arith.constant 7 : i32
      %shift_right_logical3A_57 = vector.broadcast %shift_right_logical3A_56 : i32 to vector<16xi32>
      %shift_right_logical3A_58 = arith.shrui %get3A_55, %shift_right_logical3A_57 : vector<16xi32>
      %and3A_59 = arith.constant 127 : i32
      %and3A_60 = vector.broadcast %and3A_59 : i32 to vector<16xi32>
      %and3A_61 = arith.andi %get3A_55, %and3A_60 : vector<16xi32>
      tpu.vector_store_idx %arg12[%shift_right_logical3A_58, %and3A_61], %broadcast_in_dim3A_10 {add = true} : memref<80x128xf32, #tpu.memory_space<vmem>>[vector<16xi32>, vector<16xi32>], vector<16xf32>,
      %get3A_62 = arith.index_cast %scan3A_28 : i32 to index
      %get3A_63 = arith.constant 32 : index
      %get3A_64 = tpu.vector_load %arg8[%get3A_62, %get3A_63] {strides = array<i32>} : memref<80x128xi32, #tpu.memory_space<vmem>>, vector<16xi32>,
      %shift_right_logical3A_65 = arith.constant 7 : i32
      %shift_right_logical3A_66 = vector.broadcast %shift_right_logical3A_65 : i32 to vector<16xi32>
      %shift_right_logical3A_67 = arith.shrui %get3A_64, %shift_right_logical3A_66 : vector<16xi32>
      %and3A_68 = arith.constant 127 : i32
      %and3A_69 = vector.broadcast %and3A_68 : i32 to vector<16xi32>
      %and3A_70 = arith.andi %get3A_64, %and3A_69 : vector<16xi32>
      tpu.vector_store_idx %arg11[%shift_right_logical3A_67, %and3A_70], %broadcast_in_dim3A_10 {add = true} : memref<80x128xf32, #tpu.memory_space<vmem>>[vector<16xi32>, vector<16xi32>], vector<16xf32>,
      %get3A_71 = arith.index_cast %scan3A_28 : i32 to index
      %get3A_72 = arith.constant 32 : index
      %get3A_73 = tpu.vector_load %arg9[%get3A_71, %get3A_72] {strides = array<i32>} : memref<80x128xi32, #tpu.memory_space<vmem>>, vector<16xi32>,
      %shift_right_logical3A_74 = arith.constant 7 : i32
      %shift_right_logical3A_75 = vector.broadcast %shift_right_logical3A_74 : i32 to vector<16xi32>
      %shift_right_logical3A_76 = arith.shrui %get3A_73, %shift_right_logical3A_75 : vector<16xi32>
      %and3A_77 = arith.constant 127 : i32
      %and3A_78 = vector.broadcast %and3A_77 : i32 to vector<16xi32>
      %and3A_79 = arith.andi %get3A_73, %and3A_78 : vector<16xi32>
      tpu.vector_store_idx %arg12[%shift_right_logical3A_76, %and3A_79], %broadcast_in_dim3A_10 {add = true} : memref<80x128xf32, #tpu.memory_space<vmem>>[vector<16xi32>, vector<16xi32>], vector<16xf32>,
      %get3A_80 = arith.index_cast %scan3A_28 : i32 to index
      %get3A_81 = arith.constant 48 : index
      %get3A_82 = tpu.vector_load %arg8[%get3A_80, %get3A_81] {strides = array<i32>} : memref<80x128xi32, #tpu.memory_space<vmem>>, vector<16xi32>,
      %shift_right_logical3A_83 = arith.constant 7 : i32
      %shift_right_logical3A_84 = vector.broadcast %shift_right_logical3A_83 : i32 to vector<16xi32>
      %shift_right_logical3A_85 = arith.shrui %get3A_82, %shift_right_logical3A_84 : vector<16xi32>
      %and3A_86 = arith.constant 127 : i32
      %and3A_87 = vector.broadcast %and3A_86 : i32 to vector<16xi32>
      %and3A_88 = arith.andi %get3A_82, %and3A_87 : vector<16xi32>
      tpu.vector_store_idx %arg11[%shift_right_logical3A_85, %and3A_88], %broadcast_in_dim3A_10 {add = true} : memref<80x128xf32, #tpu.memory_space<vmem>>[vector<16xi32>, vector<16xi32>], vector<16xf32>,
      %get3A_89 = arith.index_cast %scan3A_28 : i32 to index
      %get3A_90 = arith.constant 48 : index
      %get3A_91 = tpu.vector_load %arg9[%get3A_89, %get3A_90] {strides = array<i32>} : memref<80x128xi32, #tpu.memory_space<vmem>>, vector<16xi32>,
      %shift_right_logical3A_92 = arith.constant 7 : i32
      %shift_right_logical3A_93 = vector.broadcast %shift_right_logical3A_92 : i32 to vector<16xi32>
      %shift_right_logical3A_94 = arith.shrui %get3A_91, %shift_right_logical3A_93 : vector<16xi32>
      %and3A_95 = arith.constant 127 : i32
      %and3A_96 = vector.broadcast %and3A_95 : i32 to vector<16xi32>
      %and3A_97 = arith.andi %get3A_91, %and3A_96 : vector<16xi32>
      tpu.vector_store_idx %arg12[%shift_right_logical3A_94, %and3A_97], %broadcast_in_dim3A_10 {add = true} : memref<80x128xf32, #tpu.memory_space<vmem>>[vector<16xi32>, vector<16xi32>], vector<16xf32>,
      %get3A_98 = arith.index_cast %scan3A_28 : i32 to index
      %get3A_99 = arith.constant 64 : index
      %get3A_100 = tpu.vector_load %arg8[%get3A_98, %get3A_99] {strides = array<i32>} : memref<80x128xi32, #tpu.memory_space<vmem>>, vector<16xi32>,
      %shift_right_logical3A_101 = arith.constant 7 : i32
      %shift_right_logical3A_102 = vector.broadcast %shift_right_logical3A_101 : i32 to vector<16xi32>
      %shift_right_logical3A_103 = arith.shrui %get3A_100, %shift_right_logical3A_102 : vector<16xi32>
      %and3A_104 = arith.constant 127 : i32
      %and3A_105 = vector.broadcast %and3A_104 : i32 to vector<16xi32>
      %and3A_106 = arith.andi %get3A_100, %and3A_105 : vector<16xi32>
      tpu.vector_store_idx %arg11[%shift_right_logical3A_103, %and3A_106], %broadcast_in_dim3A_10 {add = true} : memref<80x128xf32, #tpu.memory_space<vmem>>[vector<16xi32>, vector<16xi32>], vector<16xf32>,
      %get3A_107 = arith.index_cast %scan3A_28 : i32 to index
      %get3A_108 = arith.constant 64 : index
      %get3A_109 = tpu.vector_load %arg9[%get3A_107, %get3A_108] {strides = array<i32>} : memref<80x128xi32, #tpu.memory_space<vmem>>, vector<16xi32>,
      %shift_right_logical3A_110 = arith.constant 7 : i32
      %shift_right_logical3A_111 = vector.broadcast %shift_right_logical3A_110 : i32 to vector<16xi32>
      %shift_right_logical3A_112 = arith.shrui %get3A_109, %shift_right_logical3A_111 : vector<16xi32>
      %and3A_113 = arith.constant 127 : i32
      %and3A_114 = vector.broadcast %and3A_113 : i32 to vector<16xi32>
      %and3A_115 = arith.andi %get3A_109, %and3A_114 : vector<16xi32>
      tpu.vector_store_idx %arg12[%shift_right_logical3A_112, %and3A_115], %broadcast_in_dim3A_10 {add = true} : memref<80x128xf32, #tpu.memory_space<vmem>>[vector<16xi32>, vector<16xi32>], vector<16xf32>,
      %get3A_116 = arith.index_cast %scan3A_28 : i32 to index
      %get3A_117 = arith.constant 80 : index
      %get3A_118 = tpu.vector_load %arg8[%get3A_116, %get3A_117] {strides = array<i32>} : memref<80x128xi32, #tpu.memory_space<vmem>>, vector<16xi32>,
      %shift_right_logical3A_119 = arith.constant 7 : i32
      %shift_right_logical3A_120 = vector.broadcast %shift_right_logical3A_119 : i32 to vector<16xi32>
      %shift_right_logical3A_121 = arith.shrui %get3A_118, %shift_right_logical3A_120 : vector<16xi32>
      %and3A_122 = arith.constant 127 : i32
      %and3A_123 = vector.broadcast %and3A_122 : i32 to vector<16xi32>
      %and3A_124 = arith.andi %get3A_118, %and3A_123 : vector<16xi32>
      tpu.vector_store_idx %arg11[%shift_right_logical3A_121, %and3A_124], %broadcast_in_dim3A_10 {add = true} : memref<80x128xf32, #tpu.memory_space<vmem>>[vector<16xi32>, vector<16xi32>], vector<16xf32>,
      %get3A_125 = arith.index_cast %scan3A_28 : i32 to index
      %get3A_126 = arith.constant 80 : index
      %get3A_127 = tpu.vector_load %arg9[%get3A_125, %get3A_126] {strides = array<i32>} : memref<80x128xi32, #tpu.memory_space<vmem>>, vector<16xi32>,
      %shift_right_logical3A_128 = arith.constant 7 : i32
      %shift_right_logical3A_129 = vector.broadcast %shift_right_logical3A_128 : i32 to vector<16xi32>
      %shift_right_logical3A_130 = arith.shrui %get3A_127, %shift_right_logical3A_129 : vector<16xi32>
      %and3A_131 = arith.constant 127 : i32
      %and3A_132 = vector.broadcast %and3A_131 : i32 to vector<16xi32>
      %and3A_133 = arith.andi %get3A_127, %and3A_132 : vector<16xi32>
      tpu.vector_store_idx %arg12[%shift_right_logical3A_130, %and3A_133], %broadcast_in_dim3A_10 {add = true} : memref<80x128xf32, #tpu.memory_space<vmem>>[vector<16xi32>, vector<16xi32>], vector<16xf32>,
      %get3A_134 = arith.index_cast %scan3A_28 : i32 to index
      %get3A_135 = arith.constant 96 : index
      %get3A_136 = tpu.vector_load %arg8[%get3A_134, %get3A_135] {strides = array<i32>} : memref<80x128xi32, #tpu.memory_space<vmem>>, vector<16xi32>,
      %shift_right_logical3A_137 = arith.constant 7 : i32
      %shift_right_logical3A_138 = vector.broadcast %shift_right_logical3A_137 : i32 to vector<16xi32>
      %shift_right_logical3A_139 = arith.shrui %get3A_136, %shift_right_logical3A_138 : vector<16xi32>
      %and3A_140 = arith.constant 127 : i32
      %and3A_141 = vector.broadcast %and3A_140 : i32 to vector<16xi32>
      %and3A_142 = arith.andi %get3A_136, %and3A_141 : vector<16xi32>
      tpu.vector_store_idx %arg11[%shift_right_logical3A_139, %and3A_142], %broadcast_in_dim3A_10 {add = true} : memref<80x128xf32, #tpu.memory_space<vmem>>[vector<16xi32>, vector<16xi32>], vector<16xf32>,
      %get3A_143 = arith.index_cast %scan3A_28 : i32 to index
      %get3A_144 = arith.constant 96 : index
      %get3A_145 = tpu.vector_load %arg9[%get3A_143, %get3A_144] {strides = array<i32>} : memref<80x128xi32, #tpu.memory_space<vmem>>, vector<16xi32>,
      %shift_right_logical3A_146 = arith.constant 7 : i32
      %shift_right_logical3A_147 = vector.broadcast %shift_right_logical3A_146 : i32 to vector<16xi32>
      %shift_right_logical3A_148 = arith.shrui %get3A_145, %shift_right_logical3A_147 : vector<16xi32>
      %and3A_149 = arith.constant 127 : i32
      %and3A_150 = vector.broadcast %and3A_149 : i32 to vector<16xi32>
      %and3A_151 = arith.andi %get3A_145, %and3A_150 : vector<16xi32>
      tpu.vector_store_idx %arg12[%shift_right_logical3A_148, %and3A_151], %broadcast_in_dim3A_10 {add = true} : memref<80x128xf32, #tpu.memory_space<vmem>>[vector<16xi32>, vector<16xi32>], vector<16xf32>,
      %get3A_152 = arith.index_cast %scan3A_28 : i32 to index
      %get3A_153 = arith.constant 112 : index
      %get3A_154 = tpu.vector_load %arg8[%get3A_152, %get3A_153] {strides = array<i32>} : memref<80x128xi32, #tpu.memory_space<vmem>>, vector<16xi32>,
      %shift_right_logical3A_155 = arith.constant 7 : i32
      %shift_right_logical3A_156 = vector.broadcast %shift_right_logical3A_155 : i32 to vector<16xi32>
      %shift_right_logical3A_157 = arith.shrui %get3A_154, %shift_right_logical3A_156 : vector<16xi32>
      %and3A_158 = arith.constant 127 : i32
      %and3A_159 = vector.broadcast %and3A_158 : i32 to vector<16xi32>
      %and3A_160 = arith.andi %get3A_154, %and3A_159 : vector<16xi32>
      tpu.vector_store_idx %arg11[%shift_right_logical3A_157, %and3A_160], %broadcast_in_dim3A_10 {add = true} : memref<80x128xf32, #tpu.memory_space<vmem>>[vector<16xi32>, vector<16xi32>], vector<16xf32>,
      %get3A_161 = arith.index_cast %scan3A_28 : i32 to index
      %get3A_162 = arith.constant 112 : index
      %get3A_163 = tpu.vector_load %arg9[%get3A_161, %get3A_162] {strides = array<i32>} : memref<80x128xi32, #tpu.memory_space<vmem>>, vector<16xi32>,
      %shift_right_logical3A_164 = arith.constant 7 : i32
      %shift_right_logical3A_165 = vector.broadcast %shift_right_logical3A_164 : i32 to vector<16xi32>
      %shift_right_logical3A_166 = arith.shrui %get3A_163, %shift_right_logical3A_165 : vector<16xi32>
      %and3A_167 = arith.constant 127 : i32
      %and3A_168 = vector.broadcast %and3A_167 : i32 to vector<16xi32>
      %and3A_169 = arith.andi %get3A_163, %and3A_168 : vector<16xi32>
      tpu.vector_store_idx %arg12[%shift_right_logical3A_166, %and3A_169], %broadcast_in_dim3A_10 {add = true} : memref<80x128xf32, #tpu.memory_space<vmem>>[vector<16xi32>, vector<16xi32>], vector<16xf32>,
    }
    %scan3A_16 = arith.constant 80 : i32
    %barrier3A = arith.constant 0 : index
    tpu.barrier barrier_id(%barrier3A)
    "tpu.region"() ({
      %run_scoped3A = tpu.sem_alloc : memref<!tpu.dma_semaphore, #tpu.memory_space<semaphore_mem>>
      %dma_start3A = arith.constant 0 : i32
      %dma_start3A_28 = arith.constant 0 : i32
      %dma_start3A_29 = tpu.memref_slice %arg13[%dma_start3A, %dma_start3A_28] : memref<80x128xf32, #tpu.memory_space<vmem_shared>> -> memref<80x128xf32, #tpu.memory_space<vmem_shared>>
      tpu.enqueue_indirect_dma source(%arg11 : memref<80x128xf32, #tpu.memory_space<vmem>>) target(%dma_start3A_29 : memref<80x128xf32, #tpu.memory_space<vmem_shared>>) offsets(%arg10 : memref<80xi32, #tpu.memory_space<vmem>>) semaphore(%run_scoped3A : memref<!tpu.dma_semaphore, #tpu.memory_space<semaphore_mem>>) {add = true}
      %dma_wait3A = arith.constant 0 : i32
      %dma_wait3A_30 = arith.constant 0 : i32
      %dma_wait3A_31 = tpu.memref_slice %arg13[%dma_wait3A, %dma_wait3A_30] : memref<80x128xf32, #tpu.memory_space<vmem_shared>> -> memref<80x128xf32, #tpu.memory_space<vmem_shared>>
      tpu.wait_indirect_dma semaphore(%run_scoped3A : memref<!tpu.dma_semaphore, #tpu.memory_space<semaphore_mem>>) src(%arg11 : memref<80x128xf32, #tpu.memory_space<vmem>>) dst(%dma_wait3A_31 : memref<80x128xf32, #tpu.memory_space<vmem_shared>>)
      tpu.yield
    }) : () -> ()
    "tpu.region"() ({
      %run_scoped3A = tpu.sem_alloc : memref<!tpu.dma_semaphore, #tpu.memory_space<semaphore_mem>>
      %dma_start3A = arith.constant 0 : i32
      %dma_start3A_28 = arith.constant 0 : i32
      %dma_start3A_29 = tpu.memref_slice %arg14[%dma_start3A, %dma_start3A_28] : memref<80x128xf32, #tpu.memory_space<vmem_shared>> -> memref<80x128xf32, #tpu.memory_space<vmem_shared>>
      tpu.enqueue_indirect_dma source(%arg12 : memref<80x128xf32, #tpu.memory_space<vmem>>) target(%dma_start3A_29 : memref<80x128xf32, #tpu.memory_space<vmem_shared>>) offsets(%arg10 : memref<80xi32, #tpu.memory_space<vmem>>) semaphore(%run_scoped3A : memref<!tpu.dma_semaphore, #tpu.memory_space<semaphore_mem>>) {add = true}
      %dma_wait3A = arith.constant 0 : i32
      %dma_wait3A_30 = arith.constant 0 : i32
      %dma_wait3A_31 = tpu.memref_slice %arg14[%dma_wait3A, %dma_wait3A_30] : memref<80x128xf32, #tpu.memory_space<vmem_shared>> -> memref<80x128xf32, #tpu.memory_space<vmem_shared>>
      tpu.wait_indirect_dma semaphore(%run_scoped3A : memref<!tpu.dma_semaphore, #tpu.memory_space<semaphore_mem>>) src(%arg12 : memref<80x128xf32, #tpu.memory_space<vmem>>) dst(%dma_wait3A_31 : memref<80x128xf32, #tpu.memory_space<vmem_shared>>)
      tpu.yield
    }) : () -> ()
    %barrier3A_17 = arith.constant 0 : index
    tpu.barrier barrier_id(%barrier3A_17)
    %eq3A_18 = arith.constant 0 : i32
    %eq3A_19 = arith.cmpi eq, %arg1, %eq3A_18 : i32
    %convert_element_type3A_20 = arith.extui %eq3A_19 : i1 to i32
    %cond3A_21 = arith.constant 0 : i32
    %cond3A_22 = arith.cmpi ne, %convert_element_type3A_20, %cond3A_21 : i32
    scf.if %cond3A_22 {
      "tpu.region"() ({
        %run_scoped3A = tpu.sem_alloc : memref<!tpu.dma_semaphore, #tpu.memory_space<semaphore_mem>>
        %dma_start3A = arith.constant 0 : i32
        %dma_start3A_28 = arith.constant 0 : i32
        %dma_start3A_29 = tpu.memref_slice %arg6[%arg0, %dma_start3A, %dma_start3A_28] : memref<2x80x128xf32, #tpu.memory_space<hbm>> -> memref<1x80x128xf32, #tpu.memory_space<hbm>>
        %dma_start3A_30 = tpu.memref_squeeze %dma_start3A_29 : memref<1x80x128xf32, #tpu.memory_space<hbm>> -> memref<80x128xf32, #tpu.memory_space<hbm>>
        tpu.enqueue_dma source(%arg13 : memref<80x128xf32, #tpu.memory_space<vmem_shared>>) target(%dma_start3A_30 : memref<80x128xf32, #tpu.memory_space<hbm>>) target_semaphore(%run_scoped3A : memref<!tpu.dma_semaphore, #tpu.memory_space<semaphore_mem>>)
        %dma_wait3A = arith.constant 0 : i32
        %dma_wait3A_31 = arith.constant 0 : i32
        %dma_wait3A_32 = tpu.memref_slice %arg6[%arg0, %dma_wait3A, %dma_wait3A_31] : memref<2x80x128xf32, #tpu.memory_space<hbm>> -> memref<1x80x128xf32, #tpu.memory_space<hbm>>
        %dma_wait3A_33 = tpu.memref_squeeze %dma_wait3A_32 : memref<1x80x128xf32, #tpu.memory_space<hbm>> -> memref<80x128xf32, #tpu.memory_space<hbm>>
        tpu.wait_dma2 semaphore(%run_scoped3A : memref<!tpu.dma_semaphore, #tpu.memory_space<semaphore_mem>>) src(%arg13 : memref<80x128xf32, #tpu.memory_space<vmem_shared>>) dst(%dma_wait3A_33 : memref<80x128xf32, #tpu.memory_space<hbm>>)
        tpu.yield
      }) : () -> ()
    } else {
    }
    %eq3A_23 = arith.constant 1 : i32
    %eq3A_24 = arith.cmpi eq, %arg1, %eq3A_23 : i32
    %convert_element_type3A_25 = arith.extui %eq3A_24 : i1 to i32
    %cond3A_26 = arith.constant 0 : i32
    %cond3A_27 = arith.cmpi ne, %convert_element_type3A_25, %cond3A_26 : i32
    scf.if %cond3A_27 {
      "tpu.region"() ({
        %run_scoped3A = tpu.sem_alloc : memref<!tpu.dma_semaphore, #tpu.memory_space<semaphore_mem>>
        %dma_start3A = arith.constant 0 : i32
        %dma_start3A_28 = arith.constant 0 : i32
        %dma_start3A_29 = tpu.memref_slice %arg7[%arg0, %dma_start3A, %dma_start3A_28] : memref<2x80x128xf32, #tpu.memory_space<hbm>> -> memref<1x80x128xf32, #tpu.memory_space<hbm>>
        %dma_start3A_30 = tpu.memref_squeeze %dma_start3A_29 : memref<1x80x128xf32, #tpu.memory_space<hbm>> -> memref<80x128xf32, #tpu.memory_space<hbm>>
        tpu.enqueue_dma source(%arg14 : memref<80x128xf32, #tpu.memory_space<vmem_shared>>) target(%dma_start3A_30 : memref<80x128xf32, #tpu.memory_space<hbm>>) target_semaphore(%run_scoped3A : memref<!tpu.dma_semaphore, #tpu.memory_space<semaphore_mem>>)
        %dma_wait3A = arith.constant 0 : i32
        %dma_wait3A_31 = arith.constant 0 : i32
        %dma_wait3A_32 = tpu.memref_slice %arg7[%arg0, %dma_wait3A, %dma_wait3A_31] : memref<2x80x128xf32, #tpu.memory_space<hbm>> -> memref<1x80x128xf32, #tpu.memory_space<hbm>>
        %dma_wait3A_33 = tpu.memref_squeeze %dma_wait3A_32 : memref<1x80x128xf32, #tpu.memory_space<hbm>> -> memref<80x128xf32, #tpu.memory_space<hbm>>
        tpu.wait_dma2 semaphore(%run_scoped3A : memref<!tpu.dma_semaphore, #tpu.memory_space<semaphore_mem>>) src(%arg14 : memref<80x128xf32, #tpu.memory_space<vmem_shared>>) dst(%dma_wait3A_33 : memref<80x128xf32, #tpu.memory_space<hbm>>)
        tpu.yield
      }) : () -> ()
    } else {
    }
    return
  }
}

#map = affine_map<(d0, d1) -> (0, 0)>
#map1 = affine_map<(d0, d1) -> (0, 0, 0)>
module attributes {stable_mosaic.version = 14 : i64} {
  func.func @_agg_body(%arg0: i32, %arg1: i32, %arg2: memref<10240x128xf32, #tpu.memory_space<hbm>>, %arg3: memref<32x80x128xi32, #tpu.memory_space<hbm>>, %arg4: memref<32x80x128xi32, #tpu.memory_space<hbm>>, %arg5: memref<10240x128xf32, #tpu.memory_space<hbm>>, %arg6: memref<2x10240x128xf32, #tpu.memory_space<hbm>>, %arg7: memref<40x128xi32, #tpu.memory_space<vmem>>, %arg8: memref<40x128xi32, #tpu.memory_space<vmem>>, %arg9: memref<256x128xf32, #tpu.memory_space<vmem>>, %arg10: memref<10240x128xf32, #tpu.memory_space<vmem_shared>>, %arg11: memref<!tpu.dma_semaphore, #tpu.memory_space<semaphore_mem>>, %arg12: memref<!tpu.dma_semaphore, #tpu.memory_space<semaphore_mem>>) attributes {dimension_semantics = [#tpu.dimension_semantics<core_parallel>, #tpu.dimension_semantics<subcore_parallel>], iteration_bounds = array<i64: 2, 16>, scalar_prefetch = 0 : i64, scratch_operands = 6 : i64, tpu.core_type = #tpu.core_type<sc_vector_subcore>, window_params = [{transform_indices = #map}, {transform_indices = #map1}, {transform_indices = #map1}, {transform_indices = #map}, {transform_indices = #map1}]} {
    %mul3A = arith.constant 2 : i32
    %mul3A_0 = arith.muli %arg1, %mul3A : i32
    %add3A = arith.addi %mul3A_0, %arg0 : i32
    %mul3A_1 = arith.constant 640 : i32
    %mul3A_2 = arith.muli %arg1, %mul3A_1 : i32
    %mul3A_3 = arith.constant 640 : i32
    %mul3A_4 = arith.muli %arg1, %mul3A_3 : i32
    "tpu.region"() ({
      %run_scoped3A = tpu.sem_alloc : memref<!tpu.dma_semaphore, #tpu.memory_space<semaphore_mem>>
      %dma_start3A_40 = arith.constant 0 : i32
      %dma_start3A_41 = tpu.memref_slice %arg10[%mul3A_4, %dma_start3A_40] : memref<10240x128xf32, #tpu.memory_space<vmem_shared>> -> memref<640x128xf32, #tpu.memory_space<vmem_shared>>
      %dma_start3A_42 = arith.constant 0 : i32
      %dma_start3A_43 = tpu.memref_slice %arg5[%mul3A_2, %dma_start3A_42] : memref<10240x128xf32, #tpu.memory_space<hbm>> -> memref<640x128xf32, #tpu.memory_space<hbm>>
      tpu.enqueue_dma source(%dma_start3A_43 : memref<640x128xf32, #tpu.memory_space<hbm>>) target(%dma_start3A_41 : memref<640x128xf32, #tpu.memory_space<vmem_shared>>) target_semaphore(%run_scoped3A : memref<!tpu.dma_semaphore, #tpu.memory_space<semaphore_mem>>)
      %dma_wait3A = arith.constant 0 : i32
      %dma_wait3A_44 = tpu.memref_slice %arg10[%mul3A_4, %dma_wait3A] : memref<10240x128xf32, #tpu.memory_space<vmem_shared>> -> memref<640x128xf32, #tpu.memory_space<vmem_shared>>
      %dma_wait3A_45 = arith.constant 0 : i32
      %dma_wait3A_46 = tpu.memref_slice %arg5[%mul3A_2, %dma_wait3A_45] : memref<10240x128xf32, #tpu.memory_space<hbm>> -> memref<640x128xf32, #tpu.memory_space<hbm>>
      tpu.wait_dma2 semaphore(%run_scoped3A : memref<!tpu.dma_semaphore, #tpu.memory_space<semaphore_mem>>) src(%dma_wait3A_46 : memref<640x128xf32, #tpu.memory_space<hbm>>) dst(%dma_wait3A_44 : memref<640x128xf32, #tpu.memory_space<vmem_shared>>)
      tpu.yield
    }) : () -> ()
    %barrier3A = arith.constant 0 : index
    tpu.barrier barrier_id(%barrier3A)
    "tpu.region"() ({
      %run_scoped3A = tpu.sem_alloc : memref<!tpu.dma_semaphore, #tpu.memory_space<semaphore_mem>>
      %dma_start3A_40 = arith.constant 0 : i32
      %dma_start3A_41 = arith.constant 0 : i32
      %dma_start3A_42 = tpu.memref_slice %arg3[%add3A, %dma_start3A_40, %dma_start3A_41] : memref<32x80x128xi32, #tpu.memory_space<hbm>> -> memref<1x80x128xi32, #tpu.memory_space<hbm>>
      %dma_start3A_43 = tpu.memref_squeeze %dma_start3A_42 : memref<1x80x128xi32, #tpu.memory_space<hbm>> -> memref<80x128xi32, #tpu.memory_space<hbm>>
      %dma_start3A_44 = arith.constant 0 : i32
      %dma_start3A_45 = arith.constant 0 : i32
      %dma_start3A_46 = tpu.memref_slice %dma_start3A_43[%dma_start3A_44, %dma_start3A_45] : memref<80x128xi32, #tpu.memory_space<hbm>> -> memref<40x128xi32, #tpu.memory_space<hbm>>
      %dma_start3A_47 = arith.constant 0 : i32
      %dma_start3A_48 = arith.constant 0 : i32
      %dma_start3A_49 = tpu.memref_slice %arg3[%add3A, %dma_start3A_47, %dma_start3A_48] : memref<32x80x128xi32, #tpu.memory_space<hbm>> -> memref<1x80x128xi32, #tpu.memory_space<hbm>>
      %dma_start3A_50 = tpu.memref_squeeze %dma_start3A_49 : memref<1x80x128xi32, #tpu.memory_space<hbm>> -> memref<80x128xi32, #tpu.memory_space<hbm>>
      %dma_start3A_51 = arith.constant 0 : i32
      %dma_start3A_52 = arith.constant 0 : i32
      %dma_start3A_53 = tpu.memref_slice %dma_start3A_50[%dma_start3A_51, %dma_start3A_52] : memref<80x128xi32, #tpu.memory_space<hbm>> -> memref<40x128xi32, #tpu.memory_space<hbm>>
      tpu.enqueue_dma source(%dma_start3A_53 : memref<40x128xi32, #tpu.memory_space<hbm>>) target(%arg7 : memref<40x128xi32, #tpu.memory_space<vmem>>) target_semaphore(%run_scoped3A : memref<!tpu.dma_semaphore, #tpu.memory_space<semaphore_mem>>)
      %dma_wait3A = arith.constant 0 : i32
      %dma_wait3A_54 = arith.constant 0 : i32
      %dma_wait3A_55 = tpu.memref_slice %arg3[%add3A, %dma_wait3A, %dma_wait3A_54] : memref<32x80x128xi32, #tpu.memory_space<hbm>> -> memref<1x80x128xi32, #tpu.memory_space<hbm>>
      %dma_wait3A_56 = tpu.memref_squeeze %dma_wait3A_55 : memref<1x80x128xi32, #tpu.memory_space<hbm>> -> memref<80x128xi32, #tpu.memory_space<hbm>>
      %dma_wait3A_57 = arith.constant 0 : i32
      %dma_wait3A_58 = arith.constant 0 : i32
      %dma_wait3A_59 = tpu.memref_slice %dma_wait3A_56[%dma_wait3A_57, %dma_wait3A_58] : memref<80x128xi32, #tpu.memory_space<hbm>> -> memref<40x128xi32, #tpu.memory_space<hbm>>
      %dma_wait3A_60 = arith.constant 0 : i32
      %dma_wait3A_61 = arith.constant 0 : i32
      %dma_wait3A_62 = tpu.memref_slice %arg3[%add3A, %dma_wait3A_60, %dma_wait3A_61] : memref<32x80x128xi32, #tpu.memory_space<hbm>> -> memref<1x80x128xi32, #tpu.memory_space<hbm>>
      %dma_wait3A_63 = tpu.memref_squeeze %dma_wait3A_62 : memref<1x80x128xi32, #tpu.memory_space<hbm>> -> memref<80x128xi32, #tpu.memory_space<hbm>>
      %dma_wait3A_64 = arith.constant 0 : i32
      %dma_wait3A_65 = arith.constant 0 : i32
      %dma_wait3A_66 = tpu.memref_slice %dma_wait3A_63[%dma_wait3A_64, %dma_wait3A_65] : memref<80x128xi32, #tpu.memory_space<hbm>> -> memref<40x128xi32, #tpu.memory_space<hbm>>
      tpu.wait_dma2 semaphore(%run_scoped3A : memref<!tpu.dma_semaphore, #tpu.memory_space<semaphore_mem>>) src(%dma_wait3A_66 : memref<40x128xi32, #tpu.memory_space<hbm>>) dst(%arg7 : memref<40x128xi32, #tpu.memory_space<vmem>>)
      tpu.yield
    }) : () -> ()
    "tpu.region"() ({
      %run_scoped3A = tpu.sem_alloc : memref<!tpu.dma_semaphore, #tpu.memory_space<semaphore_mem>>
      %dma_start3A_40 = arith.constant 0 : i32
      %dma_start3A_41 = arith.constant 0 : i32
      %dma_start3A_42 = tpu.memref_slice %arg4[%add3A, %dma_start3A_40, %dma_start3A_41] : memref<32x80x128xi32, #tpu.memory_space<hbm>> -> memref<1x80x128xi32, #tpu.memory_space<hbm>>
      %dma_start3A_43 = tpu.memref_squeeze %dma_start3A_42 : memref<1x80x128xi32, #tpu.memory_space<hbm>> -> memref<80x128xi32, #tpu.memory_space<hbm>>
      %dma_start3A_44 = arith.constant 0 : i32
      %dma_start3A_45 = arith.constant 0 : i32
      %dma_start3A_46 = tpu.memref_slice %dma_start3A_43[%dma_start3A_44, %dma_start3A_45] : memref<80x128xi32, #tpu.memory_space<hbm>> -> memref<40x128xi32, #tpu.memory_space<hbm>>
      %dma_start3A_47 = arith.constant 0 : i32
      %dma_start3A_48 = arith.constant 0 : i32
      %dma_start3A_49 = tpu.memref_slice %arg4[%add3A, %dma_start3A_47, %dma_start3A_48] : memref<32x80x128xi32, #tpu.memory_space<hbm>> -> memref<1x80x128xi32, #tpu.memory_space<hbm>>
      %dma_start3A_50 = tpu.memref_squeeze %dma_start3A_49 : memref<1x80x128xi32, #tpu.memory_space<hbm>> -> memref<80x128xi32, #tpu.memory_space<hbm>>
      %dma_start3A_51 = arith.constant 0 : i32
      %dma_start3A_52 = arith.constant 0 : i32
      %dma_start3A_53 = tpu.memref_slice %dma_start3A_50[%dma_start3A_51, %dma_start3A_52] : memref<80x128xi32, #tpu.memory_space<hbm>> -> memref<40x128xi32, #tpu.memory_space<hbm>>
      tpu.enqueue_dma source(%dma_start3A_53 : memref<40x128xi32, #tpu.memory_space<hbm>>) target(%arg8 : memref<40x128xi32, #tpu.memory_space<vmem>>) target_semaphore(%run_scoped3A : memref<!tpu.dma_semaphore, #tpu.memory_space<semaphore_mem>>)
      %dma_wait3A = arith.constant 0 : i32
      %dma_wait3A_54 = arith.constant 0 : i32
      %dma_wait3A_55 = tpu.memref_slice %arg4[%add3A, %dma_wait3A, %dma_wait3A_54] : memref<32x80x128xi32, #tpu.memory_space<hbm>> -> memref<1x80x128xi32, #tpu.memory_space<hbm>>
      %dma_wait3A_56 = tpu.memref_squeeze %dma_wait3A_55 : memref<1x80x128xi32, #tpu.memory_space<hbm>> -> memref<80x128xi32, #tpu.memory_space<hbm>>
      %dma_wait3A_57 = arith.constant 0 : i32
      %dma_wait3A_58 = arith.constant 0 : i32
      %dma_wait3A_59 = tpu.memref_slice %dma_wait3A_56[%dma_wait3A_57, %dma_wait3A_58] : memref<80x128xi32, #tpu.memory_space<hbm>> -> memref<40x128xi32, #tpu.memory_space<hbm>>
      %dma_wait3A_60 = arith.constant 0 : i32
      %dma_wait3A_61 = arith.constant 0 : i32
      %dma_wait3A_62 = tpu.memref_slice %arg4[%add3A, %dma_wait3A_60, %dma_wait3A_61] : memref<32x80x128xi32, #tpu.memory_space<hbm>> -> memref<1x80x128xi32, #tpu.memory_space<hbm>>
      %dma_wait3A_63 = tpu.memref_squeeze %dma_wait3A_62 : memref<1x80x128xi32, #tpu.memory_space<hbm>> -> memref<80x128xi32, #tpu.memory_space<hbm>>
      %dma_wait3A_64 = arith.constant 0 : i32
      %dma_wait3A_65 = arith.constant 0 : i32
      %dma_wait3A_66 = tpu.memref_slice %dma_wait3A_63[%dma_wait3A_64, %dma_wait3A_65] : memref<80x128xi32, #tpu.memory_space<hbm>> -> memref<40x128xi32, #tpu.memory_space<hbm>>
      tpu.wait_dma2 semaphore(%run_scoped3A : memref<!tpu.dma_semaphore, #tpu.memory_space<semaphore_mem>>) src(%dma_wait3A_66 : memref<40x128xi32, #tpu.memory_space<hbm>>) dst(%arg8 : memref<40x128xi32, #tpu.memory_space<vmem>>)
      tpu.yield
    }) : () -> ()
    %dma_start3A = arith.constant 0 : i32
    %dma_start3A_5 = arith.constant 0 : i32
    %dma_start3A_6 = arith.constant 0 : i32
    %dma_start3A_7 = tpu.memref_slice %arg9[%dma_start3A_5, %dma_start3A_6] : memref<256x128xf32, #tpu.memory_space<vmem>> -> memref<128x128xf32, #tpu.memory_space<vmem>>
    %dma_start3A_8 = arith.constant 0 : i32
    %dma_start3A_9 = tpu.memref_slice %arg7[%dma_start3A, %dma_start3A_8] : memref<40x128xi32, #tpu.memory_space<vmem>> -> memref<1x128xi32, #tpu.memory_space<vmem>>
    %dma_start3A_10 = tpu.memref_squeeze %dma_start3A_9 : memref<1x128xi32, #tpu.memory_space<vmem>> -> memref<128xi32, #tpu.memory_space<vmem>>
    %dma_start3A_11 = arith.constant 0 : i32
    %dma_start3A_12 = arith.constant 0 : i32
    %dma_start3A_13 = tpu.memref_slice %arg2[%dma_start3A_11, %dma_start3A_12] : memref<10240x128xf32, #tpu.memory_space<hbm>> -> memref<10240x128xf32, #tpu.memory_space<hbm>>
    tpu.enqueue_indirect_dma source(%dma_start3A_13 : memref<10240x128xf32, #tpu.memory_space<hbm>>) target(%dma_start3A_7 : memref<128x128xf32, #tpu.memory_space<vmem>>) offsets(%dma_start3A_10 : memref<128xi32, #tpu.memory_space<vmem>>) semaphore(%arg11 : memref<!tpu.dma_semaphore, #tpu.memory_space<semaphore_mem>>)
    %scan3A = arith.constant 0 : i32
    %scan3A_14 = arith.constant 0 : i32
    %scan3A_15 = arith.constant 20 : i32
    %scan3A_16 = arith.addi %scan3A_14, %scan3A_15 : i32
    %scan3A_17 = arith.constant 1 : i32
    scf.for %scan3A_40 = %scan3A_14 to %scan3A_16 step %scan3A_17  : i32 {
      %mul3A_41 = arith.constant 2 : i32
      %mul3A_42 = arith.muli %mul3A_41, %scan3A_40 : i32
      %dma_wait3A = arith.constant 0 : i32
      %dma_wait3A_43 = arith.constant 0 : i32
      %dma_wait3A_44 = tpu.memref_slice %arg9[%dma_wait3A, %dma_wait3A_43] : memref<256x128xf32, #tpu.memory_space<vmem>> -> memref<128x128xf32, #tpu.memory_space<vmem>>
      %dma_wait3A_45 = arith.constant 0 : i32
      %dma_wait3A_46 = tpu.memref_slice %arg7[%mul3A_42, %dma_wait3A_45] : memref<40x128xi32, #tpu.memory_space<vmem>> -> memref<1x128xi32, #tpu.memory_space<vmem>>
      %dma_wait3A_47 = tpu.memref_squeeze %dma_wait3A_46 : memref<1x128xi32, #tpu.memory_space<vmem>> -> memref<128xi32, #tpu.memory_space<vmem>>
      %dma_wait3A_48 = arith.constant 0 : i32
      %dma_wait3A_49 = arith.constant 0 : i32
      %dma_wait3A_50 = tpu.memref_slice %arg2[%dma_wait3A_48, %dma_wait3A_49] : memref<10240x128xf32, #tpu.memory_space<hbm>> -> memref<10240x128xf32, #tpu.memory_space<hbm>>
      tpu.wait_indirect_dma semaphore(%arg11 : memref<!tpu.dma_semaphore, #tpu.memory_space<semaphore_mem>>) src(%dma_wait3A_50 : memref<10240x128xf32, #tpu.memory_space<hbm>>) dst(%dma_wait3A_44 : memref<128x128xf32, #tpu.memory_space<vmem>>)
      %mul3A_51 = arith.constant 2 : i32
      %mul3A_52 = arith.muli %mul3A_51, %scan3A_40 : i32
      %add3A_53 = arith.constant 1 : i32
      %add3A_54 = arith.addi %mul3A_52, %add3A_53 : i32
      %dma_start3A_55 = arith.constant 128 : i32
      %dma_start3A_56 = arith.constant 0 : i32
      %dma_start3A_57 = tpu.memref_slice %arg9[%dma_start3A_55, %dma_start3A_56] : memref<256x128xf32, #tpu.memory_space<vmem>> -> memref<128x128xf32, #tpu.memory_space<vmem>>
      %dma_start3A_58 = arith.constant 0 : i32
      %dma_start3A_59 = tpu.memref_slice %arg7[%add3A_54, %dma_start3A_58] : memref<40x128xi32, #tpu.memory_space<vmem>> -> memref<1x128xi32, #tpu.memory_space<vmem>>
      %dma_start3A_60 = tpu.memref_squeeze %dma_start3A_59 : memref<1x128xi32, #tpu.memory_space<vmem>> -> memref<128xi32, #tpu.memory_space<vmem>>
      %dma_start3A_61 = arith.constant 0 : i32
      %dma_start3A_62 = arith.constant 0 : i32
      %dma_start3A_63 = tpu.memref_slice %arg2[%dma_start3A_61, %dma_start3A_62] : memref<10240x128xf32, #tpu.memory_space<hbm>> -> memref<10240x128xf32, #tpu.memory_space<hbm>>
      tpu.enqueue_indirect_dma source(%dma_start3A_63 : memref<10240x128xf32, #tpu.memory_space<hbm>>) target(%dma_start3A_57 : memref<128x128xf32, #tpu.memory_space<vmem>>) offsets(%dma_start3A_60 : memref<128xi32, #tpu.memory_space<vmem>>) semaphore(%arg12 : memref<!tpu.dma_semaphore, #tpu.memory_space<semaphore_mem>>)
      %mul3A_64 = arith.constant 2 : i32
      %mul3A_65 = arith.muli %mul3A_64, %scan3A_40 : i32
      "tpu.region"() ({
        %run_scoped3A = tpu.sem_alloc : memref<!tpu.dma_semaphore, #tpu.memory_space<semaphore_mem>>
        %dma_start3A_89 = arith.constant 0 : i32
        %dma_start3A_90 = arith.constant 0 : i32
        %dma_start3A_91 = tpu.memref_slice %arg9[%dma_start3A_89, %dma_start3A_90] : memref<256x128xf32, #tpu.memory_space<vmem>> -> memref<128x128xf32, #tpu.memory_space<vmem>>
        %dma_start3A_92 = arith.constant 0 : i32
        %dma_start3A_93 = tpu.memref_slice %arg8[%mul3A_65, %dma_start3A_92] : memref<40x128xi32, #tpu.memory_space<vmem>> -> memref<1x128xi32, #tpu.memory_space<vmem>>
        %dma_start3A_94 = tpu.memref_squeeze %dma_start3A_93 : memref<1x128xi32, #tpu.memory_space<vmem>> -> memref<128xi32, #tpu.memory_space<vmem>>
        %dma_start3A_95 = arith.constant 0 : i32
        %dma_start3A_96 = arith.constant 0 : i32
        %dma_start3A_97 = tpu.memref_slice %arg10[%dma_start3A_95, %dma_start3A_96] : memref<10240x128xf32, #tpu.memory_space<vmem_shared>> -> memref<10240x128xf32, #tpu.memory_space<vmem_shared>>
        tpu.enqueue_indirect_dma source(%dma_start3A_91 : memref<128x128xf32, #tpu.memory_space<vmem>>) target(%dma_start3A_97 : memref<10240x128xf32, #tpu.memory_space<vmem_shared>>) offsets(%dma_start3A_94 : memref<128xi32, #tpu.memory_space<vmem>>) semaphore(%run_scoped3A : memref<!tpu.dma_semaphore, #tpu.memory_space<semaphore_mem>>) {add = true}
        %dma_wait3A_98 = arith.constant 0 : i32
        %dma_wait3A_99 = arith.constant 0 : i32
        %dma_wait3A_100 = tpu.memref_slice %arg9[%dma_wait3A_98, %dma_wait3A_99] : memref<256x128xf32, #tpu.memory_space<vmem>> -> memref<128x128xf32, #tpu.memory_space<vmem>>
        %dma_wait3A_101 = arith.constant 0 : i32
        %dma_wait3A_102 = tpu.memref_slice %arg8[%mul3A_65, %dma_wait3A_101] : memref<40x128xi32, #tpu.memory_space<vmem>> -> memref<1x128xi32, #tpu.memory_space<vmem>>
        %dma_wait3A_103 = tpu.memref_squeeze %dma_wait3A_102 : memref<1x128xi32, #tpu.memory_space<vmem>> -> memref<128xi32, #tpu.memory_space<vmem>>
        %dma_wait3A_104 = arith.constant 0 : i32
        %dma_wait3A_105 = arith.constant 0 : i32
        %dma_wait3A_106 = tpu.memref_slice %arg10[%dma_wait3A_104, %dma_wait3A_105] : memref<10240x128xf32, #tpu.memory_space<vmem_shared>> -> memref<10240x128xf32, #tpu.memory_space<vmem_shared>>
        tpu.wait_indirect_dma semaphore(%run_scoped3A : memref<!tpu.dma_semaphore, #tpu.memory_space<semaphore_mem>>) src(%dma_wait3A_100 : memref<128x128xf32, #tpu.memory_space<vmem>>) dst(%dma_wait3A_106 : memref<10240x128xf32, #tpu.memory_space<vmem_shared>>)
        tpu.yield
      }) : () -> ()
      %mul3A_66 = arith.constant 2 : i32
      %mul3A_67 = arith.muli %mul3A_66, %scan3A_40 : i32
      %add3A_68 = arith.constant 1 : i32
      %add3A_69 = arith.addi %mul3A_67, %add3A_68 : i32
      %dma_wait3A_70 = arith.constant 128 : i32
      %dma_wait3A_71 = arith.constant 0 : i32
      %dma_wait3A_72 = tpu.memref_slice %arg9[%dma_wait3A_70, %dma_wait3A_71] : memref<256x128xf32, #tpu.memory_space<vmem>> -> memref<128x128xf32, #tpu.memory_space<vmem>>
      %dma_wait3A_73 = arith.constant 0 : i32
      %dma_wait3A_74 = tpu.memref_slice %arg7[%add3A_69, %dma_wait3A_73] : memref<40x128xi32, #tpu.memory_space<vmem>> -> memref<1x128xi32, #tpu.memory_space<vmem>>
      %dma_wait3A_75 = tpu.memref_squeeze %dma_wait3A_74 : memref<1x128xi32, #tpu.memory_space<vmem>> -> memref<128xi32, #tpu.memory_space<vmem>>
      %dma_wait3A_76 = arith.constant 0 : i32
      %dma_wait3A_77 = arith.constant 0 : i32
      %dma_wait3A_78 = tpu.memref_slice %arg2[%dma_wait3A_76, %dma_wait3A_77] : memref<10240x128xf32, #tpu.memory_space<hbm>> -> memref<10240x128xf32, #tpu.memory_space<hbm>>
      tpu.wait_indirect_dma semaphore(%arg12 : memref<!tpu.dma_semaphore, #tpu.memory_space<semaphore_mem>>) src(%dma_wait3A_78 : memref<10240x128xf32, #tpu.memory_space<hbm>>) dst(%dma_wait3A_72 : memref<128x128xf32, #tpu.memory_space<vmem>>)
      %mul3A_79 = arith.constant 2 : i32
      %mul3A_80 = arith.muli %mul3A_79, %scan3A_40 : i32
      %add3A_81 = arith.constant 2 : i32
      %add3A_82 = arith.addi %mul3A_80, %add3A_81 : i32
      %lt3A = arith.constant 40 : i32
      %lt3A_83 = arith.cmpi slt, %add3A_82, %lt3A : i32
      %convert_element_type3A = arith.extui %lt3A_83 : i1 to i32
      %cond3A = arith.constant 0 : i32
      %cond3A_84 = arith.cmpi ne, %convert_element_type3A, %cond3A : i32
      scf.if %cond3A_84 {
        %mul3A_89 = arith.constant 2 : i32
        %mul3A_90 = arith.muli %mul3A_89, %scan3A_40 : i32
        %add3A_91 = arith.constant 2 : i32
        %add3A_92 = arith.addi %mul3A_90, %add3A_91 : i32
        %dma_start3A_93 = arith.constant 0 : i32
        %dma_start3A_94 = arith.constant 0 : i32
        %dma_start3A_95 = tpu.memref_slice %arg9[%dma_start3A_93, %dma_start3A_94] : memref<256x128xf32, #tpu.memory_space<vmem>> -> memref<128x128xf32, #tpu.memory_space<vmem>>
        %dma_start3A_96 = arith.constant 0 : i32
        %dma_start3A_97 = tpu.memref_slice %arg7[%add3A_92, %dma_start3A_96] : memref<40x128xi32, #tpu.memory_space<vmem>> -> memref<1x128xi32, #tpu.memory_space<vmem>>
        %dma_start3A_98 = tpu.memref_squeeze %dma_start3A_97 : memref<1x128xi32, #tpu.memory_space<vmem>> -> memref<128xi32, #tpu.memory_space<vmem>>
        %dma_start3A_99 = arith.constant 0 : i32
        %dma_start3A_100 = arith.constant 0 : i32
        %dma_start3A_101 = tpu.memref_slice %arg2[%dma_start3A_99, %dma_start3A_100] : memref<10240x128xf32, #tpu.memory_space<hbm>> -> memref<10240x128xf32, #tpu.memory_space<hbm>>
        tpu.enqueue_indirect_dma source(%dma_start3A_101 : memref<10240x128xf32, #tpu.memory_space<hbm>>) target(%dma_start3A_95 : memref<128x128xf32, #tpu.memory_space<vmem>>) offsets(%dma_start3A_98 : memref<128xi32, #tpu.memory_space<vmem>>) semaphore(%arg11 : memref<!tpu.dma_semaphore, #tpu.memory_space<semaphore_mem>>)
      } else {
      }
      %mul3A_85 = arith.constant 2 : i32
      %mul3A_86 = arith.muli %mul3A_85, %scan3A_40 : i32
      %add3A_87 = arith.constant 1 : i32
      %add3A_88 = arith.addi %mul3A_86, %add3A_87 : i32
      "tpu.region"() ({
        %run_scoped3A = tpu.sem_alloc : memref<!tpu.dma_semaphore, #tpu.memory_space<semaphore_mem>>
        %dma_start3A_89 = arith.constant 128 : i32
        %dma_start3A_90 = arith.constant 0 : i32
        %dma_start3A_91 = tpu.memref_slice %arg9[%dma_start3A_89, %dma_start3A_90] : memref<256x128xf32, #tpu.memory_space<vmem>> -> memref<128x128xf32, #tpu.memory_space<vmem>>
        %dma_start3A_92 = arith.constant 0 : i32
        %dma_start3A_93 = tpu.memref_slice %arg8[%add3A_88, %dma_start3A_92] : memref<40x128xi32, #tpu.memory_space<vmem>> -> memref<1x128xi32, #tpu.memory_space<vmem>>
        %dma_start3A_94 = tpu.memref_squeeze %dma_start3A_93 : memref<1x128xi32, #tpu.memory_space<vmem>> -> memref<128xi32, #tpu.memory_space<vmem>>
        %dma_start3A_95 = arith.constant 0 : i32
        %dma_start3A_96 = arith.constant 0 : i32
        %dma_start3A_97 = tpu.memref_slice %arg10[%dma_start3A_95, %dma_start3A_96] : memref<10240x128xf32, #tpu.memory_space<vmem_shared>> -> memref<10240x128xf32, #tpu.memory_space<vmem_shared>>
        tpu.enqueue_indirect_dma source(%dma_start3A_91 : memref<128x128xf32, #tpu.memory_space<vmem>>) target(%dma_start3A_97 : memref<10240x128xf32, #tpu.memory_space<vmem_shared>>) offsets(%dma_start3A_94 : memref<128xi32, #tpu.memory_space<vmem>>) semaphore(%run_scoped3A : memref<!tpu.dma_semaphore, #tpu.memory_space<semaphore_mem>>) {add = true}
        %dma_wait3A_98 = arith.constant 128 : i32
        %dma_wait3A_99 = arith.constant 0 : i32
        %dma_wait3A_100 = tpu.memref_slice %arg9[%dma_wait3A_98, %dma_wait3A_99] : memref<256x128xf32, #tpu.memory_space<vmem>> -> memref<128x128xf32, #tpu.memory_space<vmem>>
        %dma_wait3A_101 = arith.constant 0 : i32
        %dma_wait3A_102 = tpu.memref_slice %arg8[%add3A_88, %dma_wait3A_101] : memref<40x128xi32, #tpu.memory_space<vmem>> -> memref<1x128xi32, #tpu.memory_space<vmem>>
        %dma_wait3A_103 = tpu.memref_squeeze %dma_wait3A_102 : memref<1x128xi32, #tpu.memory_space<vmem>> -> memref<128xi32, #tpu.memory_space<vmem>>
        %dma_wait3A_104 = arith.constant 0 : i32
        %dma_wait3A_105 = arith.constant 0 : i32
        %dma_wait3A_106 = tpu.memref_slice %arg10[%dma_wait3A_104, %dma_wait3A_105] : memref<10240x128xf32, #tpu.memory_space<vmem_shared>> -> memref<10240x128xf32, #tpu.memory_space<vmem_shared>>
        tpu.wait_indirect_dma semaphore(%run_scoped3A : memref<!tpu.dma_semaphore, #tpu.memory_space<semaphore_mem>>) src(%dma_wait3A_100 : memref<128x128xf32, #tpu.memory_space<vmem>>) dst(%dma_wait3A_106 : memref<10240x128xf32, #tpu.memory_space<vmem_shared>>)
        tpu.yield
      }) : () -> ()
    }
    %scan3A_18 = arith.constant 20 : i32
    "tpu.region"() ({
      %run_scoped3A = tpu.sem_alloc : memref<!tpu.dma_semaphore, #tpu.memory_space<semaphore_mem>>
      %dma_start3A_40 = arith.constant 0 : i32
      %dma_start3A_41 = arith.constant 0 : i32
      %dma_start3A_42 = tpu.memref_slice %arg3[%add3A, %dma_start3A_40, %dma_start3A_41] : memref<32x80x128xi32, #tpu.memory_space<hbm>> -> memref<1x80x128xi32, #tpu.memory_space<hbm>>
      %dma_start3A_43 = tpu.memref_squeeze %dma_start3A_42 : memref<1x80x128xi32, #tpu.memory_space<hbm>> -> memref<80x128xi32, #tpu.memory_space<hbm>>
      %dma_start3A_44 = arith.constant 40 : i32
      %dma_start3A_45 = arith.constant 0 : i32
      %dma_start3A_46 = tpu.memref_slice %dma_start3A_43[%dma_start3A_44, %dma_start3A_45] : memref<80x128xi32, #tpu.memory_space<hbm>> -> memref<40x128xi32, #tpu.memory_space<hbm>>
      %dma_start3A_47 = arith.constant 0 : i32
      %dma_start3A_48 = arith.constant 0 : i32
      %dma_start3A_49 = tpu.memref_slice %arg3[%add3A, %dma_start3A_47, %dma_start3A_48] : memref<32x80x128xi32, #tpu.memory_space<hbm>> -> memref<1x80x128xi32, #tpu.memory_space<hbm>>
      %dma_start3A_50 = tpu.memref_squeeze %dma_start3A_49 : memref<1x80x128xi32, #tpu.memory_space<hbm>> -> memref<80x128xi32, #tpu.memory_space<hbm>>
      %dma_start3A_51 = arith.constant 40 : i32
      %dma_start3A_52 = arith.constant 0 : i32
      %dma_start3A_53 = tpu.memref_slice %dma_start3A_50[%dma_start3A_51, %dma_start3A_52] : memref<80x128xi32, #tpu.memory_space<hbm>> -> memref<40x128xi32, #tpu.memory_space<hbm>>
      tpu.enqueue_dma source(%dma_start3A_53 : memref<40x128xi32, #tpu.memory_space<hbm>>) target(%arg7 : memref<40x128xi32, #tpu.memory_space<vmem>>) target_semaphore(%run_scoped3A : memref<!tpu.dma_semaphore, #tpu.memory_space<semaphore_mem>>)
      %dma_wait3A = arith.constant 0 : i32
      %dma_wait3A_54 = arith.constant 0 : i32
      %dma_wait3A_55 = tpu.memref_slice %arg3[%add3A, %dma_wait3A, %dma_wait3A_54] : memref<32x80x128xi32, #tpu.memory_space<hbm>> -> memref<1x80x128xi32, #tpu.memory_space<hbm>>
      %dma_wait3A_56 = tpu.memref_squeeze %dma_wait3A_55 : memref<1x80x128xi32, #tpu.memory_space<hbm>> -> memref<80x128xi32, #tpu.memory_space<hbm>>
      %dma_wait3A_57 = arith.constant 40 : i32
      %dma_wait3A_58 = arith.constant 0 : i32
      %dma_wait3A_59 = tpu.memref_slice %dma_wait3A_56[%dma_wait3A_57, %dma_wait3A_58] : memref<80x128xi32, #tpu.memory_space<hbm>> -> memref<40x128xi32, #tpu.memory_space<hbm>>
      %dma_wait3A_60 = arith.constant 0 : i32
      %dma_wait3A_61 = arith.constant 0 : i32
      %dma_wait3A_62 = tpu.memref_slice %arg3[%add3A, %dma_wait3A_60, %dma_wait3A_61] : memref<32x80x128xi32, #tpu.memory_space<hbm>> -> memref<1x80x128xi32, #tpu.memory_space<hbm>>
      %dma_wait3A_63 = tpu.memref_squeeze %dma_wait3A_62 : memref<1x80x128xi32, #tpu.memory_space<hbm>> -> memref<80x128xi32, #tpu.memory_space<hbm>>
      %dma_wait3A_64 = arith.constant 40 : i32
      %dma_wait3A_65 = arith.constant 0 : i32
      %dma_wait3A_66 = tpu.memref_slice %dma_wait3A_63[%dma_wait3A_64, %dma_wait3A_65] : memref<80x128xi32, #tpu.memory_space<hbm>> -> memref<40x128xi32, #tpu.memory_space<hbm>>
      tpu.wait_dma2 semaphore(%run_scoped3A : memref<!tpu.dma_semaphore, #tpu.memory_space<semaphore_mem>>) src(%dma_wait3A_66 : memref<40x128xi32, #tpu.memory_space<hbm>>) dst(%arg7 : memref<40x128xi32, #tpu.memory_space<vmem>>)
      tpu.yield
    }) : () -> ()
    "tpu.region"() ({
      %run_scoped3A = tpu.sem_alloc : memref<!tpu.dma_semaphore, #tpu.memory_space<semaphore_mem>>
      %dma_start3A_40 = arith.constant 0 : i32
      %dma_start3A_41 = arith.constant 0 : i32
      %dma_start3A_42 = tpu.memref_slice %arg4[%add3A, %dma_start3A_40, %dma_start3A_41] : memref<32x80x128xi32, #tpu.memory_space<hbm>> -> memref<1x80x128xi32, #tpu.memory_space<hbm>>
      %dma_start3A_43 = tpu.memref_squeeze %dma_start3A_42 : memref<1x80x128xi32, #tpu.memory_space<hbm>> -> memref<80x128xi32, #tpu.memory_space<hbm>>
      %dma_start3A_44 = arith.constant 40 : i32
      %dma_start3A_45 = arith.constant 0 : i32
      %dma_start3A_46 = tpu.memref_slice %dma_start3A_43[%dma_start3A_44, %dma_start3A_45] : memref<80x128xi32, #tpu.memory_space<hbm>> -> memref<40x128xi32, #tpu.memory_space<hbm>>
      %dma_start3A_47 = arith.constant 0 : i32
      %dma_start3A_48 = arith.constant 0 : i32
      %dma_start3A_49 = tpu.memref_slice %arg4[%add3A, %dma_start3A_47, %dma_start3A_48] : memref<32x80x128xi32, #tpu.memory_space<hbm>> -> memref<1x80x128xi32, #tpu.memory_space<hbm>>
      %dma_start3A_50 = tpu.memref_squeeze %dma_start3A_49 : memref<1x80x128xi32, #tpu.memory_space<hbm>> -> memref<80x128xi32, #tpu.memory_space<hbm>>
      %dma_start3A_51 = arith.constant 40 : i32
      %dma_start3A_52 = arith.constant 0 : i32
      %dma_start3A_53 = tpu.memref_slice %dma_start3A_50[%dma_start3A_51, %dma_start3A_52] : memref<80x128xi32, #tpu.memory_space<hbm>> -> memref<40x128xi32, #tpu.memory_space<hbm>>
      tpu.enqueue_dma source(%dma_start3A_53 : memref<40x128xi32, #tpu.memory_space<hbm>>) target(%arg8 : memref<40x128xi32, #tpu.memory_space<vmem>>) target_semaphore(%run_scoped3A : memref<!tpu.dma_semaphore, #tpu.memory_space<semaphore_mem>>)
      %dma_wait3A = arith.constant 0 : i32
      %dma_wait3A_54 = arith.constant 0 : i32
      %dma_wait3A_55 = tpu.memref_slice %arg4[%add3A, %dma_wait3A, %dma_wait3A_54] : memref<32x80x128xi32, #tpu.memory_space<hbm>> -> memref<1x80x128xi32, #tpu.memory_space<hbm>>
      %dma_wait3A_56 = tpu.memref_squeeze %dma_wait3A_55 : memref<1x80x128xi32, #tpu.memory_space<hbm>> -> memref<80x128xi32, #tpu.memory_space<hbm>>
      %dma_wait3A_57 = arith.constant 40 : i32
      %dma_wait3A_58 = arith.constant 0 : i32
      %dma_wait3A_59 = tpu.memref_slice %dma_wait3A_56[%dma_wait3A_57, %dma_wait3A_58] : memref<80x128xi32, #tpu.memory_space<hbm>> -> memref<40x128xi32, #tpu.memory_space<hbm>>
      %dma_wait3A_60 = arith.constant 0 : i32
      %dma_wait3A_61 = arith.constant 0 : i32
      %dma_wait3A_62 = tpu.memref_slice %arg4[%add3A, %dma_wait3A_60, %dma_wait3A_61] : memref<32x80x128xi32, #tpu.memory_space<hbm>> -> memref<1x80x128xi32, #tpu.memory_space<hbm>>
      %dma_wait3A_63 = tpu.memref_squeeze %dma_wait3A_62 : memref<1x80x128xi32, #tpu.memory_space<hbm>> -> memref<80x128xi32, #tpu.memory_space<hbm>>
      %dma_wait3A_64 = arith.constant 40 : i32
      %dma_wait3A_65 = arith.constant 0 : i32
      %dma_wait3A_66 = tpu.memref_slice %dma_wait3A_63[%dma_wait3A_64, %dma_wait3A_65] : memref<80x128xi32, #tpu.memory_space<hbm>> -> memref<40x128xi32, #tpu.memory_space<hbm>>
      tpu.wait_dma2 semaphore(%run_scoped3A : memref<!tpu.dma_semaphore, #tpu.memory_space<semaphore_mem>>) src(%dma_wait3A_66 : memref<40x128xi32, #tpu.memory_space<hbm>>) dst(%arg8 : memref<40x128xi32, #tpu.memory_space<vmem>>)
      tpu.yield
    }) : () -> ()
    %dma_start3A_19 = arith.constant 0 : i32
    %dma_start3A_20 = arith.constant 0 : i32
    %dma_start3A_21 = arith.constant 0 : i32
    %dma_start3A_22 = tpu.memref_slice %arg9[%dma_start3A_20, %dma_start3A_21] : memref<256x128xf32, #tpu.memory_space<vmem>> -> memref<128x128xf32, #tpu.memory_space<vmem>>
    %dma_start3A_23 = arith.constant 0 : i32
    %dma_start3A_24 = tpu.memref_slice %arg7[%dma_start3A_19, %dma_start3A_23] : memref<40x128xi32, #tpu.memory_space<vmem>> -> memref<1x128xi32, #tpu.memory_space<vmem>>
    %dma_start3A_25 = tpu.memref_squeeze %dma_start3A_24 : memref<1x128xi32, #tpu.memory_space<vmem>> -> memref<128xi32, #tpu.memory_space<vmem>>
    %dma_start3A_26 = arith.constant 0 : i32
    %dma_start3A_27 = arith.constant 0 : i32
    %dma_start3A_28 = tpu.memref_slice %arg2[%dma_start3A_26, %dma_start3A_27] : memref<10240x128xf32, #tpu.memory_space<hbm>> -> memref<10240x128xf32, #tpu.memory_space<hbm>>
    tpu.enqueue_indirect_dma source(%dma_start3A_28 : memref<10240x128xf32, #tpu.memory_space<hbm>>) target(%dma_start3A_22 : memref<128x128xf32, #tpu.memory_space<vmem>>) offsets(%dma_start3A_25 : memref<128xi32, #tpu.memory_space<vmem>>) semaphore(%arg11 : memref<!tpu.dma_semaphore, #tpu.memory_space<semaphore_mem>>)
    %scan3A_29 = arith.constant 0 : i32
    %scan3A_30 = arith.constant 0 : i32
    %scan3A_31 = arith.constant 20 : i32
    %scan3A_32 = arith.addi %scan3A_30, %scan3A_31 : i32
    %scan3A_33 = arith.constant 1 : i32
    scf.for %scan3A_40 = %scan3A_30 to %scan3A_32 step %scan3A_33  : i32 {
      %mul3A_41 = arith.constant 2 : i32
      %mul3A_42 = arith.muli %mul3A_41, %scan3A_40 : i32
      %dma_wait3A = arith.constant 0 : i32
      %dma_wait3A_43 = arith.constant 0 : i32
      %dma_wait3A_44 = tpu.memref_slice %arg9[%dma_wait3A, %dma_wait3A_43] : memref<256x128xf32, #tpu.memory_space<vmem>> -> memref<128x128xf32, #tpu.memory_space<vmem>>
      %dma_wait3A_45 = arith.constant 0 : i32
      %dma_wait3A_46 = tpu.memref_slice %arg7[%mul3A_42, %dma_wait3A_45] : memref<40x128xi32, #tpu.memory_space<vmem>> -> memref<1x128xi32, #tpu.memory_space<vmem>>
      %dma_wait3A_47 = tpu.memref_squeeze %dma_wait3A_46 : memref<1x128xi32, #tpu.memory_space<vmem>> -> memref<128xi32, #tpu.memory_space<vmem>>
      %dma_wait3A_48 = arith.constant 0 : i32
      %dma_wait3A_49 = arith.constant 0 : i32
      %dma_wait3A_50 = tpu.memref_slice %arg2[%dma_wait3A_48, %dma_wait3A_49] : memref<10240x128xf32, #tpu.memory_space<hbm>> -> memref<10240x128xf32, #tpu.memory_space<hbm>>
      tpu.wait_indirect_dma semaphore(%arg11 : memref<!tpu.dma_semaphore, #tpu.memory_space<semaphore_mem>>) src(%dma_wait3A_50 : memref<10240x128xf32, #tpu.memory_space<hbm>>) dst(%dma_wait3A_44 : memref<128x128xf32, #tpu.memory_space<vmem>>)
      %mul3A_51 = arith.constant 2 : i32
      %mul3A_52 = arith.muli %mul3A_51, %scan3A_40 : i32
      %add3A_53 = arith.constant 1 : i32
      %add3A_54 = arith.addi %mul3A_52, %add3A_53 : i32
      %dma_start3A_55 = arith.constant 128 : i32
      %dma_start3A_56 = arith.constant 0 : i32
      %dma_start3A_57 = tpu.memref_slice %arg9[%dma_start3A_55, %dma_start3A_56] : memref<256x128xf32, #tpu.memory_space<vmem>> -> memref<128x128xf32, #tpu.memory_space<vmem>>
      %dma_start3A_58 = arith.constant 0 : i32
      %dma_start3A_59 = tpu.memref_slice %arg7[%add3A_54, %dma_start3A_58] : memref<40x128xi32, #tpu.memory_space<vmem>> -> memref<1x128xi32, #tpu.memory_space<vmem>>
      %dma_start3A_60 = tpu.memref_squeeze %dma_start3A_59 : memref<1x128xi32, #tpu.memory_space<vmem>> -> memref<128xi32, #tpu.memory_space<vmem>>
      %dma_start3A_61 = arith.constant 0 : i32
      %dma_start3A_62 = arith.constant 0 : i32
      %dma_start3A_63 = tpu.memref_slice %arg2[%dma_start3A_61, %dma_start3A_62] : memref<10240x128xf32, #tpu.memory_space<hbm>> -> memref<10240x128xf32, #tpu.memory_space<hbm>>
      tpu.enqueue_indirect_dma source(%dma_start3A_63 : memref<10240x128xf32, #tpu.memory_space<hbm>>) target(%dma_start3A_57 : memref<128x128xf32, #tpu.memory_space<vmem>>) offsets(%dma_start3A_60 : memref<128xi32, #tpu.memory_space<vmem>>) semaphore(%arg12 : memref<!tpu.dma_semaphore, #tpu.memory_space<semaphore_mem>>)
      %mul3A_64 = arith.constant 2 : i32
      %mul3A_65 = arith.muli %mul3A_64, %scan3A_40 : i32
      "tpu.region"() ({
        %run_scoped3A = tpu.sem_alloc : memref<!tpu.dma_semaphore, #tpu.memory_space<semaphore_mem>>
        %dma_start3A_89 = arith.constant 0 : i32
        %dma_start3A_90 = arith.constant 0 : i32
        %dma_start3A_91 = tpu.memref_slice %arg9[%dma_start3A_89, %dma_start3A_90] : memref<256x128xf32, #tpu.memory_space<vmem>> -> memref<128x128xf32, #tpu.memory_space<vmem>>
        %dma_start3A_92 = arith.constant 0 : i32
        %dma_start3A_93 = tpu.memref_slice %arg8[%mul3A_65, %dma_start3A_92] : memref<40x128xi32, #tpu.memory_space<vmem>> -> memref<1x128xi32, #tpu.memory_space<vmem>>
        %dma_start3A_94 = tpu.memref_squeeze %dma_start3A_93 : memref<1x128xi32, #tpu.memory_space<vmem>> -> memref<128xi32, #tpu.memory_space<vmem>>
        %dma_start3A_95 = arith.constant 0 : i32
        %dma_start3A_96 = arith.constant 0 : i32
        %dma_start3A_97 = tpu.memref_slice %arg10[%dma_start3A_95, %dma_start3A_96] : memref<10240x128xf32, #tpu.memory_space<vmem_shared>> -> memref<10240x128xf32, #tpu.memory_space<vmem_shared>>
        tpu.enqueue_indirect_dma source(%dma_start3A_91 : memref<128x128xf32, #tpu.memory_space<vmem>>) target(%dma_start3A_97 : memref<10240x128xf32, #tpu.memory_space<vmem_shared>>) offsets(%dma_start3A_94 : memref<128xi32, #tpu.memory_space<vmem>>) semaphore(%run_scoped3A : memref<!tpu.dma_semaphore, #tpu.memory_space<semaphore_mem>>) {add = true}
        %dma_wait3A_98 = arith.constant 0 : i32
        %dma_wait3A_99 = arith.constant 0 : i32
        %dma_wait3A_100 = tpu.memref_slice %arg9[%dma_wait3A_98, %dma_wait3A_99] : memref<256x128xf32, #tpu.memory_space<vmem>> -> memref<128x128xf32, #tpu.memory_space<vmem>>
        %dma_wait3A_101 = arith.constant 0 : i32
        %dma_wait3A_102 = tpu.memref_slice %arg8[%mul3A_65, %dma_wait3A_101] : memref<40x128xi32, #tpu.memory_space<vmem>> -> memref<1x128xi32, #tpu.memory_space<vmem>>
        %dma_wait3A_103 = tpu.memref_squeeze %dma_wait3A_102 : memref<1x128xi32, #tpu.memory_space<vmem>> -> memref<128xi32, #tpu.memory_space<vmem>>
        %dma_wait3A_104 = arith.constant 0 : i32
        %dma_wait3A_105 = arith.constant 0 : i32
        %dma_wait3A_106 = tpu.memref_slice %arg10[%dma_wait3A_104, %dma_wait3A_105] : memref<10240x128xf32, #tpu.memory_space<vmem_shared>> -> memref<10240x128xf32, #tpu.memory_space<vmem_shared>>
        tpu.wait_indirect_dma semaphore(%run_scoped3A : memref<!tpu.dma_semaphore, #tpu.memory_space<semaphore_mem>>) src(%dma_wait3A_100 : memref<128x128xf32, #tpu.memory_space<vmem>>) dst(%dma_wait3A_106 : memref<10240x128xf32, #tpu.memory_space<vmem_shared>>)
        tpu.yield
      }) : () -> ()
      %mul3A_66 = arith.constant 2 : i32
      %mul3A_67 = arith.muli %mul3A_66, %scan3A_40 : i32
      %add3A_68 = arith.constant 1 : i32
      %add3A_69 = arith.addi %mul3A_67, %add3A_68 : i32
      %dma_wait3A_70 = arith.constant 128 : i32
      %dma_wait3A_71 = arith.constant 0 : i32
      %dma_wait3A_72 = tpu.memref_slice %arg9[%dma_wait3A_70, %dma_wait3A_71] : memref<256x128xf32, #tpu.memory_space<vmem>> -> memref<128x128xf32, #tpu.memory_space<vmem>>
      %dma_wait3A_73 = arith.constant 0 : i32
      %dma_wait3A_74 = tpu.memref_slice %arg7[%add3A_69, %dma_wait3A_73] : memref<40x128xi32, #tpu.memory_space<vmem>> -> memref<1x128xi32, #tpu.memory_space<vmem>>
      %dma_wait3A_75 = tpu.memref_squeeze %dma_wait3A_74 : memref<1x128xi32, #tpu.memory_space<vmem>> -> memref<128xi32, #tpu.memory_space<vmem>>
      %dma_wait3A_76 = arith.constant 0 : i32
      %dma_wait3A_77 = arith.constant 0 : i32
      %dma_wait3A_78 = tpu.memref_slice %arg2[%dma_wait3A_76, %dma_wait3A_77] : memref<10240x128xf32, #tpu.memory_space<hbm>> -> memref<10240x128xf32, #tpu.memory_space<hbm>>
      tpu.wait_indirect_dma semaphore(%arg12 : memref<!tpu.dma_semaphore, #tpu.memory_space<semaphore_mem>>) src(%dma_wait3A_78 : memref<10240x128xf32, #tpu.memory_space<hbm>>) dst(%dma_wait3A_72 : memref<128x128xf32, #tpu.memory_space<vmem>>)
      %mul3A_79 = arith.constant 2 : i32
      %mul3A_80 = arith.muli %mul3A_79, %scan3A_40 : i32
      %add3A_81 = arith.constant 2 : i32
      %add3A_82 = arith.addi %mul3A_80, %add3A_81 : i32
      %lt3A = arith.constant 40 : i32
      %lt3A_83 = arith.cmpi slt, %add3A_82, %lt3A : i32
      %convert_element_type3A = arith.extui %lt3A_83 : i1 to i32
      %cond3A = arith.constant 0 : i32
      %cond3A_84 = arith.cmpi ne, %convert_element_type3A, %cond3A : i32
      scf.if %cond3A_84 {
        %mul3A_89 = arith.constant 2 : i32
        %mul3A_90 = arith.muli %mul3A_89, %scan3A_40 : i32
        %add3A_91 = arith.constant 2 : i32
        %add3A_92 = arith.addi %mul3A_90, %add3A_91 : i32
        %dma_start3A_93 = arith.constant 0 : i32
        %dma_start3A_94 = arith.constant 0 : i32
        %dma_start3A_95 = tpu.memref_slice %arg9[%dma_start3A_93, %dma_start3A_94] : memref<256x128xf32, #tpu.memory_space<vmem>> -> memref<128x128xf32, #tpu.memory_space<vmem>>
        %dma_start3A_96 = arith.constant 0 : i32
        %dma_start3A_97 = tpu.memref_slice %arg7[%add3A_92, %dma_start3A_96] : memref<40x128xi32, #tpu.memory_space<vmem>> -> memref<1x128xi32, #tpu.memory_space<vmem>>
        %dma_start3A_98 = tpu.memref_squeeze %dma_start3A_97 : memref<1x128xi32, #tpu.memory_space<vmem>> -> memref<128xi32, #tpu.memory_space<vmem>>
        %dma_start3A_99 = arith.constant 0 : i32
        %dma_start3A_100 = arith.constant 0 : i32
        %dma_start3A_101 = tpu.memref_slice %arg2[%dma_start3A_99, %dma_start3A_100] : memref<10240x128xf32, #tpu.memory_space<hbm>> -> memref<10240x128xf32, #tpu.memory_space<hbm>>
        tpu.enqueue_indirect_dma source(%dma_start3A_101 : memref<10240x128xf32, #tpu.memory_space<hbm>>) target(%dma_start3A_95 : memref<128x128xf32, #tpu.memory_space<vmem>>) offsets(%dma_start3A_98 : memref<128xi32, #tpu.memory_space<vmem>>) semaphore(%arg11 : memref<!tpu.dma_semaphore, #tpu.memory_space<semaphore_mem>>)
      } else {
      }
      %mul3A_85 = arith.constant 2 : i32
      %mul3A_86 = arith.muli %mul3A_85, %scan3A_40 : i32
      %add3A_87 = arith.constant 1 : i32
      %add3A_88 = arith.addi %mul3A_86, %add3A_87 : i32
      "tpu.region"() ({
        %run_scoped3A = tpu.sem_alloc : memref<!tpu.dma_semaphore, #tpu.memory_space<semaphore_mem>>
        %dma_start3A_89 = arith.constant 128 : i32
        %dma_start3A_90 = arith.constant 0 : i32
        %dma_start3A_91 = tpu.memref_slice %arg9[%dma_start3A_89, %dma_start3A_90] : memref<256x128xf32, #tpu.memory_space<vmem>> -> memref<128x128xf32, #tpu.memory_space<vmem>>
        %dma_start3A_92 = arith.constant 0 : i32
        %dma_start3A_93 = tpu.memref_slice %arg8[%add3A_88, %dma_start3A_92] : memref<40x128xi32, #tpu.memory_space<vmem>> -> memref<1x128xi32, #tpu.memory_space<vmem>>
        %dma_start3A_94 = tpu.memref_squeeze %dma_start3A_93 : memref<1x128xi32, #tpu.memory_space<vmem>> -> memref<128xi32, #tpu.memory_space<vmem>>
        %dma_start3A_95 = arith.constant 0 : i32
        %dma_start3A_96 = arith.constant 0 : i32
        %dma_start3A_97 = tpu.memref_slice %arg10[%dma_start3A_95, %dma_start3A_96] : memref<10240x128xf32, #tpu.memory_space<vmem_shared>> -> memref<10240x128xf32, #tpu.memory_space<vmem_shared>>
        tpu.enqueue_indirect_dma source(%dma_start3A_91 : memref<128x128xf32, #tpu.memory_space<vmem>>) target(%dma_start3A_97 : memref<10240x128xf32, #tpu.memory_space<vmem_shared>>) offsets(%dma_start3A_94 : memref<128xi32, #tpu.memory_space<vmem>>) semaphore(%run_scoped3A : memref<!tpu.dma_semaphore, #tpu.memory_space<semaphore_mem>>) {add = true}
        %dma_wait3A_98 = arith.constant 128 : i32
        %dma_wait3A_99 = arith.constant 0 : i32
        %dma_wait3A_100 = tpu.memref_slice %arg9[%dma_wait3A_98, %dma_wait3A_99] : memref<256x128xf32, #tpu.memory_space<vmem>> -> memref<128x128xf32, #tpu.memory_space<vmem>>
        %dma_wait3A_101 = arith.constant 0 : i32
        %dma_wait3A_102 = tpu.memref_slice %arg8[%add3A_88, %dma_wait3A_101] : memref<40x128xi32, #tpu.memory_space<vmem>> -> memref<1x128xi32, #tpu.memory_space<vmem>>
        %dma_wait3A_103 = tpu.memref_squeeze %dma_wait3A_102 : memref<1x128xi32, #tpu.memory_space<vmem>> -> memref<128xi32, #tpu.memory_space<vmem>>
        %dma_wait3A_104 = arith.constant 0 : i32
        %dma_wait3A_105 = arith.constant 0 : i32
        %dma_wait3A_106 = tpu.memref_slice %arg10[%dma_wait3A_104, %dma_wait3A_105] : memref<10240x128xf32, #tpu.memory_space<vmem_shared>> -> memref<10240x128xf32, #tpu.memory_space<vmem_shared>>
        tpu.wait_indirect_dma semaphore(%run_scoped3A : memref<!tpu.dma_semaphore, #tpu.memory_space<semaphore_mem>>) src(%dma_wait3A_100 : memref<128x128xf32, #tpu.memory_space<vmem>>) dst(%dma_wait3A_106 : memref<10240x128xf32, #tpu.memory_space<vmem_shared>>)
        tpu.yield
      }) : () -> ()
    }
    %scan3A_34 = arith.constant 20 : i32
    %barrier3A_35 = arith.constant 0 : index
    tpu.barrier barrier_id(%barrier3A_35)
    %mul3A_36 = arith.constant 640 : i32
    %mul3A_37 = arith.muli %arg1, %mul3A_36 : i32
    %mul3A_38 = arith.constant 640 : i32
    %mul3A_39 = arith.muli %arg1, %mul3A_38 : i32
    "tpu.region"() ({
      %run_scoped3A = tpu.sem_alloc : memref<!tpu.dma_semaphore, #tpu.memory_space<semaphore_mem>>
      %dma_start3A_40 = arith.constant 0 : i32
      %dma_start3A_41 = arith.constant 0 : i32
      %dma_start3A_42 = tpu.memref_slice %arg6[%arg0, %dma_start3A_40, %dma_start3A_41] : memref<2x10240x128xf32, #tpu.memory_space<hbm>> -> memref<1x10240x128xf32, #tpu.memory_space<hbm>>
      %dma_start3A_43 = tpu.memref_squeeze %dma_start3A_42 : memref<1x10240x128xf32, #tpu.memory_space<hbm>> -> memref<10240x128xf32, #tpu.memory_space<hbm>>
      %dma_start3A_44 = arith.constant 0 : i32
      %dma_start3A_45 = tpu.memref_slice %dma_start3A_43[%mul3A_39, %dma_start3A_44] : memref<10240x128xf32, #tpu.memory_space<hbm>> -> memref<640x128xf32, #tpu.memory_space<hbm>>
      %dma_start3A_46 = arith.constant 0 : i32
      %dma_start3A_47 = tpu.memref_slice %arg10[%mul3A_37, %dma_start3A_46] : memref<10240x128xf32, #tpu.memory_space<vmem_shared>> -> memref<640x128xf32, #tpu.memory_space<vmem_shared>>
      tpu.enqueue_dma source(%dma_start3A_47 : memref<640x128xf32, #tpu.memory_space<vmem_shared>>) target(%dma_start3A_45 : memref<640x128xf32, #tpu.memory_space<hbm>>) target_semaphore(%run_scoped3A : memref<!tpu.dma_semaphore, #tpu.memory_space<semaphore_mem>>)
      %dma_wait3A = arith.constant 0 : i32
      %dma_wait3A_48 = arith.constant 0 : i32
      %dma_wait3A_49 = tpu.memref_slice %arg6[%arg0, %dma_wait3A, %dma_wait3A_48] : memref<2x10240x128xf32, #tpu.memory_space<hbm>> -> memref<1x10240x128xf32, #tpu.memory_space<hbm>>
      %dma_wait3A_50 = tpu.memref_squeeze %dma_wait3A_49 : memref<1x10240x128xf32, #tpu.memory_space<hbm>> -> memref<10240x128xf32, #tpu.memory_space<hbm>>
      %dma_wait3A_51 = arith.constant 0 : i32
      %dma_wait3A_52 = tpu.memref_slice %dma_wait3A_50[%mul3A_39, %dma_wait3A_51] : memref<10240x128xf32, #tpu.memory_space<hbm>> -> memref<640x128xf32, #tpu.memory_space<hbm>>
      %dma_wait3A_53 = arith.constant 0 : i32
      %dma_wait3A_54 = tpu.memref_slice %arg10[%mul3A_37, %dma_wait3A_53] : memref<10240x128xf32, #tpu.memory_space<vmem_shared>> -> memref<640x128xf32, #tpu.memory_space<vmem_shared>>
      tpu.wait_dma2 semaphore(%run_scoped3A : memref<!tpu.dma_semaphore, #tpu.memory_space<semaphore_mem>>) src(%dma_wait3A_54 : memref<640x128xf32, #tpu.memory_space<vmem_shared>>) dst(%dma_wait3A_52 : memref<640x128xf32, #tpu.memory_space<hbm>>)
      tpu.yield
    }) : () -> ()
    return
  }
}

#map = affine_map<(d0, d1) -> (0, 0)>
#map1 = affine_map<(d0, d1) -> (0, 0, 0)>
module attributes {stable_mosaic.version = 14 : i64} {
  func.func @_agg_body(%arg0: i32, %arg1: i32, %arg2: memref<10240x128xf32, #tpu.memory_space<hbm>>, %arg3: memref<32x80x128xi32, #tpu.memory_space<hbm>>, %arg4: memref<32x80x128xi32, #tpu.memory_space<hbm>>, %arg5: memref<10240x128xf32, #tpu.memory_space<hbm>>, %arg6: memref<2x10240x128xf32, #tpu.memory_space<hbm>>, %arg7: memref<40x128xi32, #tpu.memory_space<vmem>>, %arg8: memref<40x128xi32, #tpu.memory_space<vmem>>, %arg9: memref<256x128xf32, #tpu.memory_space<vmem>>, %arg10: memref<10240x128xf32, #tpu.memory_space<vmem_shared>>, %arg11: memref<!tpu.dma_semaphore, #tpu.memory_space<semaphore_mem>>, %arg12: memref<!tpu.dma_semaphore, #tpu.memory_space<semaphore_mem>>) attributes {dimension_semantics = [#tpu.dimension_semantics<core_parallel>, #tpu.dimension_semantics<subcore_parallel>], iteration_bounds = array<i64: 2, 16>, scalar_prefetch = 0 : i64, scratch_operands = 6 : i64, tpu.core_type = #tpu.core_type<sc_vector_subcore>, window_params = [{transform_indices = #map}, {transform_indices = #map1}, {transform_indices = #map1}, {transform_indices = #map}, {transform_indices = #map1}]} {
    %mul3A = arith.constant 2 : i32
    %mul3A_0 = arith.muli %arg1, %mul3A : i32
    %add3A = arith.addi %mul3A_0, %arg0 : i32
    %mul3A_1 = arith.constant 640 : i32
    %mul3A_2 = arith.muli %arg1, %mul3A_1 : i32
    %mul3A_3 = arith.constant 640 : i32
    %mul3A_4 = arith.muli %arg1, %mul3A_3 : i32
    "tpu.region"() ({
      %run_scoped3A = tpu.sem_alloc : memref<!tpu.dma_semaphore, #tpu.memory_space<semaphore_mem>>
      %dma_start3A_40 = arith.constant 0 : i32
      %dma_start3A_41 = tpu.memref_slice %arg10[%mul3A_4, %dma_start3A_40] : memref<10240x128xf32, #tpu.memory_space<vmem_shared>> -> memref<640x128xf32, #tpu.memory_space<vmem_shared>>
      %dma_start3A_42 = arith.constant 0 : i32
      %dma_start3A_43 = tpu.memref_slice %arg5[%mul3A_2, %dma_start3A_42] : memref<10240x128xf32, #tpu.memory_space<hbm>> -> memref<640x128xf32, #tpu.memory_space<hbm>>
      tpu.enqueue_dma source(%dma_start3A_43 : memref<640x128xf32, #tpu.memory_space<hbm>>) target(%dma_start3A_41 : memref<640x128xf32, #tpu.memory_space<vmem_shared>>) target_semaphore(%run_scoped3A : memref<!tpu.dma_semaphore, #tpu.memory_space<semaphore_mem>>)
      %dma_wait3A = arith.constant 0 : i32
      %dma_wait3A_44 = tpu.memref_slice %arg10[%mul3A_4, %dma_wait3A] : memref<10240x128xf32, #tpu.memory_space<vmem_shared>> -> memref<640x128xf32, #tpu.memory_space<vmem_shared>>
      %dma_wait3A_45 = arith.constant 0 : i32
      %dma_wait3A_46 = tpu.memref_slice %arg5[%mul3A_2, %dma_wait3A_45] : memref<10240x128xf32, #tpu.memory_space<hbm>> -> memref<640x128xf32, #tpu.memory_space<hbm>>
      tpu.wait_dma2 semaphore(%run_scoped3A : memref<!tpu.dma_semaphore, #tpu.memory_space<semaphore_mem>>) src(%dma_wait3A_46 : memref<640x128xf32, #tpu.memory_space<hbm>>) dst(%dma_wait3A_44 : memref<640x128xf32, #tpu.memory_space<vmem_shared>>)
      tpu.yield
    }) : () -> ()
    %barrier3A = arith.constant 0 : index
    tpu.barrier barrier_id(%barrier3A)
    "tpu.region"() ({
      %run_scoped3A = tpu.sem_alloc : memref<!tpu.dma_semaphore, #tpu.memory_space<semaphore_mem>>
      %dma_start3A_40 = arith.constant 0 : i32
      %dma_start3A_41 = arith.constant 0 : i32
      %dma_start3A_42 = tpu.memref_slice %arg3[%add3A, %dma_start3A_40, %dma_start3A_41] : memref<32x80x128xi32, #tpu.memory_space<hbm>> -> memref<1x80x128xi32, #tpu.memory_space<hbm>>
      %dma_start3A_43 = tpu.memref_squeeze %dma_start3A_42 : memref<1x80x128xi32, #tpu.memory_space<hbm>> -> memref<80x128xi32, #tpu.memory_space<hbm>>
      %dma_start3A_44 = arith.constant 0 : i32
      %dma_start3A_45 = arith.constant 0 : i32
      %dma_start3A_46 = tpu.memref_slice %dma_start3A_43[%dma_start3A_44, %dma_start3A_45] : memref<80x128xi32, #tpu.memory_space<hbm>> -> memref<40x128xi32, #tpu.memory_space<hbm>>
      %dma_start3A_47 = arith.constant 0 : i32
      %dma_start3A_48 = arith.constant 0 : i32
      %dma_start3A_49 = tpu.memref_slice %arg3[%add3A, %dma_start3A_47, %dma_start3A_48] : memref<32x80x128xi32, #tpu.memory_space<hbm>> -> memref<1x80x128xi32, #tpu.memory_space<hbm>>
      %dma_start3A_50 = tpu.memref_squeeze %dma_start3A_49 : memref<1x80x128xi32, #tpu.memory_space<hbm>> -> memref<80x128xi32, #tpu.memory_space<hbm>>
      %dma_start3A_51 = arith.constant 0 : i32
      %dma_start3A_52 = arith.constant 0 : i32
      %dma_start3A_53 = tpu.memref_slice %dma_start3A_50[%dma_start3A_51, %dma_start3A_52] : memref<80x128xi32, #tpu.memory_space<hbm>> -> memref<40x128xi32, #tpu.memory_space<hbm>>
      tpu.enqueue_dma source(%dma_start3A_53 : memref<40x128xi32, #tpu.memory_space<hbm>>) target(%arg7 : memref<40x128xi32, #tpu.memory_space<vmem>>) target_semaphore(%run_scoped3A : memref<!tpu.dma_semaphore, #tpu.memory_space<semaphore_mem>>)
      %dma_wait3A = arith.constant 0 : i32
      %dma_wait3A_54 = arith.constant 0 : i32
      %dma_wait3A_55 = tpu.memref_slice %arg3[%add3A, %dma_wait3A, %dma_wait3A_54] : memref<32x80x128xi32, #tpu.memory_space<hbm>> -> memref<1x80x128xi32, #tpu.memory_space<hbm>>
      %dma_wait3A_56 = tpu.memref_squeeze %dma_wait3A_55 : memref<1x80x128xi32, #tpu.memory_space<hbm>> -> memref<80x128xi32, #tpu.memory_space<hbm>>
      %dma_wait3A_57 = arith.constant 0 : i32
      %dma_wait3A_58 = arith.constant 0 : i32
      %dma_wait3A_59 = tpu.memref_slice %dma_wait3A_56[%dma_wait3A_57, %dma_wait3A_58] : memref<80x128xi32, #tpu.memory_space<hbm>> -> memref<40x128xi32, #tpu.memory_space<hbm>>
      %dma_wait3A_60 = arith.constant 0 : i32
      %dma_wait3A_61 = arith.constant 0 : i32
      %dma_wait3A_62 = tpu.memref_slice %arg3[%add3A, %dma_wait3A_60, %dma_wait3A_61] : memref<32x80x128xi32, #tpu.memory_space<hbm>> -> memref<1x80x128xi32, #tpu.memory_space<hbm>>
      %dma_wait3A_63 = tpu.memref_squeeze %dma_wait3A_62 : memref<1x80x128xi32, #tpu.memory_space<hbm>> -> memref<80x128xi32, #tpu.memory_space<hbm>>
      %dma_wait3A_64 = arith.constant 0 : i32
      %dma_wait3A_65 = arith.constant 0 : i32
      %dma_wait3A_66 = tpu.memref_slice %dma_wait3A_63[%dma_wait3A_64, %dma_wait3A_65] : memref<80x128xi32, #tpu.memory_space<hbm>> -> memref<40x128xi32, #tpu.memory_space<hbm>>
      tpu.wait_dma2 semaphore(%run_scoped3A : memref<!tpu.dma_semaphore, #tpu.memory_space<semaphore_mem>>) src(%dma_wait3A_66 : memref<40x128xi32, #tpu.memory_space<hbm>>) dst(%arg7 : memref<40x128xi32, #tpu.memory_space<vmem>>)
      tpu.yield
    }) : () -> ()
    "tpu.region"() ({
      %run_scoped3A = tpu.sem_alloc : memref<!tpu.dma_semaphore, #tpu.memory_space<semaphore_mem>>
      %dma_start3A_40 = arith.constant 0 : i32
      %dma_start3A_41 = arith.constant 0 : i32
      %dma_start3A_42 = tpu.memref_slice %arg4[%add3A, %dma_start3A_40, %dma_start3A_41] : memref<32x80x128xi32, #tpu.memory_space<hbm>> -> memref<1x80x128xi32, #tpu.memory_space<hbm>>
      %dma_start3A_43 = tpu.memref_squeeze %dma_start3A_42 : memref<1x80x128xi32, #tpu.memory_space<hbm>> -> memref<80x128xi32, #tpu.memory_space<hbm>>
      %dma_start3A_44 = arith.constant 0 : i32
      %dma_start3A_45 = arith.constant 0 : i32
      %dma_start3A_46 = tpu.memref_slice %dma_start3A_43[%dma_start3A_44, %dma_start3A_45] : memref<80x128xi32, #tpu.memory_space<hbm>> -> memref<40x128xi32, #tpu.memory_space<hbm>>
      %dma_start3A_47 = arith.constant 0 : i32
      %dma_start3A_48 = arith.constant 0 : i32
      %dma_start3A_49 = tpu.memref_slice %arg4[%add3A, %dma_start3A_47, %dma_start3A_48] : memref<32x80x128xi32, #tpu.memory_space<hbm>> -> memref<1x80x128xi32, #tpu.memory_space<hbm>>
      %dma_start3A_50 = tpu.memref_squeeze %dma_start3A_49 : memref<1x80x128xi32, #tpu.memory_space<hbm>> -> memref<80x128xi32, #tpu.memory_space<hbm>>
      %dma_start3A_51 = arith.constant 0 : i32
      %dma_start3A_52 = arith.constant 0 : i32
      %dma_start3A_53 = tpu.memref_slice %dma_start3A_50[%dma_start3A_51, %dma_start3A_52] : memref<80x128xi32, #tpu.memory_space<hbm>> -> memref<40x128xi32, #tpu.memory_space<hbm>>
      tpu.enqueue_dma source(%dma_start3A_53 : memref<40x128xi32, #tpu.memory_space<hbm>>) target(%arg8 : memref<40x128xi32, #tpu.memory_space<vmem>>) target_semaphore(%run_scoped3A : memref<!tpu.dma_semaphore, #tpu.memory_space<semaphore_mem>>)
      %dma_wait3A = arith.constant 0 : i32
      %dma_wait3A_54 = arith.constant 0 : i32
      %dma_wait3A_55 = tpu.memref_slice %arg4[%add3A, %dma_wait3A, %dma_wait3A_54] : memref<32x80x128xi32, #tpu.memory_space<hbm>> -> memref<1x80x128xi32, #tpu.memory_space<hbm>>
      %dma_wait3A_56 = tpu.memref_squeeze %dma_wait3A_55 : memref<1x80x128xi32, #tpu.memory_space<hbm>> -> memref<80x128xi32, #tpu.memory_space<hbm>>
      %dma_wait3A_57 = arith.constant 0 : i32
      %dma_wait3A_58 = arith.constant 0 : i32
      %dma_wait3A_59 = tpu.memref_slice %dma_wait3A_56[%dma_wait3A_57, %dma_wait3A_58] : memref<80x128xi32, #tpu.memory_space<hbm>> -> memref<40x128xi32, #tpu.memory_space<hbm>>
      %dma_wait3A_60 = arith.constant 0 : i32
      %dma_wait3A_61 = arith.constant 0 : i32
      %dma_wait3A_62 = tpu.memref_slice %arg4[%add3A, %dma_wait3A_60, %dma_wait3A_61] : memref<32x80x128xi32, #tpu.memory_space<hbm>> -> memref<1x80x128xi32, #tpu.memory_space<hbm>>
      %dma_wait3A_63 = tpu.memref_squeeze %dma_wait3A_62 : memref<1x80x128xi32, #tpu.memory_space<hbm>> -> memref<80x128xi32, #tpu.memory_space<hbm>>
      %dma_wait3A_64 = arith.constant 0 : i32
      %dma_wait3A_65 = arith.constant 0 : i32
      %dma_wait3A_66 = tpu.memref_slice %dma_wait3A_63[%dma_wait3A_64, %dma_wait3A_65] : memref<80x128xi32, #tpu.memory_space<hbm>> -> memref<40x128xi32, #tpu.memory_space<hbm>>
      tpu.wait_dma2 semaphore(%run_scoped3A : memref<!tpu.dma_semaphore, #tpu.memory_space<semaphore_mem>>) src(%dma_wait3A_66 : memref<40x128xi32, #tpu.memory_space<hbm>>) dst(%arg8 : memref<40x128xi32, #tpu.memory_space<vmem>>)
      tpu.yield
    }) : () -> ()
    %dma_start3A = arith.constant 0 : i32
    %dma_start3A_5 = arith.constant 0 : i32
    %dma_start3A_6 = arith.constant 0 : i32
    %dma_start3A_7 = tpu.memref_slice %arg9[%dma_start3A_5, %dma_start3A_6] : memref<256x128xf32, #tpu.memory_space<vmem>> -> memref<128x128xf32, #tpu.memory_space<vmem>>
    %dma_start3A_8 = arith.constant 0 : i32
    %dma_start3A_9 = tpu.memref_slice %arg7[%dma_start3A, %dma_start3A_8] : memref<40x128xi32, #tpu.memory_space<vmem>> -> memref<1x128xi32, #tpu.memory_space<vmem>>
    %dma_start3A_10 = tpu.memref_squeeze %dma_start3A_9 : memref<1x128xi32, #tpu.memory_space<vmem>> -> memref<128xi32, #tpu.memory_space<vmem>>
    %dma_start3A_11 = arith.constant 0 : i32
    %dma_start3A_12 = arith.constant 0 : i32
    %dma_start3A_13 = tpu.memref_slice %arg2[%dma_start3A_11, %dma_start3A_12] : memref<10240x128xf32, #tpu.memory_space<hbm>> -> memref<10240x128xf32, #tpu.memory_space<hbm>>
    tpu.enqueue_indirect_dma source(%dma_start3A_13 : memref<10240x128xf32, #tpu.memory_space<hbm>>) target(%dma_start3A_7 : memref<128x128xf32, #tpu.memory_space<vmem>>) offsets(%dma_start3A_10 : memref<128xi32, #tpu.memory_space<vmem>>) semaphore(%arg11 : memref<!tpu.dma_semaphore, #tpu.memory_space<semaphore_mem>>)
    %scan3A = arith.constant 0 : i32
    %scan3A_14 = arith.constant 0 : i32
    %scan3A_15 = arith.constant 20 : i32
    %scan3A_16 = arith.addi %scan3A_14, %scan3A_15 : i32
    %scan3A_17 = arith.constant 1 : i32
    scf.for %scan3A_40 = %scan3A_14 to %scan3A_16 step %scan3A_17  : i32 {
      %mul3A_41 = arith.constant 2 : i32
      %mul3A_42 = arith.muli %mul3A_41, %scan3A_40 : i32
      %dma_wait3A = arith.constant 0 : i32
      %dma_wait3A_43 = arith.constant 0 : i32
      %dma_wait3A_44 = tpu.memref_slice %arg9[%dma_wait3A, %dma_wait3A_43] : memref<256x128xf32, #tpu.memory_space<vmem>> -> memref<128x128xf32, #tpu.memory_space<vmem>>
      %dma_wait3A_45 = arith.constant 0 : i32
      %dma_wait3A_46 = tpu.memref_slice %arg7[%mul3A_42, %dma_wait3A_45] : memref<40x128xi32, #tpu.memory_space<vmem>> -> memref<1x128xi32, #tpu.memory_space<vmem>>
      %dma_wait3A_47 = tpu.memref_squeeze %dma_wait3A_46 : memref<1x128xi32, #tpu.memory_space<vmem>> -> memref<128xi32, #tpu.memory_space<vmem>>
      %dma_wait3A_48 = arith.constant 0 : i32
      %dma_wait3A_49 = arith.constant 0 : i32
      %dma_wait3A_50 = tpu.memref_slice %arg2[%dma_wait3A_48, %dma_wait3A_49] : memref<10240x128xf32, #tpu.memory_space<hbm>> -> memref<10240x128xf32, #tpu.memory_space<hbm>>
      tpu.wait_indirect_dma semaphore(%arg11 : memref<!tpu.dma_semaphore, #tpu.memory_space<semaphore_mem>>) src(%dma_wait3A_50 : memref<10240x128xf32, #tpu.memory_space<hbm>>) dst(%dma_wait3A_44 : memref<128x128xf32, #tpu.memory_space<vmem>>)
      %mul3A_51 = arith.constant 2 : i32
      %mul3A_52 = arith.muli %mul3A_51, %scan3A_40 : i32
      %add3A_53 = arith.constant 1 : i32
      %add3A_54 = arith.addi %mul3A_52, %add3A_53 : i32
      %dma_start3A_55 = arith.constant 128 : i32
      %dma_start3A_56 = arith.constant 0 : i32
      %dma_start3A_57 = tpu.memref_slice %arg9[%dma_start3A_55, %dma_start3A_56] : memref<256x128xf32, #tpu.memory_space<vmem>> -> memref<128x128xf32, #tpu.memory_space<vmem>>
      %dma_start3A_58 = arith.constant 0 : i32
      %dma_start3A_59 = tpu.memref_slice %arg7[%add3A_54, %dma_start3A_58] : memref<40x128xi32, #tpu.memory_space<vmem>> -> memref<1x128xi32, #tpu.memory_space<vmem>>
      %dma_start3A_60 = tpu.memref_squeeze %dma_start3A_59 : memref<1x128xi32, #tpu.memory_space<vmem>> -> memref<128xi32, #tpu.memory_space<vmem>>
      %dma_start3A_61 = arith.constant 0 : i32
      %dma_start3A_62 = arith.constant 0 : i32
      %dma_start3A_63 = tpu.memref_slice %arg2[%dma_start3A_61, %dma_start3A_62] : memref<10240x128xf32, #tpu.memory_space<hbm>> -> memref<10240x128xf32, #tpu.memory_space<hbm>>
      tpu.enqueue_indirect_dma source(%dma_start3A_63 : memref<10240x128xf32, #tpu.memory_space<hbm>>) target(%dma_start3A_57 : memref<128x128xf32, #tpu.memory_space<vmem>>) offsets(%dma_start3A_60 : memref<128xi32, #tpu.memory_space<vmem>>) semaphore(%arg12 : memref<!tpu.dma_semaphore, #tpu.memory_space<semaphore_mem>>)
      %mul3A_64 = arith.constant 2 : i32
      %mul3A_65 = arith.muli %mul3A_64, %scan3A_40 : i32
      "tpu.region"() ({
        %run_scoped3A = tpu.sem_alloc : memref<!tpu.dma_semaphore, #tpu.memory_space<semaphore_mem>>
        %dma_start3A_89 = arith.constant 0 : i32
        %dma_start3A_90 = arith.constant 0 : i32
        %dma_start3A_91 = tpu.memref_slice %arg9[%dma_start3A_89, %dma_start3A_90] : memref<256x128xf32, #tpu.memory_space<vmem>> -> memref<128x128xf32, #tpu.memory_space<vmem>>
        %dma_start3A_92 = arith.constant 0 : i32
        %dma_start3A_93 = tpu.memref_slice %arg8[%mul3A_65, %dma_start3A_92] : memref<40x128xi32, #tpu.memory_space<vmem>> -> memref<1x128xi32, #tpu.memory_space<vmem>>
        %dma_start3A_94 = tpu.memref_squeeze %dma_start3A_93 : memref<1x128xi32, #tpu.memory_space<vmem>> -> memref<128xi32, #tpu.memory_space<vmem>>
        %dma_start3A_95 = arith.constant 0 : i32
        %dma_start3A_96 = arith.constant 0 : i32
        %dma_start3A_97 = tpu.memref_slice %arg10[%dma_start3A_95, %dma_start3A_96] : memref<10240x128xf32, #tpu.memory_space<vmem_shared>> -> memref<10240x128xf32, #tpu.memory_space<vmem_shared>>
        tpu.enqueue_indirect_dma source(%dma_start3A_91 : memref<128x128xf32, #tpu.memory_space<vmem>>) target(%dma_start3A_97 : memref<10240x128xf32, #tpu.memory_space<vmem_shared>>) offsets(%dma_start3A_94 : memref<128xi32, #tpu.memory_space<vmem>>) semaphore(%run_scoped3A : memref<!tpu.dma_semaphore, #tpu.memory_space<semaphore_mem>>) {add = true}
        %dma_wait3A_98 = arith.constant 0 : i32
        %dma_wait3A_99 = arith.constant 0 : i32
        %dma_wait3A_100 = tpu.memref_slice %arg9[%dma_wait3A_98, %dma_wait3A_99] : memref<256x128xf32, #tpu.memory_space<vmem>> -> memref<128x128xf32, #tpu.memory_space<vmem>>
        %dma_wait3A_101 = arith.constant 0 : i32
        %dma_wait3A_102 = tpu.memref_slice %arg8[%mul3A_65, %dma_wait3A_101] : memref<40x128xi32, #tpu.memory_space<vmem>> -> memref<1x128xi32, #tpu.memory_space<vmem>>
        %dma_wait3A_103 = tpu.memref_squeeze %dma_wait3A_102 : memref<1x128xi32, #tpu.memory_space<vmem>> -> memref<128xi32, #tpu.memory_space<vmem>>
        %dma_wait3A_104 = arith.constant 0 : i32
        %dma_wait3A_105 = arith.constant 0 : i32
        %dma_wait3A_106 = tpu.memref_slice %arg10[%dma_wait3A_104, %dma_wait3A_105] : memref<10240x128xf32, #tpu.memory_space<vmem_shared>> -> memref<10240x128xf32, #tpu.memory_space<vmem_shared>>
        tpu.wait_indirect_dma semaphore(%run_scoped3A : memref<!tpu.dma_semaphore, #tpu.memory_space<semaphore_mem>>) src(%dma_wait3A_100 : memref<128x128xf32, #tpu.memory_space<vmem>>) dst(%dma_wait3A_106 : memref<10240x128xf32, #tpu.memory_space<vmem_shared>>)
        tpu.yield
      }) : () -> ()
      %mul3A_66 = arith.constant 2 : i32
      %mul3A_67 = arith.muli %mul3A_66, %scan3A_40 : i32
      %add3A_68 = arith.constant 1 : i32
      %add3A_69 = arith.addi %mul3A_67, %add3A_68 : i32
      %dma_wait3A_70 = arith.constant 128 : i32
      %dma_wait3A_71 = arith.constant 0 : i32
      %dma_wait3A_72 = tpu.memref_slice %arg9[%dma_wait3A_70, %dma_wait3A_71] : memref<256x128xf32, #tpu.memory_space<vmem>> -> memref<128x128xf32, #tpu.memory_space<vmem>>
      %dma_wait3A_73 = arith.constant 0 : i32
      %dma_wait3A_74 = tpu.memref_slice %arg7[%add3A_69, %dma_wait3A_73] : memref<40x128xi32, #tpu.memory_space<vmem>> -> memref<1x128xi32, #tpu.memory_space<vmem>>
      %dma_wait3A_75 = tpu.memref_squeeze %dma_wait3A_74 : memref<1x128xi32, #tpu.memory_space<vmem>> -> memref<128xi32, #tpu.memory_space<vmem>>
      %dma_wait3A_76 = arith.constant 0 : i32
      %dma_wait3A_77 = arith.constant 0 : i32
      %dma_wait3A_78 = tpu.memref_slice %arg2[%dma_wait3A_76, %dma_wait3A_77] : memref<10240x128xf32, #tpu.memory_space<hbm>> -> memref<10240x128xf32, #tpu.memory_space<hbm>>
      tpu.wait_indirect_dma semaphore(%arg12 : memref<!tpu.dma_semaphore, #tpu.memory_space<semaphore_mem>>) src(%dma_wait3A_78 : memref<10240x128xf32, #tpu.memory_space<hbm>>) dst(%dma_wait3A_72 : memref<128x128xf32, #tpu.memory_space<vmem>>)
      %mul3A_79 = arith.constant 2 : i32
      %mul3A_80 = arith.muli %mul3A_79, %scan3A_40 : i32
      %add3A_81 = arith.constant 2 : i32
      %add3A_82 = arith.addi %mul3A_80, %add3A_81 : i32
      %lt3A = arith.constant 40 : i32
      %lt3A_83 = arith.cmpi slt, %add3A_82, %lt3A : i32
      %convert_element_type3A = arith.extui %lt3A_83 : i1 to i32
      %cond3A = arith.constant 0 : i32
      %cond3A_84 = arith.cmpi ne, %convert_element_type3A, %cond3A : i32
      scf.if %cond3A_84 {
        %mul3A_89 = arith.constant 2 : i32
        %mul3A_90 = arith.muli %mul3A_89, %scan3A_40 : i32
        %add3A_91 = arith.constant 2 : i32
        %add3A_92 = arith.addi %mul3A_90, %add3A_91 : i32
        %dma_start3A_93 = arith.constant 0 : i32
        %dma_start3A_94 = arith.constant 0 : i32
        %dma_start3A_95 = tpu.memref_slice %arg9[%dma_start3A_93, %dma_start3A_94] : memref<256x128xf32, #tpu.memory_space<vmem>> -> memref<128x128xf32, #tpu.memory_space<vmem>>
        %dma_start3A_96 = arith.constant 0 : i32
        %dma_start3A_97 = tpu.memref_slice %arg7[%add3A_92, %dma_start3A_96] : memref<40x128xi32, #tpu.memory_space<vmem>> -> memref<1x128xi32, #tpu.memory_space<vmem>>
        %dma_start3A_98 = tpu.memref_squeeze %dma_start3A_97 : memref<1x128xi32, #tpu.memory_space<vmem>> -> memref<128xi32, #tpu.memory_space<vmem>>
        %dma_start3A_99 = arith.constant 0 : i32
        %dma_start3A_100 = arith.constant 0 : i32
        %dma_start3A_101 = tpu.memref_slice %arg2[%dma_start3A_99, %dma_start3A_100] : memref<10240x128xf32, #tpu.memory_space<hbm>> -> memref<10240x128xf32, #tpu.memory_space<hbm>>
        tpu.enqueue_indirect_dma source(%dma_start3A_101 : memref<10240x128xf32, #tpu.memory_space<hbm>>) target(%dma_start3A_95 : memref<128x128xf32, #tpu.memory_space<vmem>>) offsets(%dma_start3A_98 : memref<128xi32, #tpu.memory_space<vmem>>) semaphore(%arg11 : memref<!tpu.dma_semaphore, #tpu.memory_space<semaphore_mem>>)
      } else {
      }
      %mul3A_85 = arith.constant 2 : i32
      %mul3A_86 = arith.muli %mul3A_85, %scan3A_40 : i32
      %add3A_87 = arith.constant 1 : i32
      %add3A_88 = arith.addi %mul3A_86, %add3A_87 : i32
      "tpu.region"() ({
        %run_scoped3A = tpu.sem_alloc : memref<!tpu.dma_semaphore, #tpu.memory_space<semaphore_mem>>
        %dma_start3A_89 = arith.constant 128 : i32
        %dma_start3A_90 = arith.constant 0 : i32
        %dma_start3A_91 = tpu.memref_slice %arg9[%dma_start3A_89, %dma_start3A_90] : memref<256x128xf32, #tpu.memory_space<vmem>> -> memref<128x128xf32, #tpu.memory_space<vmem>>
        %dma_start3A_92 = arith.constant 0 : i32
        %dma_start3A_93 = tpu.memref_slice %arg8[%add3A_88, %dma_start3A_92] : memref<40x128xi32, #tpu.memory_space<vmem>> -> memref<1x128xi32, #tpu.memory_space<vmem>>
        %dma_start3A_94 = tpu.memref_squeeze %dma_start3A_93 : memref<1x128xi32, #tpu.memory_space<vmem>> -> memref<128xi32, #tpu.memory_space<vmem>>
        %dma_start3A_95 = arith.constant 0 : i32
        %dma_start3A_96 = arith.constant 0 : i32
        %dma_start3A_97 = tpu.memref_slice %arg10[%dma_start3A_95, %dma_start3A_96] : memref<10240x128xf32, #tpu.memory_space<vmem_shared>> -> memref<10240x128xf32, #tpu.memory_space<vmem_shared>>
        tpu.enqueue_indirect_dma source(%dma_start3A_91 : memref<128x128xf32, #tpu.memory_space<vmem>>) target(%dma_start3A_97 : memref<10240x128xf32, #tpu.memory_space<vmem_shared>>) offsets(%dma_start3A_94 : memref<128xi32, #tpu.memory_space<vmem>>) semaphore(%run_scoped3A : memref<!tpu.dma_semaphore, #tpu.memory_space<semaphore_mem>>) {add = true}
        %dma_wait3A_98 = arith.constant 128 : i32
        %dma_wait3A_99 = arith.constant 0 : i32
        %dma_wait3A_100 = tpu.memref_slice %arg9[%dma_wait3A_98, %dma_wait3A_99] : memref<256x128xf32, #tpu.memory_space<vmem>> -> memref<128x128xf32, #tpu.memory_space<vmem>>
        %dma_wait3A_101 = arith.constant 0 : i32
        %dma_wait3A_102 = tpu.memref_slice %arg8[%add3A_88, %dma_wait3A_101] : memref<40x128xi32, #tpu.memory_space<vmem>> -> memref<1x128xi32, #tpu.memory_space<vmem>>
        %dma_wait3A_103 = tpu.memref_squeeze %dma_wait3A_102 : memref<1x128xi32, #tpu.memory_space<vmem>> -> memref<128xi32, #tpu.memory_space<vmem>>
        %dma_wait3A_104 = arith.constant 0 : i32
        %dma_wait3A_105 = arith.constant 0 : i32
        %dma_wait3A_106 = tpu.memref_slice %arg10[%dma_wait3A_104, %dma_wait3A_105] : memref<10240x128xf32, #tpu.memory_space<vmem_shared>> -> memref<10240x128xf32, #tpu.memory_space<vmem_shared>>
        tpu.wait_indirect_dma semaphore(%run_scoped3A : memref<!tpu.dma_semaphore, #tpu.memory_space<semaphore_mem>>) src(%dma_wait3A_100 : memref<128x128xf32, #tpu.memory_space<vmem>>) dst(%dma_wait3A_106 : memref<10240x128xf32, #tpu.memory_space<vmem_shared>>)
        tpu.yield
      }) : () -> ()
    }
    %scan3A_18 = arith.constant 20 : i32
    "tpu.region"() ({
      %run_scoped3A = tpu.sem_alloc : memref<!tpu.dma_semaphore, #tpu.memory_space<semaphore_mem>>
      %dma_start3A_40 = arith.constant 0 : i32
      %dma_start3A_41 = arith.constant 0 : i32
      %dma_start3A_42 = tpu.memref_slice %arg3[%add3A, %dma_start3A_40, %dma_start3A_41] : memref<32x80x128xi32, #tpu.memory_space<hbm>> -> memref<1x80x128xi32, #tpu.memory_space<hbm>>
      %dma_start3A_43 = tpu.memref_squeeze %dma_start3A_42 : memref<1x80x128xi32, #tpu.memory_space<hbm>> -> memref<80x128xi32, #tpu.memory_space<hbm>>
      %dma_start3A_44 = arith.constant 40 : i32
      %dma_start3A_45 = arith.constant 0 : i32
      %dma_start3A_46 = tpu.memref_slice %dma_start3A_43[%dma_start3A_44, %dma_start3A_45] : memref<80x128xi32, #tpu.memory_space<hbm>> -> memref<40x128xi32, #tpu.memory_space<hbm>>
      %dma_start3A_47 = arith.constant 0 : i32
      %dma_start3A_48 = arith.constant 0 : i32
      %dma_start3A_49 = tpu.memref_slice %arg3[%add3A, %dma_start3A_47, %dma_start3A_48] : memref<32x80x128xi32, #tpu.memory_space<hbm>> -> memref<1x80x128xi32, #tpu.memory_space<hbm>>
      %dma_start3A_50 = tpu.memref_squeeze %dma_start3A_49 : memref<1x80x128xi32, #tpu.memory_space<hbm>> -> memref<80x128xi32, #tpu.memory_space<hbm>>
      %dma_start3A_51 = arith.constant 40 : i32
      %dma_start3A_52 = arith.constant 0 : i32
      %dma_start3A_53 = tpu.memref_slice %dma_start3A_50[%dma_start3A_51, %dma_start3A_52] : memref<80x128xi32, #tpu.memory_space<hbm>> -> memref<40x128xi32, #tpu.memory_space<hbm>>
      tpu.enqueue_dma source(%dma_start3A_53 : memref<40x128xi32, #tpu.memory_space<hbm>>) target(%arg7 : memref<40x128xi32, #tpu.memory_space<vmem>>) target_semaphore(%run_scoped3A : memref<!tpu.dma_semaphore, #tpu.memory_space<semaphore_mem>>)
      %dma_wait3A = arith.constant 0 : i32
      %dma_wait3A_54 = arith.constant 0 : i32
      %dma_wait3A_55 = tpu.memref_slice %arg3[%add3A, %dma_wait3A, %dma_wait3A_54] : memref<32x80x128xi32, #tpu.memory_space<hbm>> -> memref<1x80x128xi32, #tpu.memory_space<hbm>>
      %dma_wait3A_56 = tpu.memref_squeeze %dma_wait3A_55 : memref<1x80x128xi32, #tpu.memory_space<hbm>> -> memref<80x128xi32, #tpu.memory_space<hbm>>
      %dma_wait3A_57 = arith.constant 40 : i32
      %dma_wait3A_58 = arith.constant 0 : i32
      %dma_wait3A_59 = tpu.memref_slice %dma_wait3A_56[%dma_wait3A_57, %dma_wait3A_58] : memref<80x128xi32, #tpu.memory_space<hbm>> -> memref<40x128xi32, #tpu.memory_space<hbm>>
      %dma_wait3A_60 = arith.constant 0 : i32
      %dma_wait3A_61 = arith.constant 0 : i32
      %dma_wait3A_62 = tpu.memref_slice %arg3[%add3A, %dma_wait3A_60, %dma_wait3A_61] : memref<32x80x128xi32, #tpu.memory_space<hbm>> -> memref<1x80x128xi32, #tpu.memory_space<hbm>>
      %dma_wait3A_63 = tpu.memref_squeeze %dma_wait3A_62 : memref<1x80x128xi32, #tpu.memory_space<hbm>> -> memref<80x128xi32, #tpu.memory_space<hbm>>
      %dma_wait3A_64 = arith.constant 40 : i32
      %dma_wait3A_65 = arith.constant 0 : i32
      %dma_wait3A_66 = tpu.memref_slice %dma_wait3A_63[%dma_wait3A_64, %dma_wait3A_65] : memref<80x128xi32, #tpu.memory_space<hbm>> -> memref<40x128xi32, #tpu.memory_space<hbm>>
      tpu.wait_dma2 semaphore(%run_scoped3A : memref<!tpu.dma_semaphore, #tpu.memory_space<semaphore_mem>>) src(%dma_wait3A_66 : memref<40x128xi32, #tpu.memory_space<hbm>>) dst(%arg7 : memref<40x128xi32, #tpu.memory_space<vmem>>)
      tpu.yield
    }) : () -> ()
    "tpu.region"() ({
      %run_scoped3A = tpu.sem_alloc : memref<!tpu.dma_semaphore, #tpu.memory_space<semaphore_mem>>
      %dma_start3A_40 = arith.constant 0 : i32
      %dma_start3A_41 = arith.constant 0 : i32
      %dma_start3A_42 = tpu.memref_slice %arg4[%add3A, %dma_start3A_40, %dma_start3A_41] : memref<32x80x128xi32, #tpu.memory_space<hbm>> -> memref<1x80x128xi32, #tpu.memory_space<hbm>>
      %dma_start3A_43 = tpu.memref_squeeze %dma_start3A_42 : memref<1x80x128xi32, #tpu.memory_space<hbm>> -> memref<80x128xi32, #tpu.memory_space<hbm>>
      %dma_start3A_44 = arith.constant 40 : i32
      %dma_start3A_45 = arith.constant 0 : i32
      %dma_start3A_46 = tpu.memref_slice %dma_start3A_43[%dma_start3A_44, %dma_start3A_45] : memref<80x128xi32, #tpu.memory_space<hbm>> -> memref<40x128xi32, #tpu.memory_space<hbm>>
      %dma_start3A_47 = arith.constant 0 : i32
      %dma_start3A_48 = arith.constant 0 : i32
      %dma_start3A_49 = tpu.memref_slice %arg4[%add3A, %dma_start3A_47, %dma_start3A_48] : memref<32x80x128xi32, #tpu.memory_space<hbm>> -> memref<1x80x128xi32, #tpu.memory_space<hbm>>
      %dma_start3A_50 = tpu.memref_squeeze %dma_start3A_49 : memref<1x80x128xi32, #tpu.memory_space<hbm>> -> memref<80x128xi32, #tpu.memory_space<hbm>>
      %dma_start3A_51 = arith.constant 40 : i32
      %dma_start3A_52 = arith.constant 0 : i32
      %dma_start3A_53 = tpu.memref_slice %dma_start3A_50[%dma_start3A_51, %dma_start3A_52] : memref<80x128xi32, #tpu.memory_space<hbm>> -> memref<40x128xi32, #tpu.memory_space<hbm>>
      tpu.enqueue_dma source(%dma_start3A_53 : memref<40x128xi32, #tpu.memory_space<hbm>>) target(%arg8 : memref<40x128xi32, #tpu.memory_space<vmem>>) target_semaphore(%run_scoped3A : memref<!tpu.dma_semaphore, #tpu.memory_space<semaphore_mem>>)
      %dma_wait3A = arith.constant 0 : i32
      %dma_wait3A_54 = arith.constant 0 : i32
      %dma_wait3A_55 = tpu.memref_slice %arg4[%add3A, %dma_wait3A, %dma_wait3A_54] : memref<32x80x128xi32, #tpu.memory_space<hbm>> -> memref<1x80x128xi32, #tpu.memory_space<hbm>>
      %dma_wait3A_56 = tpu.memref_squeeze %dma_wait3A_55 : memref<1x80x128xi32, #tpu.memory_space<hbm>> -> memref<80x128xi32, #tpu.memory_space<hbm>>
      %dma_wait3A_57 = arith.constant 40 : i32
      %dma_wait3A_58 = arith.constant 0 : i32
      %dma_wait3A_59 = tpu.memref_slice %dma_wait3A_56[%dma_wait3A_57, %dma_wait3A_58] : memref<80x128xi32, #tpu.memory_space<hbm>> -> memref<40x128xi32, #tpu.memory_space<hbm>>
      %dma_wait3A_60 = arith.constant 0 : i32
      %dma_wait3A_61 = arith.constant 0 : i32
      %dma_wait3A_62 = tpu.memref_slice %arg4[%add3A, %dma_wait3A_60, %dma_wait3A_61] : memref<32x80x128xi32, #tpu.memory_space<hbm>> -> memref<1x80x128xi32, #tpu.memory_space<hbm>>
      %dma_wait3A_63 = tpu.memref_squeeze %dma_wait3A_62 : memref<1x80x128xi32, #tpu.memory_space<hbm>> -> memref<80x128xi32, #tpu.memory_space<hbm>>
      %dma_wait3A_64 = arith.constant 40 : i32
      %dma_wait3A_65 = arith.constant 0 : i32
      %dma_wait3A_66 = tpu.memref_slice %dma_wait3A_63[%dma_wait3A_64, %dma_wait3A_65] : memref<80x128xi32, #tpu.memory_space<hbm>> -> memref<40x128xi32, #tpu.memory_space<hbm>>
      tpu.wait_dma2 semaphore(%run_scoped3A : memref<!tpu.dma_semaphore, #tpu.memory_space<semaphore_mem>>) src(%dma_wait3A_66 : memref<40x128xi32, #tpu.memory_space<hbm>>) dst(%arg8 : memref<40x128xi32, #tpu.memory_space<vmem>>)
      tpu.yield
    }) : () -> ()
    %dma_start3A_19 = arith.constant 0 : i32
    %dma_start3A_20 = arith.constant 0 : i32
    %dma_start3A_21 = arith.constant 0 : i32
    %dma_start3A_22 = tpu.memref_slice %arg9[%dma_start3A_20, %dma_start3A_21] : memref<256x128xf32, #tpu.memory_space<vmem>> -> memref<128x128xf32, #tpu.memory_space<vmem>>
    %dma_start3A_23 = arith.constant 0 : i32
    %dma_start3A_24 = tpu.memref_slice %arg7[%dma_start3A_19, %dma_start3A_23] : memref<40x128xi32, #tpu.memory_space<vmem>> -> memref<1x128xi32, #tpu.memory_space<vmem>>
    %dma_start3A_25 = tpu.memref_squeeze %dma_start3A_24 : memref<1x128xi32, #tpu.memory_space<vmem>> -> memref<128xi32, #tpu.memory_space<vmem>>
    %dma_start3A_26 = arith.constant 0 : i32
    %dma_start3A_27 = arith.constant 0 : i32
    %dma_start3A_28 = tpu.memref_slice %arg2[%dma_start3A_26, %dma_start3A_27] : memref<10240x128xf32, #tpu.memory_space<hbm>> -> memref<10240x128xf32, #tpu.memory_space<hbm>>
    tpu.enqueue_indirect_dma source(%dma_start3A_28 : memref<10240x128xf32, #tpu.memory_space<hbm>>) target(%dma_start3A_22 : memref<128x128xf32, #tpu.memory_space<vmem>>) offsets(%dma_start3A_25 : memref<128xi32, #tpu.memory_space<vmem>>) semaphore(%arg11 : memref<!tpu.dma_semaphore, #tpu.memory_space<semaphore_mem>>)
    %scan3A_29 = arith.constant 0 : i32
    %scan3A_30 = arith.constant 0 : i32
    %scan3A_31 = arith.constant 20 : i32
    %scan3A_32 = arith.addi %scan3A_30, %scan3A_31 : i32
    %scan3A_33 = arith.constant 1 : i32
    scf.for %scan3A_40 = %scan3A_30 to %scan3A_32 step %scan3A_33  : i32 {
      %mul3A_41 = arith.constant 2 : i32
      %mul3A_42 = arith.muli %mul3A_41, %scan3A_40 : i32
      %dma_wait3A = arith.constant 0 : i32
      %dma_wait3A_43 = arith.constant 0 : i32
      %dma_wait3A_44 = tpu.memref_slice %arg9[%dma_wait3A, %dma_wait3A_43] : memref<256x128xf32, #tpu.memory_space<vmem>> -> memref<128x128xf32, #tpu.memory_space<vmem>>
      %dma_wait3A_45 = arith.constant 0 : i32
      %dma_wait3A_46 = tpu.memref_slice %arg7[%mul3A_42, %dma_wait3A_45] : memref<40x128xi32, #tpu.memory_space<vmem>> -> memref<1x128xi32, #tpu.memory_space<vmem>>
      %dma_wait3A_47 = tpu.memref_squeeze %dma_wait3A_46 : memref<1x128xi32, #tpu.memory_space<vmem>> -> memref<128xi32, #tpu.memory_space<vmem>>
      %dma_wait3A_48 = arith.constant 0 : i32
      %dma_wait3A_49 = arith.constant 0 : i32
      %dma_wait3A_50 = tpu.memref_slice %arg2[%dma_wait3A_48, %dma_wait3A_49] : memref<10240x128xf32, #tpu.memory_space<hbm>> -> memref<10240x128xf32, #tpu.memory_space<hbm>>
      tpu.wait_indirect_dma semaphore(%arg11 : memref<!tpu.dma_semaphore, #tpu.memory_space<semaphore_mem>>) src(%dma_wait3A_50 : memref<10240x128xf32, #tpu.memory_space<hbm>>) dst(%dma_wait3A_44 : memref<128x128xf32, #tpu.memory_space<vmem>>)
      %mul3A_51 = arith.constant 2 : i32
      %mul3A_52 = arith.muli %mul3A_51, %scan3A_40 : i32
      %add3A_53 = arith.constant 1 : i32
      %add3A_54 = arith.addi %mul3A_52, %add3A_53 : i32
      %dma_start3A_55 = arith.constant 128 : i32
      %dma_start3A_56 = arith.constant 0 : i32
      %dma_start3A_57 = tpu.memref_slice %arg9[%dma_start3A_55, %dma_start3A_56] : memref<256x128xf32, #tpu.memory_space<vmem>> -> memref<128x128xf32, #tpu.memory_space<vmem>>
      %dma_start3A_58 = arith.constant 0 : i32
      %dma_start3A_59 = tpu.memref_slice %arg7[%add3A_54, %dma_start3A_58] : memref<40x128xi32, #tpu.memory_space<vmem>> -> memref<1x128xi32, #tpu.memory_space<vmem>>
      %dma_start3A_60 = tpu.memref_squeeze %dma_start3A_59 : memref<1x128xi32, #tpu.memory_space<vmem>> -> memref<128xi32, #tpu.memory_space<vmem>>
      %dma_start3A_61 = arith.constant 0 : i32
      %dma_start3A_62 = arith.constant 0 : i32
      %dma_start3A_63 = tpu.memref_slice %arg2[%dma_start3A_61, %dma_start3A_62] : memref<10240x128xf32, #tpu.memory_space<hbm>> -> memref<10240x128xf32, #tpu.memory_space<hbm>>
      tpu.enqueue_indirect_dma source(%dma_start3A_63 : memref<10240x128xf32, #tpu.memory_space<hbm>>) target(%dma_start3A_57 : memref<128x128xf32, #tpu.memory_space<vmem>>) offsets(%dma_start3A_60 : memref<128xi32, #tpu.memory_space<vmem>>) semaphore(%arg12 : memref<!tpu.dma_semaphore, #tpu.memory_space<semaphore_mem>>)
      %mul3A_64 = arith.constant 2 : i32
      %mul3A_65 = arith.muli %mul3A_64, %scan3A_40 : i32
      "tpu.region"() ({
        %run_scoped3A = tpu.sem_alloc : memref<!tpu.dma_semaphore, #tpu.memory_space<semaphore_mem>>
        %dma_start3A_89 = arith.constant 0 : i32
        %dma_start3A_90 = arith.constant 0 : i32
        %dma_start3A_91 = tpu.memref_slice %arg9[%dma_start3A_89, %dma_start3A_90] : memref<256x128xf32, #tpu.memory_space<vmem>> -> memref<128x128xf32, #tpu.memory_space<vmem>>
        %dma_start3A_92 = arith.constant 0 : i32
        %dma_start3A_93 = tpu.memref_slice %arg8[%mul3A_65, %dma_start3A_92] : memref<40x128xi32, #tpu.memory_space<vmem>> -> memref<1x128xi32, #tpu.memory_space<vmem>>
        %dma_start3A_94 = tpu.memref_squeeze %dma_start3A_93 : memref<1x128xi32, #tpu.memory_space<vmem>> -> memref<128xi32, #tpu.memory_space<vmem>>
        %dma_start3A_95 = arith.constant 0 : i32
        %dma_start3A_96 = arith.constant 0 : i32
        %dma_start3A_97 = tpu.memref_slice %arg10[%dma_start3A_95, %dma_start3A_96] : memref<10240x128xf32, #tpu.memory_space<vmem_shared>> -> memref<10240x128xf32, #tpu.memory_space<vmem_shared>>
        tpu.enqueue_indirect_dma source(%dma_start3A_91 : memref<128x128xf32, #tpu.memory_space<vmem>>) target(%dma_start3A_97 : memref<10240x128xf32, #tpu.memory_space<vmem_shared>>) offsets(%dma_start3A_94 : memref<128xi32, #tpu.memory_space<vmem>>) semaphore(%run_scoped3A : memref<!tpu.dma_semaphore, #tpu.memory_space<semaphore_mem>>) {add = true}
        %dma_wait3A_98 = arith.constant 0 : i32
        %dma_wait3A_99 = arith.constant 0 : i32
        %dma_wait3A_100 = tpu.memref_slice %arg9[%dma_wait3A_98, %dma_wait3A_99] : memref<256x128xf32, #tpu.memory_space<vmem>> -> memref<128x128xf32, #tpu.memory_space<vmem>>
        %dma_wait3A_101 = arith.constant 0 : i32
        %dma_wait3A_102 = tpu.memref_slice %arg8[%mul3A_65, %dma_wait3A_101] : memref<40x128xi32, #tpu.memory_space<vmem>> -> memref<1x128xi32, #tpu.memory_space<vmem>>
        %dma_wait3A_103 = tpu.memref_squeeze %dma_wait3A_102 : memref<1x128xi32, #tpu.memory_space<vmem>> -> memref<128xi32, #tpu.memory_space<vmem>>
        %dma_wait3A_104 = arith.constant 0 : i32
        %dma_wait3A_105 = arith.constant 0 : i32
        %dma_wait3A_106 = tpu.memref_slice %arg10[%dma_wait3A_104, %dma_wait3A_105] : memref<10240x128xf32, #tpu.memory_space<vmem_shared>> -> memref<10240x128xf32, #tpu.memory_space<vmem_shared>>
        tpu.wait_indirect_dma semaphore(%run_scoped3A : memref<!tpu.dma_semaphore, #tpu.memory_space<semaphore_mem>>) src(%dma_wait3A_100 : memref<128x128xf32, #tpu.memory_space<vmem>>) dst(%dma_wait3A_106 : memref<10240x128xf32, #tpu.memory_space<vmem_shared>>)
        tpu.yield
      }) : () -> ()
      %mul3A_66 = arith.constant 2 : i32
      %mul3A_67 = arith.muli %mul3A_66, %scan3A_40 : i32
      %add3A_68 = arith.constant 1 : i32
      %add3A_69 = arith.addi %mul3A_67, %add3A_68 : i32
      %dma_wait3A_70 = arith.constant 128 : i32
      %dma_wait3A_71 = arith.constant 0 : i32
      %dma_wait3A_72 = tpu.memref_slice %arg9[%dma_wait3A_70, %dma_wait3A_71] : memref<256x128xf32, #tpu.memory_space<vmem>> -> memref<128x128xf32, #tpu.memory_space<vmem>>
      %dma_wait3A_73 = arith.constant 0 : i32
      %dma_wait3A_74 = tpu.memref_slice %arg7[%add3A_69, %dma_wait3A_73] : memref<40x128xi32, #tpu.memory_space<vmem>> -> memref<1x128xi32, #tpu.memory_space<vmem>>
      %dma_wait3A_75 = tpu.memref_squeeze %dma_wait3A_74 : memref<1x128xi32, #tpu.memory_space<vmem>> -> memref<128xi32, #tpu.memory_space<vmem>>
      %dma_wait3A_76 = arith.constant 0 : i32
      %dma_wait3A_77 = arith.constant 0 : i32
      %dma_wait3A_78 = tpu.memref_slice %arg2[%dma_wait3A_76, %dma_wait3A_77] : memref<10240x128xf32, #tpu.memory_space<hbm>> -> memref<10240x128xf32, #tpu.memory_space<hbm>>
      tpu.wait_indirect_dma semaphore(%arg12 : memref<!tpu.dma_semaphore, #tpu.memory_space<semaphore_mem>>) src(%dma_wait3A_78 : memref<10240x128xf32, #tpu.memory_space<hbm>>) dst(%dma_wait3A_72 : memref<128x128xf32, #tpu.memory_space<vmem>>)
      %mul3A_79 = arith.constant 2 : i32
      %mul3A_80 = arith.muli %mul3A_79, %scan3A_40 : i32
      %add3A_81 = arith.constant 2 : i32
      %add3A_82 = arith.addi %mul3A_80, %add3A_81 : i32
      %lt3A = arith.constant 40 : i32
      %lt3A_83 = arith.cmpi slt, %add3A_82, %lt3A : i32
      %convert_element_type3A = arith.extui %lt3A_83 : i1 to i32
      %cond3A = arith.constant 0 : i32
      %cond3A_84 = arith.cmpi ne, %convert_element_type3A, %cond3A : i32
      scf.if %cond3A_84 {
        %mul3A_89 = arith.constant 2 : i32
        %mul3A_90 = arith.muli %mul3A_89, %scan3A_40 : i32
        %add3A_91 = arith.constant 2 : i32
        %add3A_92 = arith.addi %mul3A_90, %add3A_91 : i32
        %dma_start3A_93 = arith.constant 0 : i32
        %dma_start3A_94 = arith.constant 0 : i32
        %dma_start3A_95 = tpu.memref_slice %arg9[%dma_start3A_93, %dma_start3A_94] : memref<256x128xf32, #tpu.memory_space<vmem>> -> memref<128x128xf32, #tpu.memory_space<vmem>>
        %dma_start3A_96 = arith.constant 0 : i32
        %dma_start3A_97 = tpu.memref_slice %arg7[%add3A_92, %dma_start3A_96] : memref<40x128xi32, #tpu.memory_space<vmem>> -> memref<1x128xi32, #tpu.memory_space<vmem>>
        %dma_start3A_98 = tpu.memref_squeeze %dma_start3A_97 : memref<1x128xi32, #tpu.memory_space<vmem>> -> memref<128xi32, #tpu.memory_space<vmem>>
        %dma_start3A_99 = arith.constant 0 : i32
        %dma_start3A_100 = arith.constant 0 : i32
        %dma_start3A_101 = tpu.memref_slice %arg2[%dma_start3A_99, %dma_start3A_100] : memref<10240x128xf32, #tpu.memory_space<hbm>> -> memref<10240x128xf32, #tpu.memory_space<hbm>>
        tpu.enqueue_indirect_dma source(%dma_start3A_101 : memref<10240x128xf32, #tpu.memory_space<hbm>>) target(%dma_start3A_95 : memref<128x128xf32, #tpu.memory_space<vmem>>) offsets(%dma_start3A_98 : memref<128xi32, #tpu.memory_space<vmem>>) semaphore(%arg11 : memref<!tpu.dma_semaphore, #tpu.memory_space<semaphore_mem>>)
      } else {
      }
      %mul3A_85 = arith.constant 2 : i32
      %mul3A_86 = arith.muli %mul3A_85, %scan3A_40 : i32
      %add3A_87 = arith.constant 1 : i32
      %add3A_88 = arith.addi %mul3A_86, %add3A_87 : i32
      "tpu.region"() ({
        %run_scoped3A = tpu.sem_alloc : memref<!tpu.dma_semaphore, #tpu.memory_space<semaphore_mem>>
        %dma_start3A_89 = arith.constant 128 : i32
        %dma_start3A_90 = arith.constant 0 : i32
        %dma_start3A_91 = tpu.memref_slice %arg9[%dma_start3A_89, %dma_start3A_90] : memref<256x128xf32, #tpu.memory_space<vmem>> -> memref<128x128xf32, #tpu.memory_space<vmem>>
        %dma_start3A_92 = arith.constant 0 : i32
        %dma_start3A_93 = tpu.memref_slice %arg8[%add3A_88, %dma_start3A_92] : memref<40x128xi32, #tpu.memory_space<vmem>> -> memref<1x128xi32, #tpu.memory_space<vmem>>
        %dma_start3A_94 = tpu.memref_squeeze %dma_start3A_93 : memref<1x128xi32, #tpu.memory_space<vmem>> -> memref<128xi32, #tpu.memory_space<vmem>>
        %dma_start3A_95 = arith.constant 0 : i32
        %dma_start3A_96 = arith.constant 0 : i32
        %dma_start3A_97 = tpu.memref_slice %arg10[%dma_start3A_95, %dma_start3A_96] : memref<10240x128xf32, #tpu.memory_space<vmem_shared>> -> memref<10240x128xf32, #tpu.memory_space<vmem_shared>>
        tpu.enqueue_indirect_dma source(%dma_start3A_91 : memref<128x128xf32, #tpu.memory_space<vmem>>) target(%dma_start3A_97 : memref<10240x128xf32, #tpu.memory_space<vmem_shared>>) offsets(%dma_start3A_94 : memref<128xi32, #tpu.memory_space<vmem>>) semaphore(%run_scoped3A : memref<!tpu.dma_semaphore, #tpu.memory_space<semaphore_mem>>) {add = true}
        %dma_wait3A_98 = arith.constant 128 : i32
        %dma_wait3A_99 = arith.constant 0 : i32
        %dma_wait3A_100 = tpu.memref_slice %arg9[%dma_wait3A_98, %dma_wait3A_99] : memref<256x128xf32, #tpu.memory_space<vmem>> -> memref<128x128xf32, #tpu.memory_space<vmem>>
        %dma_wait3A_101 = arith.constant 0 : i32
        %dma_wait3A_102 = tpu.memref_slice %arg8[%add3A_88, %dma_wait3A_101] : memref<40x128xi32, #tpu.memory_space<vmem>> -> memref<1x128xi32, #tpu.memory_space<vmem>>
        %dma_wait3A_103 = tpu.memref_squeeze %dma_wait3A_102 : memref<1x128xi32, #tpu.memory_space<vmem>> -> memref<128xi32, #tpu.memory_space<vmem>>
        %dma_wait3A_104 = arith.constant 0 : i32
        %dma_wait3A_105 = arith.constant 0 : i32
        %dma_wait3A_106 = tpu.memref_slice %arg10[%dma_wait3A_104, %dma_wait3A_105] : memref<10240x128xf32, #tpu.memory_space<vmem_shared>> -> memref<10240x128xf32, #tpu.memory_space<vmem_shared>>
        tpu.wait_indirect_dma semaphore(%run_scoped3A : memref<!tpu.dma_semaphore, #tpu.memory_space<semaphore_mem>>) src(%dma_wait3A_100 : memref<128x128xf32, #tpu.memory_space<vmem>>) dst(%dma_wait3A_106 : memref<10240x128xf32, #tpu.memory_space<vmem_shared>>)
        tpu.yield
      }) : () -> ()
    }
    %scan3A_34 = arith.constant 20 : i32
    %barrier3A_35 = arith.constant 0 : index
    tpu.barrier barrier_id(%barrier3A_35)
    %mul3A_36 = arith.constant 640 : i32
    %mul3A_37 = arith.muli %arg1, %mul3A_36 : i32
    %mul3A_38 = arith.constant 640 : i32
    %mul3A_39 = arith.muli %arg1, %mul3A_38 : i32
    "tpu.region"() ({
      %run_scoped3A = tpu.sem_alloc : memref<!tpu.dma_semaphore, #tpu.memory_space<semaphore_mem>>
      %dma_start3A_40 = arith.constant 0 : i32
      %dma_start3A_41 = arith.constant 0 : i32
      %dma_start3A_42 = tpu.memref_slice %arg6[%arg0, %dma_start3A_40, %dma_start3A_41] : memref<2x10240x128xf32, #tpu.memory_space<hbm>> -> memref<1x10240x128xf32, #tpu.memory_space<hbm>>
      %dma_start3A_43 = tpu.memref_squeeze %dma_start3A_42 : memref<1x10240x128xf32, #tpu.memory_space<hbm>> -> memref<10240x128xf32, #tpu.memory_space<hbm>>
      %dma_start3A_44 = arith.constant 0 : i32
      %dma_start3A_45 = tpu.memref_slice %dma_start3A_43[%mul3A_39, %dma_start3A_44] : memref<10240x128xf32, #tpu.memory_space<hbm>> -> memref<640x128xf32, #tpu.memory_space<hbm>>
      %dma_start3A_46 = arith.constant 0 : i32
      %dma_start3A_47 = tpu.memref_slice %arg10[%mul3A_37, %dma_start3A_46] : memref<10240x128xf32, #tpu.memory_space<vmem_shared>> -> memref<640x128xf32, #tpu.memory_space<vmem_shared>>
      tpu.enqueue_dma source(%dma_start3A_47 : memref<640x128xf32, #tpu.memory_space<vmem_shared>>) target(%dma_start3A_45 : memref<640x128xf32, #tpu.memory_space<hbm>>) target_semaphore(%run_scoped3A : memref<!tpu.dma_semaphore, #tpu.memory_space<semaphore_mem>>)
      %dma_wait3A = arith.constant 0 : i32
      %dma_wait3A_48 = arith.constant 0 : i32
      %dma_wait3A_49 = tpu.memref_slice %arg6[%arg0, %dma_wait3A, %dma_wait3A_48] : memref<2x10240x128xf32, #tpu.memory_space<hbm>> -> memref<1x10240x128xf32, #tpu.memory_space<hbm>>
      %dma_wait3A_50 = tpu.memref_squeeze %dma_wait3A_49 : memref<1x10240x128xf32, #tpu.memory_space<hbm>> -> memref<10240x128xf32, #tpu.memory_space<hbm>>
      %dma_wait3A_51 = arith.constant 0 : i32
      %dma_wait3A_52 = tpu.memref_slice %dma_wait3A_50[%mul3A_39, %dma_wait3A_51] : memref<10240x128xf32, #tpu.memory_space<hbm>> -> memref<640x128xf32, #tpu.memory_space<hbm>>
      %dma_wait3A_53 = arith.constant 0 : i32
      %dma_wait3A_54 = tpu.memref_slice %arg10[%mul3A_37, %dma_wait3A_53] : memref<10240x128xf32, #tpu.memory_space<vmem_shared>> -> memref<640x128xf32, #tpu.memory_space<vmem_shared>>
      tpu.wait_dma2 semaphore(%run_scoped3A : memref<!tpu.dma_semaphore, #tpu.memory_space<semaphore_mem>>) src(%dma_wait3A_54 : memref<640x128xf32, #tpu.memory_space<vmem_shared>>) dst(%dma_wait3A_52 : memref<640x128xf32, #tpu.memory_space<hbm>>)
      tpu.yield
    }) : () -> ()
    return
  }
}

module attributes {stable_mosaic.version = 14 : i64} {
  func.func @_y1_body(%arg0: i32, %arg1: memref<512x128xf32, #tpu.memory_space<vmem>>, %arg2: memref<2x512xf32, #tpu.memory_space<vmem>>, %arg3: memref<128x128xf32, #tpu.memory_space<vmem>>, %arg4: memref<512x128xf32, #tpu.memory_space<vmem>>) attributes {dimension_semantics = [#tpu.dimension_semantics<arbitrary>], iteration_bounds = array<i64: 20>, scalar_prefetch = 0 : i64, scratch_operands = 0 : i64, tpu.core_type = #tpu.core_type<tc>, window_params = [{transform_indices = @transform_0, window_bounds = array<i64: 512, 128>}, {transform_indices = @transform_1, window_bounds = array<i64: 2, 512>}, {pipeline_mode = #tpu.pipeline_mode<synchronous>, transform_indices = @transform_2, window_bounds = array<i64: 128, 128>}, {transform_indices = @transform_3, window_bounds = array<i64: 512, 128>}]} {
    %get3A = arith.constant 0 : index
    %get3A_0 = arith.constant 0 : index
    %get3A_1 = vector.load %arg2[%get3A, %get3A_0] : memref<2x512xf32, #tpu.memory_space<vmem>>, vector<1x512xf32>
    %get3A_2 = vector.shape_cast %get3A_1 : vector<1x512xf32> to vector<512xf32>
    %get3A_3 = arith.constant 1 : index
    %get3A_4 = arith.constant 0 : index
    %get3A_5 = vector.load %arg2[%get3A_3, %get3A_4] : memref<2x512xf32, #tpu.memory_space<vmem>>, vector<1x512xf32>
    %get3A_6 = vector.shape_cast %get3A_5 : vector<1x512xf32> to vector<512xf32>
    %add3A = arith.addf %get3A_2, %get3A_6 : vector<512xf32>
    %max3A = arith.constant 1.000000e+00 : f32
    %max3A_7 = vector.broadcast %max3A : f32 to vector<512xf32>
    %max3A_8 = arith.maximumf %add3A, %max3A_7 : vector<512xf32>
    %rsqrt3A = math.rsqrt %max3A_8 : vector<512xf32>
    %get3A_9 = arith.constant 0 : index
    %get3A_10 = arith.constant 0 : index
    %get3A_11 = vector.load %arg1[%get3A_9, %get3A_10] : memref<512x128xf32, #tpu.memory_space<vmem>>, vector<512x128xf32>
    %broadcast_in_dim3A = vector.shape_cast %rsqrt3A : vector<512xf32> to vector<512x1xf32>
    %mul3A = vector.broadcast %broadcast_in_dim3A : vector<512x1xf32> to vector<512x128xf32>
    %mul3A_12 = arith.mulf %get3A_11, %mul3A : vector<512x128xf32>
    %get3A_13 = arith.constant 0 : index
    %get3A_14 = arith.constant 0 : index
    %get3A_15 = vector.load %arg3[%get3A_13, %get3A_14] : memref<128x128xf32, #tpu.memory_space<vmem>>, vector<128x128xf32>
    %dot_general3A = arith.constant dense<0.000000e+00> : vector<512x128xf32>
    %dot_general3A_16 = tpu.matmul %mul3A_12, %get3A_15, %dot_general3A {dimension_numbers = #tpu.dot_dimension_numbers<[1], [0], [0], [1], [0, 0, 1, 1], [], []>, transpose_lhs_hint = false} : vector<512x128xf32>, vector<128x128xf32>, vector<512x128xf32> -> vector<512x128xf32>
    %swap3A = arith.constant 0 : index
    %swap3A_17 = arith.constant 0 : index
    %swap3A_18 = vector.load %arg4[%swap3A, %swap3A_17] : memref<512x128xf32, #tpu.memory_space<vmem>>, vector<512x128xf32>
    tpu.vector_store %arg4[%swap3A, %swap3A_17], %dot_general3A_16 {strides = array<i32>} : memref<512x128xf32, #tpu.memory_space<vmem>>, vector<512x128xf32>,
    return
  }
  func.func @transform_0(%arg0: i32) -> (i32, i32) {
    %c0_i32 = arith.constant 0 : i32
    %c0_i32_0 = arith.constant 0 : i32
    return %arg0, %c0_i32 : i32, i32
  }
  func.func @transform_1(%arg0: i32) -> (i32, i32) {
    %c0_i32 = arith.constant 0 : i32
    %c0_i32_0 = arith.constant 0 : i32
    return %c0_i32, %arg0 : i32, i32
  }
  func.func @transform_2(%arg0: i32) -> (i32, i32) {
    %c0_i32 = arith.constant 0 : i32
    %c0_i32_0 = arith.constant 0 : i32
    %c0_i32_1 = arith.constant 0 : i32
    return %c0_i32, %c0_i32_0 : i32, i32
  }
  func.func @transform_3(%arg0: i32) -> (i32, i32) {
    %c0_i32 = arith.constant 0 : i32
    %c0_i32_0 = arith.constant 0 : i32
    return %arg0, %c0_i32 : i32, i32
  }
}

module attributes {stable_mosaic.version = 14 : i64} {
  func.func @_lyr_body(%arg0: i32, %arg1: memref<2x512x128xf32, #tpu.memory_space<vmem>>, %arg2: memref<2x512xf32, #tpu.memory_space<vmem>>, %arg3: memref<2x512xf32, #tpu.memory_space<vmem>>, %arg4: memref<1x128xf32, #tpu.memory_space<vmem>>, %arg5: memref<128x128xf32, #tpu.memory_space<vmem>>, %arg6: memref<512x128xf32, #tpu.memory_space<vmem>>) attributes {dimension_semantics = [#tpu.dimension_semantics<arbitrary>], iteration_bounds = array<i64: 20>, scalar_prefetch = 0 : i64, scratch_operands = 0 : i64, tpu.core_type = #tpu.core_type<tc>, window_params = [{transform_indices = @transform_0, window_bounds = array<i64: 2, 512, 128>}, {transform_indices = @transform_1, window_bounds = array<i64: 2, 512>}, {transform_indices = @transform_2, window_bounds = array<i64: 2, 512>}, {pipeline_mode = #tpu.pipeline_mode<synchronous>, transform_indices = @transform_3, window_bounds = array<i64: 1, 128>}, {pipeline_mode = #tpu.pipeline_mode<synchronous>, transform_indices = @transform_4, window_bounds = array<i64: 128, 128>}, {transform_indices = @transform_5, window_bounds = array<i64: 512, 128>}]} {
    %get3A = arith.constant 0 : index
    %get3A_0 = arith.constant 0 : index
    %get3A_1 = arith.constant 0 : index
    %get3A_2 = vector.load %arg1[%get3A, %get3A_0, %get3A_1] : memref<2x512x128xf32, #tpu.memory_space<vmem>>, vector<1x512x128xf32>
    %get3A_3 = vector.shape_cast %get3A_2 : vector<1x512x128xf32> to vector<512x128xf32>
    %get3A_4 = arith.constant 1 : index
    %get3A_5 = arith.constant 0 : index
    %get3A_6 = arith.constant 0 : index
    %get3A_7 = vector.load %arg1[%get3A_4, %get3A_5, %get3A_6] : memref<2x512x128xf32, #tpu.memory_space<vmem>>, vector<1x512x128xf32>
    %get3A_8 = vector.shape_cast %get3A_7 : vector<1x512x128xf32> to vector<512x128xf32>
    %add3A = arith.addf %get3A_3, %get3A_8 : vector<512x128xf32>
    %get3A_9 = arith.constant 0 : index
    %get3A_10 = arith.constant 0 : index
    %get3A_11 = vector.load %arg3[%get3A_9, %get3A_10] : memref<2x512xf32, #tpu.memory_space<vmem>>, vector<1x512xf32>
    %get3A_12 = vector.shape_cast %get3A_11 : vector<1x512xf32> to vector<512xf32>
    %get3A_13 = arith.constant 1 : index
    %get3A_14 = arith.constant 0 : index
    %get3A_15 = vector.load %arg3[%get3A_13, %get3A_14] : memref<2x512xf32, #tpu.memory_space<vmem>>, vector<1x512xf32>
    %get3A_16 = vector.shape_cast %get3A_15 : vector<1x512xf32> to vector<512xf32>
    %add3A_17 = arith.addf %get3A_12, %get3A_16 : vector<512xf32>
    %max3A = arith.constant 1.000000e+00 : f32
    %max3A_18 = vector.broadcast %max3A : f32 to vector<512xf32>
    %max3A_19 = arith.maximumf %add3A_17, %max3A_18 : vector<512xf32>
    %rsqrt3A = math.rsqrt %max3A_19 : vector<512xf32>
    %broadcast_in_dim3A = vector.shape_cast %rsqrt3A : vector<512xf32> to vector<512x1xf32>
    %mul3A = vector.broadcast %broadcast_in_dim3A : vector<512x1xf32> to vector<512x128xf32>
    %mul3A_20 = arith.mulf %add3A, %mul3A : vector<512x128xf32>
    %get3A_21 = arith.constant 0 : index
    %get3A_22 = arith.constant 0 : index
    %get3A_23 = vector.load %arg4[%get3A_21, %get3A_22] : memref<1x128xf32, #tpu.memory_space<vmem>>, vector<1x128xf32>
    %add3A_24 = vector.broadcast %get3A_23 : vector<1x128xf32> to vector<512x128xf32>
    %add3A_25 = arith.addf %mul3A_20, %add3A_24 : vector<512x128xf32>
    %max3A_26 = arith.constant 0.000000e+00 : f32
    %max3A_27 = vector.broadcast %max3A_26 : f32 to vector<512x128xf32>
    %max3A_28 = arith.maximumf %add3A_25, %max3A_27 : vector<512x128xf32>
    %get3A_29 = arith.constant 0 : index
    %get3A_30 = arith.constant 0 : index
    %get3A_31 = vector.load %arg2[%get3A_29, %get3A_30] : memref<2x512xf32, #tpu.memory_space<vmem>>, vector<1x512xf32>
    %get3A_32 = vector.shape_cast %get3A_31 : vector<1x512xf32> to vector<512xf32>
    %get3A_33 = arith.constant 1 : index
    %get3A_34 = arith.constant 0 : index
    %get3A_35 = vector.load %arg2[%get3A_33, %get3A_34] : memref<2x512xf32, #tpu.memory_space<vmem>>, vector<1x512xf32>
    %get3A_36 = vector.shape_cast %get3A_35 : vector<1x512xf32> to vector<512xf32>
    %add3A_37 = arith.addf %get3A_32, %get3A_36 : vector<512xf32>
    %max3A_38 = arith.constant 1.000000e+00 : f32
    %max3A_39 = vector.broadcast %max3A_38 : f32 to vector<512xf32>
    %max3A_40 = arith.maximumf %add3A_37, %max3A_39 : vector<512xf32>
    %rsqrt3A_41 = math.rsqrt %max3A_40 : vector<512xf32>
    %broadcast_in_dim3A_42 = vector.shape_cast %rsqrt3A_41 : vector<512xf32> to vector<512x1xf32>
    %mul3A_43 = vector.broadcast %broadcast_in_dim3A_42 : vector<512x1xf32> to vector<512x128xf32>
    %mul3A_44 = arith.mulf %max3A_28, %mul3A_43 : vector<512x128xf32>
    %get3A_45 = arith.constant 0 : index
    %get3A_46 = arith.constant 0 : index
    %get3A_47 = vector.load %arg5[%get3A_45, %get3A_46] : memref<128x128xf32, #tpu.memory_space<vmem>>, vector<128x128xf32>
    %dot_general3A = arith.constant dense<0.000000e+00> : vector<512x128xf32>
    %dot_general3A_48 = tpu.matmul %mul3A_44, %get3A_47, %dot_general3A {dimension_numbers = #tpu.dot_dimension_numbers<[1], [0], [0], [1], [0, 0, 1, 1], [], []>, transpose_lhs_hint = false} : vector<512x128xf32>, vector<128x128xf32>, vector<512x128xf32> -> vector<512x128xf32>
    %swap3A = arith.constant 0 : index
    %swap3A_49 = arith.constant 0 : index
    %swap3A_50 = vector.load %arg6[%swap3A, %swap3A_49] : memref<512x128xf32, #tpu.memory_space<vmem>>, vector<512x128xf32>
    tpu.vector_store %arg6[%swap3A, %swap3A_49], %dot_general3A_48 {strides = array<i32>} : memref<512x128xf32, #tpu.memory_space<vmem>>, vector<512x128xf32>,
    return
  }
  func.func @transform_0(%arg0: i32) -> (i32, i32, i32) {
    %c0_i32 = arith.constant 0 : i32
    %c0_i32_0 = arith.constant 0 : i32
    %c0_i32_1 = arith.constant 0 : i32
    return %c0_i32, %arg0, %c0_i32_0 : i32, i32, i32
  }
  func.func @transform_1(%arg0: i32) -> (i32, i32) {
    %c0_i32 = arith.constant 0 : i32
    %c0_i32_0 = arith.constant 0 : i32
    return %c0_i32, %arg0 : i32, i32
  }
  func.func @transform_2(%arg0: i32) -> (i32, i32) {
    %c0_i32 = arith.constant 0 : i32
    %c0_i32_0 = arith.constant 0 : i32
    return %c0_i32, %arg0 : i32, i32
  }
  func.func @transform_3(%arg0: i32) -> (i32, i32) {
    %c0_i32 = arith.constant 0 : i32
    %c0_i32_0 = arith.constant 0 : i32
    %c0_i32_1 = arith.constant 0 : i32
    return %c0_i32, %c0_i32_0 : i32, i32
  }
  func.func @transform_4(%arg0: i32) -> (i32, i32) {
    %c0_i32 = arith.constant 0 : i32
    %c0_i32_0 = arith.constant 0 : i32
    %c0_i32_1 = arith.constant 0 : i32
    return %c0_i32, %c0_i32_0 : i32, i32
  }
  func.func @transform_5(%arg0: i32) -> (i32, i32) {
    %c0_i32 = arith.constant 0 : i32
    %c0_i32_0 = arith.constant 0 : i32
    return %arg0, %c0_i32 : i32, i32
  }
}

module attributes {stable_mosaic.version = 14 : i64} {
  func.func @_fin_body(%arg0: i32, %arg1: memref<2x512x128xf32, #tpu.memory_space<vmem>>, %arg2: memref<2x512xf32, #tpu.memory_space<vmem>>, %arg3: memref<1x128xf32, #tpu.memory_space<vmem>>, %arg4: memref<128x64xf32, #tpu.memory_space<vmem>>, %arg5: memref<1x64xf32, #tpu.memory_space<vmem>>, %arg6: memref<1x64xf32, #tpu.memory_space<vmem>>, %arg7: memref<1x1xf32, #tpu.memory_space<vmem>>, %arg8: memref<1x1xf32, #tpu.memory_space<vmem>>, %arg9: memref<1x128xf32, #tpu.memory_space<vmem>>) attributes {dimension_semantics = [#tpu.dimension_semantics<arbitrary>], iteration_bounds = array<i64: 20>, scalar_prefetch = 0 : i64, scratch_operands = 1 : i64, tpu.core_type = #tpu.core_type<tc>, window_params = [{transform_indices = @transform_0, window_bounds = array<i64: 2, 512, 128>}, {transform_indices = @transform_1, window_bounds = array<i64: 2, 512>}, {pipeline_mode = #tpu.pipeline_mode<synchronous>, transform_indices = @transform_2, window_bounds = array<i64: 1, 128>}, {pipeline_mode = #tpu.pipeline_mode<synchronous>, transform_indices = @transform_3, window_bounds = array<i64: 128, 64>}, {pipeline_mode = #tpu.pipeline_mode<synchronous>, transform_indices = @transform_4, window_bounds = array<i64: 1, 64>}, {pipeline_mode = #tpu.pipeline_mode<synchronous>, transform_indices = @transform_5, window_bounds = array<i64: 1, 64>}, {pipeline_mode = #tpu.pipeline_mode<synchronous>, transform_indices = @transform_6, window_bounds = array<i64: 1, 1>}, {pipeline_mode = #tpu.pipeline_mode<synchronous>, transform_indices = @transform_7, window_bounds = array<i64: 1, 1>}]} {
    %eq3A = arith.constant 0 : i32
    %eq3A_0 = arith.cmpi eq, %arg0, %eq3A : i32
    %convert_element_type3A = arith.extui %eq3A_0 : i1 to i32
    %cond3A = arith.constant 0 : i32
    %cond3A_1 = arith.cmpi ne, %convert_element_type3A, %cond3A : i32
    scf.if %cond3A_1 {
      %broadcast_in_dim3A_53 = arith.constant 0.000000e+00 : f32
      %broadcast_in_dim3A_54 = vector.broadcast %broadcast_in_dim3A_53 : f32 to vector<1x128xf32>
      %swap3A_55 = arith.constant 0 : index
      %swap3A_56 = arith.constant 0 : index
      %swap3A_57 = vector.load %arg9[%swap3A_55, %swap3A_56] : memref<1x128xf32, #tpu.memory_space<vmem>>, vector<1x128xf32>
      tpu.vector_store %arg9[%swap3A_55, %swap3A_56], %broadcast_in_dim3A_54 {strides = array<i32>} : memref<1x128xf32, #tpu.memory_space<vmem>>, vector<1x128xf32>,
    } else {
    }
    %get3A = arith.constant 0 : index
    %get3A_2 = arith.constant 0 : index
    %get3A_3 = arith.constant 0 : index
    %get3A_4 = vector.load %arg1[%get3A, %get3A_2, %get3A_3] : memref<2x512x128xf32, #tpu.memory_space<vmem>>, vector<1x512x128xf32>
    %get3A_5 = vector.shape_cast %get3A_4 : vector<1x512x128xf32> to vector<512x128xf32>
    %get3A_6 = arith.constant 1 : index
    %get3A_7 = arith.constant 0 : index
    %get3A_8 = arith.constant 0 : index
    %get3A_9 = vector.load %arg1[%get3A_6, %get3A_7, %get3A_8] : memref<2x512x128xf32, #tpu.memory_space<vmem>>, vector<1x512x128xf32>
    %get3A_10 = vector.shape_cast %get3A_9 : vector<1x512x128xf32> to vector<512x128xf32>
    %add3A = arith.addf %get3A_5, %get3A_10 : vector<512x128xf32>
    %get3A_11 = arith.constant 0 : index
    %get3A_12 = arith.constant 0 : index
    %get3A_13 = vector.load %arg2[%get3A_11, %get3A_12] : memref<2x512xf32, #tpu.memory_space<vmem>>, vector<1x512xf32>
    %get3A_14 = vector.shape_cast %get3A_13 : vector<1x512xf32> to vector<512xf32>
    %get3A_15 = arith.constant 1 : index
    %get3A_16 = arith.constant 0 : index
    %get3A_17 = vector.load %arg2[%get3A_15, %get3A_16] : memref<2x512xf32, #tpu.memory_space<vmem>>, vector<1x512xf32>
    %get3A_18 = vector.shape_cast %get3A_17 : vector<1x512xf32> to vector<512xf32>
    %add3A_19 = arith.addf %get3A_14, %get3A_18 : vector<512xf32>
    %max3A = arith.constant 1.000000e+00 : f32
    %max3A_20 = vector.broadcast %max3A : f32 to vector<512xf32>
    %max3A_21 = arith.maximumf %add3A_19, %max3A_20 : vector<512xf32>
    %rsqrt3A = math.rsqrt %max3A_21 : vector<512xf32>
    %broadcast_in_dim3A = vector.shape_cast %rsqrt3A : vector<512xf32> to vector<512x1xf32>
    %mul3A = vector.broadcast %broadcast_in_dim3A : vector<512x1xf32> to vector<512x128xf32>
    %mul3A_22 = arith.mulf %add3A, %mul3A : vector<512x128xf32>
    %get3A_23 = arith.constant 0 : index
    %get3A_24 = arith.constant 0 : index
    %get3A_25 = vector.load %arg3[%get3A_23, %get3A_24] : memref<1x128xf32, #tpu.memory_space<vmem>>, vector<1x128xf32>
    %add3A_26 = vector.broadcast %get3A_25 : vector<1x128xf32> to vector<512x128xf32>
    %add3A_27 = arith.addf %mul3A_22, %add3A_26 : vector<512x128xf32>
    %max3A_28 = arith.constant 0.000000e+00 : f32
    %max3A_29 = vector.broadcast %max3A_28 : f32 to vector<512x128xf32>
    %max3A_30 = arith.maximumf %add3A_27, %max3A_29 : vector<512x128xf32>
    %mul3A_31 = arith.constant 512 : i32
    %mul3A_32 = arith.muli %arg0, %mul3A_31 : i32
    %iota3A = tpu.iota {dimensions = array<i32: 0>} : vector<512x1xi32>
    %add3A_33 = vector.broadcast %mul3A_32 : i32 to vector<512x1xi32>
    %add3A_34 = arith.addi %add3A_33, %iota3A : vector<512x1xi32>
    %lt3A = arith.constant 10000 : i32
    %lt3A_35 = vector.broadcast %lt3A : i32 to vector<512x1xi32>
    %lt3A_36 = arith.cmpi slt, %add3A_34, %lt3A_35 : vector<512x1xi32>
    %jit3A = arith.constant 0.000000e+00 : f32
    %broadcast_in_dim3A_37 = vector.shape_cast %lt3A_36 : vector<512x1xi1> to vector<512x1xi1>
    %broadcast_in_dim3A_38 = vector.broadcast %broadcast_in_dim3A_37 : vector<512x1xi1> to vector<512x128xi1>
    %broadcast_in_dim3A_39 = vector.broadcast %jit3A : f32 to vector<512x128xf32>
    %select_n3A = arith.select %broadcast_in_dim3A_38, %max3A_30, %broadcast_in_dim3A_39 : vector<512x128xi1>, vector<512x128xf32>
    %get3A_40 = arith.constant 0 : index
    %get3A_41 = arith.constant 0 : index
    %get3A_42 = vector.load %arg9[%get3A_40, %get3A_41] : memref<1x128xf32, #tpu.memory_space<vmem>>, vector<1x128xf32>
    %reduce_sum3A = arith.constant dense<0.000000e+00> : vector<128xf32>
    %reduce_sum3A_43 = vector.multi_reduction <add>, %select_n3A, %reduce_sum3A [0] : vector<512x128xf32> to vector<128xf32>
    %broadcast_in_dim3A_44 = vector.shape_cast %reduce_sum3A_43 : vector<128xf32> to vector<1x128xf32>
    %add3A_45 = arith.addf %get3A_42, %broadcast_in_dim3A_44 : vector<1x128xf32>
    %swap3A = arith.constant 0 : index
    %swap3A_46 = arith.constant 0 : index
    %swap3A_47 = vector.load %arg9[%swap3A, %swap3A_46] : memref<1x128xf32, #tpu.memory_space<vmem>>, vector<1x128xf32>
    tpu.vector_store %arg9[%swap3A, %swap3A_46], %add3A_45 {strides = array<i32>} : memref<1x128xf32, #tpu.memory_space<vmem>>, vector<1x128xf32>,
    %eq3A_48 = arith.constant 19 : i32
    %eq3A_49 = arith.cmpi eq, %arg0, %eq3A_48 : i32
    %convert_element_type3A_50 = arith.extui %eq3A_49 : i1 to i32
    %cond3A_51 = arith.constant 0 : i32
    %cond3A_52 = arith.cmpi ne, %convert_element_type3A_50, %cond3A_51 : i32
    scf.if %cond3A_52 {
      %get3A_53 = arith.constant 0 : index
      %get3A_54 = arith.constant 0 : index
      %get3A_55 = vector.load %arg9[%get3A_53, %get3A_54] : memref<1x128xf32, #tpu.memory_space<vmem>>, vector<1x128xf32>
      %mul3A_56 = arith.constant 9.99999974E-5 : f32
      %mul3A_57 = vector.broadcast %mul3A_56 : f32 to vector<1x128xf32>
      %mul3A_58 = arith.mulf %get3A_55, %mul3A_57 : vector<1x128xf32>
      %get3A_59 = arith.constant 0 : index
      %get3A_60 = arith.constant 0 : index
      %get3A_61 = vector.load %arg4[%get3A_59, %get3A_60] : memref<128x64xf32, #tpu.memory_space<vmem>>, vector<128x64xf32>
      %dot_general3A = arith.constant dense<0.000000e+00> : vector<1x64xf32>
      %dot_general3A_62 = tpu.matmul %mul3A_58, %get3A_61, %dot_general3A {dimension_numbers = #tpu.dot_dimension_numbers<[1], [0], [0], [1], [0, 0, 1, 1], [], []>, transpose_lhs_hint = false} : vector<1x128xf32>, vector<128x64xf32>, vector<1x64xf32> -> vector<1x64xf32>
      %get3A_63 = arith.constant 0 : index
      %get3A_64 = arith.constant 0 : index
      %get3A_65 = vector.load %arg5[%get3A_63, %get3A_64] : memref<1x64xf32, #tpu.memory_space<vmem>>, vector<1x64xf32>
      %add3A_66 = arith.addf %dot_general3A_62, %get3A_65 : vector<1x64xf32>
      %max3A_67 = arith.constant 0.000000e+00 : f32
      %max3A_68 = vector.broadcast %max3A_67 : f32 to vector<1x64xf32>
      %max3A_69 = arith.maximumf %add3A_66, %max3A_68 : vector<1x64xf32>
      %get3A_70 = arith.constant 0 : index
      %get3A_71 = arith.constant 0 : index
      %get3A_72 = vector.load %arg6[%get3A_70, %get3A_71] : memref<1x64xf32, #tpu.memory_space<vmem>>, vector<1x64xf32>
      %mul3A_73 = arith.mulf %max3A_69, %get3A_72 : vector<1x64xf32>
      %reduce_sum3A_74 = arith.constant dense<0.000000e+00> : vector<1xf32>
      %reduce_sum3A_75 = vector.multi_reduction <add>, %mul3A_73, %reduce_sum3A_74 [1] : vector<1x64xf32> to vector<1xf32>
      %broadcast_in_dim3A_76 = vector.shape_cast %reduce_sum3A_75 : vector<1xf32> to vector<1x1xf32>
      %get3A_77 = arith.constant 0 : index
      %get3A_78 = arith.constant 0 : index
      %get3A_79 = vector.load %arg7[%get3A_77, %get3A_78] : memref<1x1xf32, #tpu.memory_space<vmem>>, vector<1x1xf32>
      %add3A_80 = arith.addf %broadcast_in_dim3A_76, %get3A_79 : vector<1x1xf32>
      %neg3A = arith.constant 0.000000e+00 : f32
      %neg3A_81 = vector.broadcast %neg3A : f32 to vector<1x1xf32>
      %neg3A_82 = arith.subf %neg3A_81, %add3A_80 : vector<1x1xf32>
      %exp3A = math.exp %neg3A_82 : vector<1x1xf32>
      %add3A_83 = arith.constant 1.000000e+00 : f32
      %add3A_84 = vector.broadcast %add3A_83 : f32 to vector<1x1xf32>
      %add3A_85 = arith.addf %add3A_84, %exp3A : vector<1x1xf32>
      %div3A = arith.constant 1.000000e+00 : f32
      %div3A_86 = vector.broadcast %div3A : f32 to vector<1x1xf32>
      %div3A_87 = arith.divf %div3A_86, %add3A_85 : vector<1x1xf32>
      %swap3A_88 = arith.constant 0 : index
      %swap3A_89 = arith.constant 0 : index
      %swap3A_90 = vector.load %arg8[%swap3A_88, %swap3A_89] : memref<1x1xf32, #tpu.memory_space<vmem>>, vector<1x1xf32>
      tpu.vector_store %arg8[%swap3A_88, %swap3A_89], %div3A_87 {strides = array<i32>} : memref<1x1xf32, #tpu.memory_space<vmem>>, vector<1x1xf32>,
    } else {
    }
    return
  }
  func.func @transform_0(%arg0: i32) -> (i32, i32, i32) {
    %c0_i32 = arith.constant 0 : i32
    %c0_i32_0 = arith.constant 0 : i32
    %c0_i32_1 = arith.constant 0 : i32
    return %c0_i32, %arg0, %c0_i32_0 : i32, i32, i32
  }
  func.func @transform_1(%arg0: i32) -> (i32, i32) {
    %c0_i32 = arith.constant 0 : i32
    %c0_i32_0 = arith.constant 0 : i32
    return %c0_i32, %arg0 : i32, i32
  }
  func.func @transform_2(%arg0: i32) -> (i32, i32) {
    %c0_i32 = arith.constant 0 : i32
    %c0_i32_0 = arith.constant 0 : i32
    %c0_i32_1 = arith.constant 0 : i32
    return %c0_i32, %c0_i32_0 : i32, i32
  }
  func.func @transform_3(%arg0: i32) -> (i32, i32) {
    %c0_i32 = arith.constant 0 : i32
    %c0_i32_0 = arith.constant 0 : i32
    %c0_i32_1 = arith.constant 0 : i32
    return %c0_i32, %c0_i32_0 : i32, i32
  }
  func.func @transform_4(%arg0: i32) -> (i32, i32) {
    %c0_i32 = arith.constant 0 : i32
    %c0_i32_0 = arith.constant 0 : i32
    %c0_i32_1 = arith.constant 0 : i32
    return %c0_i32, %c0_i32_0 : i32, i32
  }
  func.func @transform_5(%arg0: i32) -> (i32, i32) {
    %c0_i32 = arith.constant 0 : i32
    %c0_i32_0 = arith.constant 0 : i32
    %c0_i32_1 = arith.constant 0 : i32
    return %c0_i32, %c0_i32_0 : i32, i32
  }
  func.func @transform_6(%arg0: i32) -> (i32, i32) {
    %c0_i32 = arith.constant 0 : i32
    %c0_i32_0 = arith.constant 0 : i32
    %c0_i32_1 = arith.constant 0 : i32
    return %c0_i32, %c0_i32_0 : i32, i32
  }
  func.func @transform_7(%arg0: i32) -> (i32, i32) {
    %c0_i32 = arith.constant 0 : i32
    %c0_i32_0 = arith.constant 0 : i32
    %c0_i32_1 = arith.constant 0 : i32
    return %c0_i32, %c0_i32_0 : i32, i32
  }
}

</mosaic_0001>

<sc_bundles>
// kernel: kernel.10.cloned.1.call-start
scs
__scs_entry_jumppad:
0x0: {  	(pc) =	sbr.rel $0x88, $3  }
0x1: {  	(tag) =	ssettag $0x0;
	lr =	simm.s32 $0x1  }
0x2: {  	[smem:$0x3F95] =	sst lr;
	_ =	strace $0xD0000000  }
0x3: {  	_ = 	snop  }
0x4: {  	_ = 	snop  }
0x5: {  	_ = 	snop  }
0x6: {  	_ = 	snop  }
0x7: {  	_ = 	snop  }
__scs_overlays_trampoline_lowered:
0x8: {  	[smem:$0x3FA4] =	sst s0  }
0x9: {  	[smem:$0x3FA5] =	sst s1  }
0xa: {  	[smem:$0x3FA6] =	sst s2  }
0xb: {  	[smem:$0x3FA7] =	sst s3  }
0xc: {  	[smem:$0x3FA8] =	sst s4  }
0xd: {  	[smem:$0x3FA9] =	sst s5  }
0xe: {  	[smem:$0x3FAA] =	sst s6  }
0xf: {  	[smem:$0x3FAB] =	sst s7  }
0x10: {  	[smem:$0x3FAC] =	sst s8  }
0x11: {  	[smem:$0x3FAD] =	sst s9;
	s0 =	simm.s32 @!p0 $0x0  }
0x12: {  	s1 =	sld [smem:$0x3F93];
	s0 =	simm.s32 @p0 $0x1  }
0x13: {  	[smem:$0x3FAE] =	sst s0;
	s0 =	simm.s32 @!p1 $0x0  }
0x14: {  	s2 =	sld [smem:$0x3F92];
	s0 =	simm.s32 @p1 $0x1  }
0x15: {  	[smem:$0x3FAF] =	sst s0;
	s0 =	simm.s32 @!p2 $0x0  }
0x16: {  	s3 =	sld [smem:$0x3FDB];
	s0 =	simm.s32 @p2 $0x1  }
0x17: {  	s4 =	simm.s32 $0x1BF5;
	[smem:$0x3FB1] =	sst s0  }
0x18: {  	s0 =	sld [smem:$0x3F94];
	_ =	swait.ge [sflag:s4], $0x0  }
0x19: {  	s7 =	sld [smem:$0x3F95]  }
0x1a: {  	s8 =	sadd.s32 $0xFFFFE003, lr  }
0x1b: {  	s9 =	sadd.s32 $0xFFFFFEF7, lr;
	s5 =	simm.s32 $0xFFFFFFFF;
	p2 =	slt.u32 s8, $0xFFFFF086  }
0x1c: {  	p1 =	slt.u32 s9, $0xF7A;
	s5 =	simm.s32 @!p2 $0x0  }
0x1d: {  	s5 =	simm.s32 @p1 $0x1;
	p0 =	seq.s32 s7, s2  }
0x1e: {  	s7 =	smul.u32 @!p0 $0xF7A, s2;
	p2 =	seq.s32 @!p0 s5, $0x0  }
0x1f: {  	s9 =	smul.u32 $0xF7A, s1;
	s8 =	simm.s32 @!p0 $0x1BF5;
	p2 =	por !p2, p0  }
0x20: {  	[sflag:s8] =	ssyncset.s32 @!p0 $0xFFFFF086;
	s6 =	sadd.s32 @!p0 s3, s7;
	s7 =	simm.s32 @!p0 $0x108  }
0x21: {  	s3 =	sadd.s32 s3, s9;
	s6 =	sadd.s32 @!p0 $0x88, s6;
	s7 =	simm.s32 @p2 $0x1082  }
0x22: {  	[simem:s7], [sflag:s8] =	dma.local @!p0 [hbm:s6], $0xF7A  }
0x23: {  	s9 =	sor.u32 $0xD0000000, s2;
	s6 =	simm.s32 $0x108;
	_ =	swait.ge @!p0 [sflag:s8], $0x0  }
0x24: {  	s3 =	sadd.s32 $0x88, s3;
	s6 =	simm.s32 @!p1 $0x1082;
	[sflag:s4] =	ssyncset.s32 $0xFFFFF086  }
0x25: {  	[simem:s6], [sflag:s4] =	dma.local [hbm:s3], $0xF7A  }
0x26: {  	[smem:$0x3F95] =	sst s1;
	(tag) =	ssettag s2;
	_ =	strace s9  }
0x27: {  	s1 =	sld [smem:$0x3FA5]  }
0x28: {  	s2 =	sld [smem:$0x3FA6]  }
0x29: {  	s4 =	sld [smem:$0x3FA8]  }
0x2a: {  	p0 =	seq.s32 s5, $0x0;
	s5 =	sld [smem:$0x3FA9]  }
0x2b: {  	s6 =	sld [smem:$0x3FAA]  }
0x2c: {  	s7 =	sld [smem:$0x3FAB]  }
0x2d: {  	s3 =	simm.s32 $0x108;
	s8 =	sld [smem:$0x3FAC]  }
0x2e: {  	s3 =	simm.s32 @!p0 $0x1082;
	s9 =	sld [smem:$0x3FAD]  }
0x2f: {  	lr =	sadd.s32 s0, s3;
	s0 =	sld [smem:$0x3FA4]  }
0x30: {  	s3 =	sld [smem:$0x3FA7]  }
0x31: {  	[smem:$0x3FB0] =	sst s10  }
0x32: {  	s10 =	sld [smem:$0x3FAE];
	_ =	sdelay $0x3  }
0x33: {  	p0 =	seq.s32 s10, $0x1;
	s10 =	sld [smem:$0x3FB0];
	_ =	sdelay $0x3  }
0x34: {  	[smem:$0x3FB0] =	sst s10  }
0x35: {  	s10 =	sld [smem:$0x3FAF];
	_ =	sdelay $0x3  }
0x36: {  	p1 =	seq.s32 s10, $0x1;
	s10 =	sld [smem:$0x3FB0];
	_ =	sdelay $0x3  }
0x37: {  	[smem:$0x3FB0] =	sst s10  }
0x38: {  	s10 =	sld [smem:$0x3FB1]  }
0x39: {  	_ = 	snop;
	(pc) =	sbr.ind lr, $3  }
0x3a: {  	_ = 	snop  }
0x3b: {  	_ = 	snop  }
0x3c: {  	p2 =	seq.s32 s10, $0x1;
	s10 =	sld [smem:$0x3FB0]  }
0x3d: {  	_ =	shalt  }
0x3e: {  	_ =	shalt  }
0x3f: {  	_ =	shalt  }
0x40: {  	_ =	shalt  }
0x41: {  	_ =	shalt  }
0x42: {  	_ =	shalt  }
0x43: {  	_ =	shalt  }
0x44: {  	_ =	shalt  }
0x45: {  	_ =	shalt  }
0x46: {  	_ =	shalt  }
0x47: {  	_ =	shalt  }
0x48: {  	_ =	shalt  }
0x49: {  	_ =	shalt  }
0x4a: {  	_ =	shalt  }
0x4b: {  	_ =	shalt  }
0x4c: {  	_ =	shalt  }
0x4d: {  	_ =	shalt  }
0x4e: {  	_ =	shalt  }
0x4f: {  	_ =	shalt  }
0x50: {  	_ =	shalt  }
0x51: {  	_ =	shalt  }
0x52: {  	_ =	shalt  }
0x53: {  	_ =	shalt  }
0x54: {  	_ =	shalt  }
0x55: {  	_ =	shalt  }
0x56: {  	_ =	shalt  }
0x57: {  	_ =	shalt  }
0x58: {  	_ =	shalt  }
0x59: {  	_ =	shalt  }
0x5a: {  	_ =	shalt  }
0x5b: {  	_ =	shalt  }
0x5c: {  	_ =	shalt  }
0x5d: {  	_ =	shalt  }
0x5e: {  	_ =	shalt  }
0x5f: {  	_ =	shalt  }
0x60: {  	_ =	shalt  }
0x61: {  	_ =	shalt  }
0x62: {  	_ =	shalt  }
0x63: {  	_ =	shalt  }
0x64: {  	_ =	shalt  }
0x65: {  	_ =	shalt  }
0x66: {  	_ =	shalt  }
0x67: {  	_ =	shalt  }
0x68: {  	_ =	shalt  }
0x69: {  	_ =	shalt  }
0x6a: {  	_ =	shalt  }
0x6b: {  	_ =	shalt  }
0x6c: {  	_ =	shalt  }
0x6d: {  	_ =	shalt  }
0x6e: {  	_ =	shalt  }
0x6f: {  	_ =	shalt  }
0x70: {  	_ =	shalt  }
0x71: {  	_ =	shalt  }
0x72: {  	_ =	shalt  }
0x73: {  	_ =	shalt  }
0x74: {  	_ =	shalt  }
0x75: {  	_ =	shalt  }
0x76: {  	_ =	shalt  }
0x77: {  	_ =	shalt  }
0x78: {  	_ =	shalt  }
0x79: {  	_ =	shalt  }
0x7a: {  	_ =	shalt  }
0x7b: {  	_ =	shalt  }
0x7c: {  	_ =	shalt  }
0x7d: {  	_ =	shalt  }
0x7e: {  	_ =	shalt  }
0x7f: {  	_ =	shalt  }
0x80: {  	_ =	shalt  }
0x81: {  	_ =	shalt  }
0x82: {  	_ =	shalt  }
0x83: {  	_ =	shalt  }
0x84: {  	_ =	shalt  }
0x85: {  	_ =	shalt  }
0x86: {  	_ =	shalt  }
0x87: {  	_ =	shalt  }
.Lfunc_end0:
.L_simem_size_0:
called_computation_lowered:
.L_overlay_start_0:
0x88: {  	s2 =	sld [smem:$0x3FD9]  }
0x89: {  	s3 =	sld [smem:$0x3FFE];
	_ =	sdelay $0x1  }
0x8a: {  	s1 =	srdreg.scid  }
0x8b: {  	s0 =	sand.u32 $0x1, s1  }
0x8c: {  	s17 =	sshll.u32 s0, $0xA;
	s2 =	sadd.s32 s3, s2  }
0x8d: {  	s2 =	sadd.s32 s2, s17  }
0x8e: {  	[smem:$0x3FBC] =	sst s2  }
0x8f: {  	_ = 	snop  }
0x90: {  	s2 =	sld [smem:$0x3FD0];
	(tm) =	ssettm $0x1  }
0x91: {  	s18 =	sld [smem:$0x3FFB];
	_ =	sdelay $0x3  }
0x92: {  	_ =	strace s18  }
0x93: {  	s3 =	sld [smem:$0x3FFC];
	_ =	sdelay $0x3  }
0x94: {  	_ =	strace s3  }
0x95: {  	s3 =	sld [smem:$0x3FFD];
	_ =	sdelay $0x3  }
0x96: {  	_ =	strace s3  }
0x97: {  	_ =	strace $0x8FFFFFFF  }
0x98: {  	s19 =	sld [smem:$0x3FDB];
	_ =	sdelay $0x1  }
0x99: {  	s4 =	simm.s32 $_scs_section_size  }
0x9a: {  	s5 =	simm.s32 $_size__tile_overlayer_lowered;
	s6 =	simm.s32 $_tile_overlayer_lowered  }
0x9b: {  	s22 =	simm.s32 $0x1BFF;
	s21 =	sshll.u32 s6, $0x1;
	s3 =	sadd.s32 s4, s19  }
0x9c: {  	s7 =	simm.s32 $0x0;
	s20 =	sshll.u32 s5, $0x1;
	s5 =	sadd.s32 s21, s3  }
0x9d: {  	[timem:s7], [sflag:s22] =	dma.local [hbm:s5], s20  }
0x9e: {  	_ =	swait.ge [sflag:s22], s20  }
0x9f: {  	s4 =	ssub.s32 $0x0, s20;
	[sflag:s22] =	ssyncset.done $0x0  }
0xa0: {  	[sflag:s22] =	ssyncadd.s32 s4;
	_ =	sdelay $0x1  }
0xa1: {  	s23 =	simm.s32 $0x1B8B  }
0xa2: {  	_ =	swait.ge [sflag:s23], $0x1  }
0xa3: {  	[sflag:s23] =	ssyncset.done $0x0  }
0xa4: {  	s25 =	simm.s32 $0x1B8E;
	s24 =	sld [smem:$0x3FFE];
	[sflag:s23] =	ssyncadd.s32 $0xFFFFFFFF  }
0xa5: {  	s26 =	simm.s32 $execute0_lowered;
	[smem:$0x3FD2] =	sst s25  }
0xa6: {  	s5 =	sshll.u32 s26, $0x1;
	_ =	strace $0x80000046;
	[dreg:$0x1] =	wrdreg $0xFFFFFFFF  }
0xa7: {  	s28 =	simm.s32 $_size_execute0_lowered;
	s3 =	sadd.s32 s3, s5;
	[dreg:$0x0] =	wrdreg $0x0  }
0xa8: {  	s5 =	sshll.u32 s28, $0x1;
	[dreg:$0x2] =	wrdreg s3  }
0xa9: {  	[dreg:$0x3] =	wrdreg s5  }
0xaa: {  	[dreg:$0x4] =	wrdreg $0xC0  }
0xab: {  	_ =	task [dreg:s7], $0x5FFFF  }
0xac: {  	[dreg:$0x1] =	wrdreg $0xFFFFFFFF  }
0xad: {  	[dreg:$0x0] =	wrdreg $0x60  }
0xae: {  	[dreg:$0x2] =	wrdreg s24  }
0xaf: {  	[dreg:$0x3] =	wrdreg s2  }
0xb0: {  	[dreg:$0x4] =	wrdreg $0xA0800  }
0xb1: {  	[dreg:$0x5] =	wrdreg $0xA3000  }
0xb2: {  	[dreg:$0x6] =	wrdreg $0x9  }
0xb3: {  	_ =	task.clear_ibuf [dreg:s7], $0x7FFFF;
	_ =	strace $0x90000046  }
0xb4: {  	s29 =	simm.s32 $0x9;
	_ =	strace $0x80000048  }
0xb5: {  	_ =	swait.ge [sflag:s29], $0x1  }
0xb6: {  	[sflag:s29] =	ssyncadd.s32 $0xFFFFFFFF  }
0xb7: {  	_ =	strace $0x90000048  }
0xb8: {  	_ =	sfence  }
0xb9: {  	s30 =	sld [smem:$0x0];
	_ =	sdelay $0x2  }
0xba: {  	s31 =	sshll.u32 s1, $0xD;
	s1 =	sshrl.u32 s1, $0x2  }
0xbb: {  	s3 =	sand.u32 $0x4000, s31;
	s1 =	sadd.s32 s1, s30  }
0xbc: {  	s0 =	sor.u32 s3, s0;
	s1 =	sshll.u32 s1, $0x11  }
0xbd: {  	s0 =	sor.u32 s1, s0  }
0xbe: {  	s0 =	sadd.s32 $0x8F2B, s0  }
0xbf: {  	[sflag:s0] =	ssyncadd.remote.s32 $0x1  }
0xc0: {  	_ =	sfence.sel $0xFFFF  }
0xc1: {  	[dreg:$0x0] =	wrdreg $0xFFFFFFFF;
	(pc) =	sbr.abs _section_cstart, $3  }
0xc2: {  	[dreg:$0x1] =	wrdreg $0xFFFFFFFF  }
0xc3: {  	_ =	task.clear_ibuf [dreg:s7], $0x2FFFF;
	_ =	strace $0x9FFFFFFF  }
0xc4: {  	(tm) =	ssettm $0x7FFFFFFF  }
0xc5: {  	_ =	shalt  }
tec
execute0_lowered:
.L_overlay_start_1:
0x0: {  	(tag) =	ssettag $0x1  }
0x1: {  	s6 =	rddreg [dreg:$0x0]  }
0x2: {  	s0 =	rddreg [dreg:$0x1]  }
0x3: {  	s1 =	rddreg [dreg:$0x2]  }
0x4: {  	s2 =	srdreg.scid;
	s19 =	stileid.u32  }
0x5: {  	s3 =	rddreg [dreg:$0x3];
	s4 =	simm.s32 $0x0;
	s12 =	simm.s32 $0x2800  }
0x6: {  	s13 =	simm.s32 $0x5000;
	s16 =	simm.s32 $0x5080;
	s17 =	simm.s32 $0x7880  }
0x7: {  	s18 =	simm.s32 $0x50;
	s20 =	simm.s32 $0x1C41;
	s21 =	simm.s32 $0x1C01  }
0x8: {  	s22 =	simm.s32 $0x0;
	s5 =	sand.u32 $0x1, s2;
	s2 =	rddreg [dreg:$0x4]  }
0x9: {  	s7 =	sshll.u32 s19, $0x1;
	[smem:$0x7FF] =	sst s4;
	p0 =	sne.s32 s19, $0x0  }
0xa: {  	p1 =	seq.s32 s19, $0x1;
	s7 =	sor.u32 s5, s7;
	s8 =	smul.u32 $0x500, s5  }
0xb: {  	s19 =	sshrl.u32 s3, $0x3;
	_ =	strace $0x80000047;
	s7 =	smul.u32 $0x500, s7  }
.Ltmp0:
0xc: {  	s9 =	ssub.s32 $0x2, s5;
	s5 =	sadd.s32 $0x17600, s6;
	(pc) =	sbr.rel .LBB2_1-.Ltmp0, $4  }
0xd: {  	s14 =	sshrl.u32 @!p0 s1, $0x3;
	s15 =	sshrl.u32 @!p0 s3, $0x3;
	s10 =	sshrl.u32 s9, $0x1  }
0xe: {  	s11 =	sadd.s32 s8, s6;
	s10 =	ssub.s32 s9, s10;
	s7 =	sadd.s32 s7, s6  }
0xf: {  	s8 =	sadd.s32 $0x18600, s11;
	s9 =	sadd.s32 $0x17C00, s11;
	s10 =	smax.u32 s10, $0x1  }
0x10: {  	v0 =	vimm.f32 $0.0e+00;
	v1 =	vimm.f32 $1.000000000e+00;
	s11 =	simm.s32 $0x1;
	s6 =	sadd.s32 $0xD600, s7;
	s7 =	sadd.s32 $0x3600, s7  }
.LBB2_8:
0x11: {  	[hbm:s8], [sflag:s20] =	dma.local [spmem:s19], $0x500  }
.LBB2_9:
0x12: {  	_ =	swait.ge [sflag:s11], $0x500  }
0x13: {  	[sflag:s11] =	ssyncset.done $0x0  }
0x14: {  	[sflag:s11] =	ssyncadd.s32 $0xFFFFFB00  }
.LBB2_10:
0x15: {  	s22 =	sadd.s32 $0x1, s22  }
0x16: {  	p2 =	sne.s32 s22, s10  }
.Ltmp1:
0x17: {  	_ = 	snop;
	(pc) =	sbr.rel @!p2 .LBB2_11-.Ltmp1, $1  }
0x18: {  	_ =	sdelay $0x3  }
.LBB2_1:
0x19: {  	[tilespmem:s4], [sflag:$0x1] =	stream.linear.gather [hbm4b:s6+s4], $0x2800, $0x38;
	[tilespmem:$0xA580] =	vst v63  }
0x1a: {  	_ =	swait.ge [sflag:s11], $0x2800  }
0x1b: {  	[sflag:s11] =	ssyncset.done $0x0  }
0x1c: {  	[sflag:s11] =	ssyncadd.s32 $0xFFFFD800  }
0x1d: {  	[tilespmem:s12], [sflag:$0x1] =	stream.linear.gather [hbm4b:s7+s4], $0x2800, $0x38;
	[tilespmem:$0xA580] =	vst v63  }
0x1e: {  	_ =	swait.ge [sflag:s11], $0x2800  }
0x1f: {  	[sflag:s11] =	ssyncset.done $0x0  }
0x20: {  	[sflag:s11] =	ssyncadd.s32 $0xFFFFD800  }
0x21: {  	[tilespmem:s13], [sflag:$0x1] =	stream.linear.gather [hbm4b:s0+s4], $0x80, $0x38;
	[tilespmem:$0xA580] =	vst v63  }
0x22: {  	_ =	swait.ge [sflag:s11], $0x80  }
0x23: {  	[sflag:s11] =	ssyncset.done $0x0  }
0x24: {  	s23 =	simm.s32 @!p0 $0x1C01;
	s24 =	simm.s32 @!p0 $0x1;
	[sflag:s11] =	ssyncadd.s32 $0xFFFFFF80  }
0x25: {  	[spmem:s14], [sflag:s23] =	dma.local @!p0 [hbm:s5], $0x500  }
0x26: {  	_ =	swait.ge @!p0 [sflag:s24], $0x500  }
0x27: {  	[sflag:s24] =	ssyncset.done @!p0 $0x0  }
0x28: {  	[sflag:s24] =	ssyncadd.s32 @!p0 $0xFFFFFB00  }
0x29: {  	[spmem:s15], [sflag:s23] =	dma.local @!p0 [hbm:s5], $0x500  }
0x2a: {  	_ =	swait.ge @!p0 [sflag:s24], $0x500  }
0x2b: {  	[sflag:s24] =	ssyncset.done @!p0 $0x0  }
0x2c: {  	s23 =	simm.s32 $0x0;
	[sflag:s24] =	ssyncadd.s32 @!p0 $0xFFFFFB00;
	s24 =	simm.s32 $0x200  }
.LBB2_2:
0x2d: {  	p2 =	sne.s32 s24, $0x9E00;
	[tilespmem:s23+$0x78F0] =	vst v0  }
0x2e: {  	[tilespmem:s23+$0x5080] =	vst v0  }
0x2f: {  	[tilespmem:s23+$0x7880] =	vst v0  }
0x30: {  	[tilespmem:s23+$0x5090] =	vst v0  }
0x31: {  	[tilespmem:s23+$0x7890] =	vst v0  }
0x32: {  	[tilespmem:s23+$0x50A0] =	vst v0  }
0x33: {  	[tilespmem:s23+$0x78A0] =	vst v0  }
0x34: {  	[tilespmem:s23+$0x50B0] =	vst v0  }
0x35: {  	[tilespmem:s23+$0x78B0] =	vst v0  }
0x36: {  	[tilespmem:s23+$0x50C0] =	vst v0  }
0x37: {  	[tilespmem:s23+$0x78C0] =	vst v0  }
.Ltmp2:
0x38: {  	[tilespmem:s23+$0x50D0] =	vst v0;
	(pc) =	sbr.rel @p2 .LBB2_2-.Ltmp2, $4  }
0x39: {  	[tilespmem:s23+$0x78D0] =	vst v0  }
0x3a: {  	[tilespmem:s23+$0x50E0] =	vst v0  }
0x3b: {  	[tilespmem:s23+$0x78E0] =	vst v0  }
0x3c: {  	[tilespmem:s23+$0x50F0] =	vst v0;
	s23 =	sshra.s32 s24, $0x2;
	s24 =	sadd.s32 $0x200, s24  }
0x3d: {  	[tilespmem:s23+$0x78F0] =	vst v0  }
0x3e: {  	[tilespmem:s23+$0x5080] =	vst v0  }
0x3f: {  	[tilespmem:s23+$0x7880] =	vst v0  }
0x40: {  	[tilespmem:s23+$0x5090] =	vst v0  }
0x41: {  	[tilespmem:s23+$0x7890] =	vst v0  }
0x42: {  	[tilespmem:s23+$0x50A0] =	vst v0  }
0x43: {  	[tilespmem:s23+$0x78A0] =	vst v0  }
0x44: {  	[tilespmem:s23+$0x50B0] =	vst v0  }
0x45: {  	[tilespmem:s23+$0x78B0] =	vst v0  }
0x46: {  	[tilespmem:s23+$0x50C0] =	vst v0  }
0x47: {  	[tilespmem:s23+$0x78C0] =	vst v0  }
0x48: {  	[tilespmem:s23+$0x50D0] =	vst v0  }
0x49: {  	[tilespmem:s23+$0x78D0] =	vst v0  }
0x4a: {  	[tilespmem:s23+$0x50E0] =	vst v0  }
0x4b: {  	[tilespmem:s23+$0x78E0] =	vst v0  }
0x4c: {  	[tilespmem:s23+$0x50F0] =	vst v0;
	s23 =	simm.s32 $0x0  }
.LBB2_4:
0x4d: {  	s24 =	sshra.s32 s23, $0x2  }
0x4e: {  	v2 =	vld [tilespmem:s24+$0x0];
	_ =	sdelay $0x7  }
0x4f: {  	[tilespmem:v2+s16+$0x0] =	vst.idx.add.f32.msk $0xffff, v1  }
0x50: {  	v2 =	vld [tilespmem:s24+$0x2800];
	_ =	sdelay $0x7  }
0x51: {  	[tilespmem:v2+s17+$0x0] =	vst.idx.add.f32.msk $0xffff, v1  }
0x52: {  	v2 =	vld [tilespmem:s24+$0x10];
	_ =	sdelay $0x7  }
0x53: {  	[tilespmem:v2+s16+$0x0] =	vst.idx.add.f32.msk $0xffff, v1  }
0x54: {  	v2 =	vld [tilespmem:s24+$0x2810];
	_ =	sdelay $0x7  }
0x55: {  	[tilespmem:v2+s17+$0x0] =	vst.idx.add.f32.msk $0xffff, v1  }
0x56: {  	v2 =	vld [tilespmem:s24+$0x20];
	_ =	sdelay $0x7  }
0x57: {  	[tilespmem:v2+s16+$0x0] =	vst.idx.add.f32.msk $0xffff, v1  }
0x58: {  	v2 =	vld [tilespmem:s24+$0x2820];
	_ =	sdelay $0x7  }
0x59: {  	[tilespmem:v2+s17+$0x0] =	vst.idx.add.f32.msk $0xffff, v1  }
0x5a: {  	v2 =	vld [tilespmem:s24+$0x30];
	_ =	sdelay $0x7  }
0x5b: {  	[tilespmem:v2+s16+$0x0] =	vst.idx.add.f32.msk $0xffff, v1  }
0x5c: {  	v2 =	vld [tilespmem:s24+$0x2830];
	_ =	sdelay $0x7  }
0x5d: {  	[tilespmem:v2+s17+$0x0] =	vst.idx.add.f32.msk $0xffff, v1  }
0x5e: {  	v2 =	vld [tilespmem:s24+$0x40];
	_ =	sdelay $0x7  }
0x5f: {  	[tilespmem:v2+s16+$0x0] =	vst.idx.add.f32.msk $0xffff, v1  }
0x60: {  	v2 =	vld [tilespmem:s24+$0x2840];
	_ =	sdelay $0x7  }
0x61: {  	[tilespmem:v2+s17+$0x0] =	vst.idx.add.f32.msk $0xffff, v1  }
0x62: {  	v2 =	vld [tilespmem:s24+$0x50];
	_ =	sdelay $0x7  }
0x63: {  	[tilespmem:v2+s16+$0x0] =	vst.idx.add.f32.msk $0xffff, v1  }
0x64: {  	v2 =	vld [tilespmem:s24+$0x2850];
	_ =	sdelay $0x7  }
0x65: {  	[tilespmem:v2+s17+$0x0] =	vst.idx.add.f32.msk $0xffff, v1  }
0x66: {  	v2 =	vld [tilespmem:s24+$0x60];
	_ =	sdelay $0x7  }
0x67: {  	[tilespmem:v2+s16+$0x0] =	vst.idx.add.f32.msk $0xffff, v1  }
0x68: {  	v2 =	vld [tilespmem:s24+$0x2860];
	_ =	sdelay $0x7  }
0x69: {  	[tilespmem:v2+s17+$0x0] =	vst.idx.add.f32.msk $0xffff, v1  }
0x6a: {  	v2 =	vld [tilespmem:s24+$0x70];
	_ =	sdelay $0x7  }
0x6b: {  	[tilespmem:v2+s16+$0x0] =	vst.idx.add.f32.msk $0xffff, v1  }
0x6c: {  	v2 =	vld [tilespmem:s24+$0x2870];
	_ =	sdelay $0x2  }
0x6d: {  	p2 =	sne.s32 s23, $0x9E00  }
.Ltmp3:
0x6e: {  	_ = 	snop;
	(pc) =	sbr.rel @p2 .LBB2_4-.Ltmp3, $2  }
0x6f: {  	_ =	sdelay $0x2  }
0x70: {  	s23 =	sadd.s32 $0x200, s23;
	[tilespmem:v2+s17+$0x0] =	vst.idx.add.f32.msk $0xffff, v1  }
0x71: {  	[bflag:$0x0] =	sbarrier.arrive $0xFFFF  }
0x72: {  	[spmem:s1] =	stream.indirect.scatter.add.f32 [tilespmem:s16], [sflag:$0x1], $0x80, s13, s18, $0xb8;
	[tilespmem:$0xA580] =	vst v63  }
0x73: {  	_ =	swait.ge [sflag:s11], $0x2800  }
0x74: {  	[sflag:s11] =	ssyncset.done $0x0  }
0x75: {  	[sflag:s11] =	ssyncadd.s32 $0xFFFFD800  }
0x76: {  	[spmem:s3] =	stream.indirect.scatter.add.f32 [tilespmem:s17], [sflag:$0x1], $0x80, s13, s18, $0xb8;
	[tilespmem:$0xA580] =	vst v63  }
.Ltmp4:
0x77: {  	_ =	swait.ge [sflag:s11], $0x2800;
	(pc) =	sbr.rel @p1 .LBB2_8-.Ltmp4, $3  }
0x78: {  	[sflag:s11] =	ssyncset.done $0x0  }
0x79: {  	[sflag:s11] =	ssyncadd.s32 $0xFFFFD800  }
0x7a: {  	[bflag:$0x0] =	sbarrier.arrive $0xFFFF;
	_ =	sdelay $0x1  }
.Ltmp5:
0x7b: {  	(pc) =	sbr.rel @p0 .LBB2_10-.Ltmp5, $1  }
0x7c: {  	_ =	sdelay $0x3  }
.Ltmp6:
0x7d: {  	(pc) =	sbr.rel .LBB2_9-.Ltmp6, $3  }
0x7e: {  	_ =	sdelay $0x1  }
0x7f: {  	s23 =	sshrl.u32 s1, $0x3  }
0x80: {  	[hbm:s9], [sflag:s21] =	dma.local [spmem:s23], $0x500  }
.LBB2_11:
0x81: {  	_ =	sfence.sel $0x180000  }
0x82: {  	[bflag:$0x0] =	sbarrier.arrive $0xFFFF  }
0x83: {  	_ =	strace $0x90000047  }
0x84: {  	s0 =	sadd.s32 @!p0 $0x100000, s2;
	[bflag:$0x2] =	sbarrier.arrive $0xFFFF  }
0x85: {  	[sflag:s0] =	ssyncadd.tile.s32 @!p0 $0x1;
	_ =	shalt  }
.Lfunc_end2:
_tile_overlayer_lowered:
.L_overlay_start_2:
0x86: {  	(tag) =	ssettag $0x2  }
0x87: {  	s0 =	rddreg [dreg:$0x0];
	s2 =	stileid.u32  }
0x88: {  	s1 =	rddreg [dreg:$0x1];
	p0 =	sne.s32 s2, $0x0  }
0x89: {  	s3 =	rddreg [dreg:$0x2];
	[bflag:$0x3] =	sbarrier.arrive $0xFFFF;
	s2 =	simm.s32 @!p0 $0x1C01  }
0x8a: {  	[timem:s3], [sflag:s2] =	dma.local @!p0 [hbm:s0], s1  }
0x8b: {  	s0 =	simm.s32 @!p0 $0x1  }
0x8c: {  	_ =	swait.ge @!p0 [sflag:s0], s1  }
0x8d: {  	s1 =	ssub.s32 @!p0 $0x0, s1;
	[sflag:s0] =	ssyncset.done @!p0 $0x0  }
0x8e: {  	[sflag:s0] =	ssyncadd.s32 @!p0 s1  }
0x8f: {  	[bflag:$0x3] =	sbarrier.arrive $0xFFFF  }
0x90: {  	_ =	shalt  }

// kernel: kernel.13.cloned.1.call-start
scs
__scs_entry_jumppad:
0x0: {  	(pc) =	sbr.rel $0x88, $3  }
0x1: {  	(tag) =	ssettag $0x0;
	lr =	simm.s32 $0x1  }
0x2: {  	[smem:$0x3F95] =	sst lr;
	_ =	strace $0xD0000000  }
0x3: {  	_ = 	snop  }
0x4: {  	_ = 	snop  }
0x5: {  	_ = 	snop  }
0x6: {  	_ = 	snop  }
0x7: {  	_ = 	snop  }
__scs_overlays_trampoline_lowered:
0x8: {  	[smem:$0x3FA4] =	sst s0  }
0x9: {  	[smem:$0x3FA5] =	sst s1  }
0xa: {  	[smem:$0x3FA6] =	sst s2  }
0xb: {  	[smem:$0x3FA7] =	sst s3  }
0xc: {  	[smem:$0x3FA8] =	sst s4  }
0xd: {  	[smem:$0x3FA9] =	sst s5  }
0xe: {  	[smem:$0x3FAA] =	sst s6  }
0xf: {  	[smem:$0x3FAB] =	sst s7  }
0x10: {  	[smem:$0x3FAC] =	sst s8  }
0x11: {  	[smem:$0x3FAD] =	sst s9;
	s0 =	simm.s32 @!p0 $0x0  }
0x12: {  	s1 =	sld [smem:$0x3F93];
	s0 =	simm.s32 @p0 $0x1  }
0x13: {  	[smem:$0x3FAE] =	sst s0;
	s0 =	simm.s32 @!p1 $0x0  }
0x14: {  	s2 =	sld [smem:$0x3F92];
	s0 =	simm.s32 @p1 $0x1  }
0x15: {  	[smem:$0x3FAF] =	sst s0;
	s0 =	simm.s32 @!p2 $0x0  }
0x16: {  	s3 =	sld [smem:$0x3FDB];
	s0 =	simm.s32 @p2 $0x1  }
0x17: {  	s4 =	simm.s32 $0x1BF5;
	[smem:$0x3FB1] =	sst s0  }
0x18: {  	s0 =	sld [smem:$0x3F94];
	_ =	swait.ge [sflag:s4], $0x0  }
0x19: {  	s7 =	sld [smem:$0x3F95]  }
0x1a: {  	s8 =	sadd.s32 $0xFFFFE003, lr  }
0x1b: {  	s9 =	sadd.s32 $0xFFFFFEF7, lr;
	s5 =	simm.s32 $0xFFFFFFFF;
	p2 =	slt.u32 s8, $0xFFFFF086  }
0x1c: {  	p1 =	slt.u32 s9, $0xF7A;
	s5 =	simm.s32 @!p2 $0x0  }
0x1d: {  	s5 =	simm.s32 @p1 $0x1;
	p0 =	seq.s32 s7, s2  }
0x1e: {  	s7 =	smul.u32 @!p0 $0xF7A, s2;
	p2 =	seq.s32 @!p0 s5, $0x0  }
0x1f: {  	s9 =	smul.u32 $0xF7A, s1;
	s8 =	simm.s32 @!p0 $0x1BF5;
	p2 =	por !p2, p0  }
0x20: {  	[sflag:s8] =	ssyncset.s32 @!p0 $0xFFFFF086;
	s6 =	sadd.s32 @!p0 s3, s7;
	s7 =	simm.s32 @!p0 $0x108  }
0x21: {  	s3 =	sadd.s32 s3, s9;
	s6 =	sadd.s32 @!p0 $0x88, s6;
	s7 =	simm.s32 @p2 $0x1082  }
0x22: {  	[simem:s7], [sflag:s8] =	dma.local @!p0 [hbm:s6], $0xF7A  }
0x23: {  	s9 =	sor.u32 $0xD0000000, s2;
	s6 =	simm.s32 $0x108;
	_ =	swait.ge @!p0 [sflag:s8], $0x0  }
0x24: {  	s3 =	sadd.s32 $0x88, s3;
	s6 =	simm.s32 @!p1 $0x1082;
	[sflag:s4] =	ssyncset.s32 $0xFFFFF086  }
0x25: {  	[simem:s6], [sflag:s4] =	dma.local [hbm:s3], $0xF7A  }
0x26: {  	[smem:$0x3F95] =	sst s1;
	(tag) =	ssettag s2;
	_ =	strace s9  }
0x27: {  	s1 =	sld [smem:$0x3FA5]  }
0x28: {  	s2 =	sld [smem:$0x3FA6]  }
0x29: {  	s4 =	sld [smem:$0x3FA8]  }
0x2a: {  	p0 =	seq.s32 s5, $0x0;
	s5 =	sld [smem:$0x3FA9]  }
0x2b: {  	s6 =	sld [smem:$0x3FAA]  }
0x2c: {  	s7 =	sld [smem:$0x3FAB]  }
0x2d: {  	s3 =	simm.s32 $0x108;
	s8 =	sld [smem:$0x3FAC]  }
0x2e: {  	s3 =	simm.s32 @!p0 $0x1082;
	s9 =	sld [smem:$0x3FAD]  }
0x2f: {  	lr =	sadd.s32 s0, s3;
	s0 =	sld [smem:$0x3FA4]  }
0x30: {  	s3 =	sld [smem:$0x3FA7]  }
0x31: {  	[smem:$0x3FB0] =	sst s10  }
0x32: {  	s10 =	sld [smem:$0x3FAE];
	_ =	sdelay $0x3  }
0x33: {  	p0 =	seq.s32 s10, $0x1;
	s10 =	sld [smem:$0x3FB0];
	_ =	sdelay $0x3  }
0x34: {  	[smem:$0x3FB0] =	sst s10  }
0x35: {  	s10 =	sld [smem:$0x3FAF];
	_ =	sdelay $0x3  }
0x36: {  	p1 =	seq.s32 s10, $0x1;
	s10 =	sld [smem:$0x3FB0];
	_ =	sdelay $0x3  }
0x37: {  	[smem:$0x3FB0] =	sst s10  }
0x38: {  	s10 =	sld [smem:$0x3FB1]  }
0x39: {  	_ = 	snop;
	(pc) =	sbr.ind lr, $3  }
0x3a: {  	_ = 	snop  }
0x3b: {  	_ = 	snop  }
0x3c: {  	p2 =	seq.s32 s10, $0x1;
	s10 =	sld [smem:$0x3FB0]  }
0x3d: {  	_ =	shalt  }
0x3e: {  	_ =	shalt  }
0x3f: {  	_ =	shalt  }
0x40: {  	_ =	shalt  }
0x41: {  	_ =	shalt  }
0x42: {  	_ =	shalt  }
0x43: {  	_ =	shalt  }
0x44: {  	_ =	shalt  }
0x45: {  	_ =	shalt  }
0x46: {  	_ =	shalt  }
0x47: {  	_ =	shalt  }
0x48: {  	_ =	shalt  }
0x49: {  	_ =	shalt  }
0x4a: {  	_ =	shalt  }
0x4b: {  	_ =	shalt  }
0x4c: {  	_ =	shalt  }
0x4d: {  	_ =	shalt  }
0x4e: {  	_ =	shalt  }
0x4f: {  	_ =	shalt  }
0x50: {  	_ =	shalt  }
0x51: {  	_ =	shalt  }
0x52: {  	_ =	shalt  }
0x53: {  	_ =	shalt  }
0x54: {  	_ =	shalt  }
0x55: {  	_ =	shalt  }
0x56: {  	_ =	shalt  }
0x57: {  	_ =	shalt  }
0x58: {  	_ =	shalt  }
0x59: {  	_ =	shalt  }
0x5a: {  	_ =	shalt  }
0x5b: {  	_ =	shalt  }
0x5c: {  	_ =	shalt  }
0x5d: {  	_ =	shalt  }
0x5e: {  	_ =	shalt  }
0x5f: {  	_ =	shalt  }
0x60: {  	_ =	shalt  }
0x61: {  	_ =	shalt  }
0x62: {  	_ =	shalt  }
0x63: {  	_ =	shalt  }
0x64: {  	_ =	shalt  }
0x65: {  	_ =	shalt  }
0x66: {  	_ =	shalt  }
0x67: {  	_ =	shalt  }
0x68: {  	_ =	shalt  }
0x69: {  	_ =	shalt  }
0x6a: {  	_ =	shalt  }
0x6b: {  	_ =	shalt  }
0x6c: {  	_ =	shalt  }
0x6d: {  	_ =	shalt  }
0x6e: {  	_ =	shalt  }
0x6f: {  	_ =	shalt  }
0x70: {  	_ =	shalt  }
0x71: {  	_ =	shalt  }
0x72: {  	_ =	shalt  }
0x73: {  	_ =	shalt  }
0x74: {  	_ =	shalt  }
0x75: {  	_ =	shalt  }
0x76: {  	_ =	shalt  }
0x77: {  	_ =	shalt  }
0x78: {  	_ =	shalt  }
0x79: {  	_ =	shalt  }
0x7a: {  	_ =	shalt  }
0x7b: {  	_ =	shalt  }
0x7c: {  	_ =	shalt  }
0x7d: {  	_ =	shalt  }
0x7e: {  	_ =	shalt  }
0x7f: {  	_ =	shalt  }
0x80: {  	_ =	shalt  }
0x81: {  	_ =	shalt  }
0x82: {  	_ =	shalt  }
0x83: {  	_ =	shalt  }
0x84: {  	_ =	shalt  }
0x85: {  	_ =	shalt  }
0x86: {  	_ =	shalt  }
0x87: {  	_ =	shalt  }
.Lfunc_end0:
.L_simem_size_0:
called_computation.1_lowered:
.L_overlay_start_0:
0x88: {  	s2 =	sld [smem:$0x3FD9]  }
0x89: {  	s3 =	sld [smem:$0x3FFE];
	_ =	sdelay $0x1  }
0x8a: {  	s1 =	srdreg.scid  }
0x8b: {  	s0 =	sand.u32 $0x1, s1  }
0x8c: {  	s16 =	sshll.u32 s0, $0xA;
	s2 =	sadd.s32 s3, s2  }
0x8d: {  	s2 =	sadd.s32 s2, s16  }
0x8e: {  	[smem:$0x3FBC] =	sst s2  }
0x8f: {  	_ = 	snop  }
0x90: {  	(tm) =	ssettm $0x1  }
0x91: {  	s17 =	sld [smem:$0x3FFB];
	_ =	sdelay $0x3  }
0x92: {  	_ =	strace s17  }
0x93: {  	s2 =	sld [smem:$0x3FFC];
	_ =	sdelay $0x3  }
0x94: {  	_ =	strace s2  }
0x95: {  	s2 =	sld [smem:$0x3FFD];
	_ =	sdelay $0x3  }
0x96: {  	_ =	strace s2  }
0x97: {  	_ =	strace $0x8FFFFFFF  }
0x98: {  	s18 =	sld [smem:$0x3FDB];
	_ =	sdelay $0x1  }
0x99: {  	s19 =	simm.s32 $_scs_section_size  }
0x9a: {  	s4 =	simm.s32 $_size__tile_overlayer_lowered;
	s5 =	simm.s32 $_tile_overlayer_lowered  }
0x9b: {  	s22 =	simm.s32 $0x1BFF;
	s21 =	sshll.u32 s5, $0x1;
	s2 =	sadd.s32 s19, s18  }
0x9c: {  	s6 =	simm.s32 $0x0;
	s20 =	sshll.u32 s4, $0x1;
	s4 =	sadd.s32 s21, s2  }
0x9d: {  	[timem:s6], [sflag:s22] =	dma.local [hbm:s4], s20  }
0x9e: {  	_ =	swait.ge [sflag:s22], s20  }
0x9f: {  	s3 =	ssub.s32 $0x0, s20;
	[sflag:s22] =	ssyncset.done $0x0  }
0xa0: {  	[sflag:s22] =	ssyncadd.s32 s3;
	_ =	sdelay $0x1  }
0xa1: {  	s23 =	simm.s32 $0x1B8B  }
0xa2: {  	_ =	swait.ge [sflag:s23], $0x1  }
0xa3: {  	[sflag:s23] =	ssyncset.done $0x0  }
0xa4: {  	s25 =	simm.s32 $0x1B8E;
	s24 =	sld [smem:$0x3FFE];
	[sflag:s23] =	ssyncadd.s32 $0xFFFFFFFF  }
0xa5: {  	s26 =	simm.s32 $execute0_lowered;
	[smem:$0x3FD2] =	sst s25  }
0xa6: {  	s4 =	sshll.u32 s26, $0x1;
	_ =	strace $0x80000049;
	[dreg:$0x1] =	wrdreg $0xFFFFFFFF  }
0xa7: {  	s28 =	simm.s32 $_size_execute0_lowered;
	s2 =	sadd.s32 s2, s4;
	[dreg:$0x0] =	wrdreg $0x0  }
0xa8: {  	s4 =	sshll.u32 s28, $0x1;
	[dreg:$0x2] =	wrdreg s2  }
0xa9: {  	[dreg:$0x3] =	wrdreg s4  }
0xaa: {  	[dreg:$0x4] =	wrdreg $0xC0  }
0xab: {  	_ =	task [dreg:s6], $0x5FFFF  }
0xac: {  	[dreg:$0x1] =	wrdreg $0xFFFFFFFF  }
0xad: {  	[dreg:$0x0] =	wrdreg $0x60  }
0xae: {  	[dreg:$0x2] =	wrdreg s24  }
0xaf: {  	[dreg:$0x3] =	wrdreg $0xA8000  }
0xb0: {  	[dreg:$0x4] =	wrdreg $0x9  }
0xb1: {  	_ =	task.clear_ibuf [dreg:s6], $0x5FFFF;
	_ =	strace $0x90000049  }
0xb2: {  	s29 =	simm.s32 $0x9;
	_ =	strace $0x8000004B  }
0xb3: {  	_ =	swait.ge [sflag:s29], $0x1  }
0xb4: {  	[sflag:s29] =	ssyncadd.s32 $0xFFFFFFFF  }
0xb5: {  	_ =	strace $0x9000004B  }
0xb6: {  	_ =	sfence  }
0xb7: {  	s30 =	sld [smem:$0x0];
	_ =	sdelay $0x2  }
0xb8: {  	s31 =	sshll.u32 s1, $0xD;
	s1 =	sshrl.u32 s1, $0x2  }
0xb9: {  	s3 =	sand.u32 $0x4000, s31;
	s1 =	sadd.s32 s1, s30  }
0xba: {  	s0 =	sor.u32 s3, s0;
	s1 =	sshll.u32 s1, $0x11  }
0xbb: {  	s0 =	sor.u32 s1, s0  }
0xbc: {  	s0 =	sadd.s32 $0x8F2B, s0  }
0xbd: {  	[sflag:s0] =	ssyncadd.remote.s32 $0x1  }
0xbe: {  	_ =	sfence.sel $0xFFFF  }
0xbf: {  	[dreg:$0x0] =	wrdreg $0xFFFFFFFF;
	(pc) =	sbr.abs _section_cstart, $3  }
0xc0: {  	[dreg:$0x1] =	wrdreg $0xFFFFFFFF  }
0xc1: {  	_ =	task.clear_ibuf [dreg:s6], $0x2FFFF;
	_ =	strace $0x9FFFFFFF  }
0xc2: {  	(tm) =	ssettm $0x7FFFFFFF  }
0xc3: {  	_ =	shalt  }
tec
execute0_lowered:
.L_overlay_start_1:
0x0: {  	(tag) =	ssettag $0x1  }
0x1: {  	s1 =	srdreg.scid;
	s6 =	rddreg [dreg:$0x0]  }
0x2: {  	s0 =	stileid.u32;
	s2 =	rddreg [dreg:$0x1]  }
0x3: {  	s3 =	simm.s32 $0x0;
	s13 =	simm.s32 $0x80;
	s14 =	simm.s32 $0x2800  }
0x4: {  	s15 =	simm.s32 $0x1;
	s16 =	simm.s32 $0x6800;
	s17 =	simm.s32 $0x2  }
0x5: {  	s18 =	simm.s32 $0x1380;
	s19 =	simm.s32 $0x2700;
	s20 =	simm.s32 $0x2780  }
0x6: {  	s5 =	sand.u32 $0x1, s1;
	s25 =	sshll.u32 s0, $0x1;
	s23 =	smul.u32 $0x2800, s0  }
0x7: {  	[smem:$0x7FF] =	sst s3;
	s4 =	sadd.s32 $0x17600, s6;
	s9 =	smul.u32 $0x50000, s0  }
0x8: {  	s31 =	sshll.u32 s0, $0x6;
	s1 =	sor.u32 s5, s25;
	s8 =	smul.u32 $0x28000, s5  }
0x9: {  	s5 =	ssub.s32 $0x2, s5;
	s7 =	smul.u32 $0x500, s1;
	s1 =	rddreg [dreg:$0x2]  }
0xa: {  	_ =	strace $0x8000004A;
	s26 =	sadd.s32 s23, s6;
	s28 =	sshrl.u32 s5, $0x1  }
0xb: {  	s29 =	sshrl.u32 s9, $0x2;
	s11 =	sadd.s32 s8, s6;
	s30 =	ssub.s32 s5, s28  }
0xc: {  	s12 =	sadd.s32 s29, s2;
	s5 =	sadd.s32 $0x3F600, s26;
	s10 =	sadd.s32 s7, s6  }
0xd: {  	s6 =	sor.u32 $0x1C03, s31;
	s24 =	sadd.s32 $0x67600, s11;
	s9 =	smax.u32 s30, $0x1  }
0xe: {  	s11 =	simm.s32 $0x3;
	s7 =	sadd.s32 $0xD600, s10;
	s8 =	sadd.s32 $0x3600, s10  }
0xf: {  	s10 =	sshrl.u32 s12, $0x3;
	s12 =	simm.s32 $0x1400;
	s23 =	sadd.s32 s23, s24  }
0x10: {  	s24 =	simm.s32 $0x0;
	s21 =	sadd.s32 $0x280, s7;
	s22 =	sadd.s32 $0x280, s8  }
.LBB2_1:
0x11: {  	[spmem:s10], [sflag:s6] =	dma.local [hbm:s5], $0x2800  }
0x12: {  	_ =	swait.ge [sflag:s11], $0x2800  }
0x13: {  	[sflag:s11] =	ssyncset.done $0x0  }
0x14: {  	[sflag:s11] =	ssyncadd.s32 $0xFFFFD800  }
0x15: {  	[bflag:$0x0] =	sbarrier.arrive $0xFFFF  }
0x16: {  	[tilespmem:s3], [sflag:$0x3] =	stream.linear.gather [hbm4b:s7+s3], $0x1400, $0x38;
	[tilespmem:$0x1E800] =	vst v63  }
0x17: {  	_ =	swait.ge [sflag:s11], $0x1400  }
0x18: {  	[sflag:s11] =	ssyncset.done $0x0  }
0x19: {  	[sflag:s11] =	ssyncadd.s32 $0xFFFFEC00  }
0x1a: {  	[tilespmem:s12], [sflag:$0x3] =	stream.linear.gather [hbm4b:s8+s3], $0x1400, $0x38;
	[tilespmem:$0x1E800] =	vst v63  }
0x1b: {  	_ =	swait.ge [sflag:s11], $0x1400  }
0x1c: {  	[sflag:s11] =	ssyncset.done $0x0  }
0x1d: {  	[sflag:s11] =	ssyncadd.s32 $0xFFFFEC00  }
0x1e: {  	[tilespmem:s14], [sflag:$0x1] =	stream.indirect.gather [hbm4b:s4+s13], $0x80, s3, s13, $0xb8;
	[tilespmem:$0x1E800] =	vst v63  }
0x1f: {  	_ =	swait.ge [sflag:s15], $0x4000  }
0x20: {  	[sflag:s15] =	ssyncset.done $0x0  }
0x21: {  	s25 =	simm.s32 $0x80;
	[sflag:s15] =	ssyncadd.s32 $0xFFFFC000  }
0x22: {  	[tilespmem:s16], [sflag:$0x2] =	stream.indirect.gather [hbm4b:s4+s13], $0x80, s25, s13, $0xb8;
	[tilespmem:$0x1E800] =	vst v63  }
0x23: {  	s29 =	simm.s32 $0x1400  }
0x24: {  	[spmem:s2] =	stream.indirect.scatter.add.f32 [tilespmem:s14], [sflag:$0x3], $0x80, s29, s13, $0xb8;
	[tilespmem:$0x1E800] =	vst v63  }
0x25: {  	_ =	swait.ge [sflag:s11], $0x4000  }
0x26: {  	[sflag:s11] =	ssyncset.done $0x0  }
0x27: {  	[sflag:s11] =	ssyncadd.s32 $0xFFFFC000  }
0x28: {  	_ =	swait.ge [sflag:s17], $0x4000  }
0x29: {  	[sflag:s17] =	ssyncset.done $0x0  }
0x2a: {  	s30 =	simm.s32 $0x100;
	[sflag:s17] =	ssyncadd.s32 $0xFFFFC000  }
0x2b: {  	[tilespmem:s14], [sflag:$0x1] =	stream.indirect.gather [hbm4b:s4+s13], $0x80, s30, s13, $0xb8;
	[tilespmem:$0x1E800] =	vst v63  }
0x2c: {  	s31 =	simm.s32 $0x1480  }
0x2d: {  	[spmem:s2] =	stream.indirect.scatter.add.f32 [tilespmem:s16], [sflag:$0x3], $0x80, s31, s13, $0xb8;
	[tilespmem:$0x1E800] =	vst v63  }
0x2e: {  	_ =	swait.ge [sflag:s11], $0x4000  }
0x2f: {  	s25 =	simm.s32 $0x400;
	[sflag:s11] =	ssyncset.done $0x0  }
.LBB2_2:
0x30: {  	p0 =	sne.s32 s25, $0x4800  }
0x31: {  	[sflag:s11] =	ssyncadd.s32 $0xFFFFC000;
	s26 =	smov.u32 s25;
	s25 =	sadd.s32 $0x400, s25  }
0x32: {  	_ = 	snop  }
0x33: {  	_ =	swait.ge [sflag:s15], $0x4000  }
0x34: {  	s26 =	sshra.s32 s26, $0x2;
	[sflag:s15] =	ssyncset.done $0x0  }
0x35: {  	s28 =	sadd.s32 $0x80, s26;
	[sflag:s15] =	ssyncadd.s32 $0xFFFFC000  }
0x36: {  	[tilespmem:s16], [sflag:$0x2] =	stream.indirect.gather [hbm4b:s4+s13], $0x80, s28, s13, $0xb8;
	[tilespmem:$0x1E800] =	vst v63  }
0x37: {  	s28 =	sadd.s32 $0x1400, s26  }
0x38: {  	[spmem:s2] =	stream.indirect.scatter.add.f32 [tilespmem:s14], [sflag:$0x3], $0x80, s28, s13, $0xb8;
	[tilespmem:$0x1E800] =	vst v63  }
0x39: {  	_ =	swait.ge [sflag:s11], $0x4000  }
0x3a: {  	[sflag:s11] =	ssyncset.done $0x0  }
0x3b: {  	[sflag:s11] =	ssyncadd.s32 $0xFFFFC000  }
0x3c: {  	_ =	swait.ge [sflag:s17], $0x4000  }
0x3d: {  	[sflag:s17] =	ssyncset.done $0x0  }
0x3e: {  	s28 =	sadd.s32 $0x100, s26;
	[sflag:s17] =	ssyncadd.s32 $0xFFFFC000  }
0x3f: {  	[tilespmem:s14], [sflag:$0x1] =	stream.indirect.gather [hbm4b:s4+s13], $0x80, s28, s13, $0xb8;
	[tilespmem:$0x1E800] =	vst v63  }
.Ltmp0:
0x40: {  	_ = 	snop;
	(pc) =	sbr.rel @p0 .LBB2_2-.Ltmp0, $4  }
0x41: {  	s26 =	sadd.s32 $0x1480, s26  }
0x42: {  	[spmem:s2] =	stream.indirect.scatter.add.f32 [tilespmem:s16], [sflag:$0x3], $0x80, s26, s13, $0xb8;
	[tilespmem:$0x1E800] =	vst v63  }
0x43: {  	_ =	swait.ge [sflag:s11], $0x4000  }
0x44: {  	[sflag:s11] =	ssyncset.done $0x0  }
0x45: {  	[sflag:s11] =	ssyncadd.s32 $0xFFFFC000  }
0x46: {  	_ =	swait.ge [sflag:s15], $0x4000  }
0x47: {  	[sflag:s15] =	ssyncset.done $0x0  }
0x48: {  	[sflag:s15] =	ssyncadd.s32 $0xFFFFC000  }
0x49: {  	[tilespmem:s16], [sflag:$0x2] =	stream.indirect.gather [hbm4b:s4+s13], $0x80, s18, s13, $0xb8;
	[tilespmem:$0x1E800] =	vst v63  }
0x4a: {  	_ = 	snop  }
0x4b: {  	[spmem:s2] =	stream.indirect.scatter.add.f32 [tilespmem:s14], [sflag:$0x3], $0x80, s19, s13, $0xb8;
	[tilespmem:$0x1E800] =	vst v63  }
0x4c: {  	_ =	swait.ge [sflag:s11], $0x4000  }
0x4d: {  	[sflag:s11] =	ssyncset.done $0x0  }
0x4e: {  	[sflag:s11] =	ssyncadd.s32 $0xFFFFC000  }
0x4f: {  	_ =	swait.ge [sflag:s17], $0x4000  }
0x50: {  	[sflag:s17] =	ssyncset.done $0x0  }
0x51: {  	[sflag:s17] =	ssyncadd.s32 $0xFFFFC000  }
0x52: {  	[spmem:s2] =	stream.indirect.scatter.add.f32 [tilespmem:s16], [sflag:$0x3], $0x80, s20, s13, $0xb8;
	[tilespmem:$0x1E800] =	vst v63  }
0x53: {  	_ =	swait.ge [sflag:s11], $0x4000  }
0x54: {  	[sflag:s11] =	ssyncset.done $0x0  }
0x55: {  	s25 =	simm.s32 $0x0;
	[sflag:s11] =	ssyncadd.s32 $0xFFFFC000  }
0x56: {  	[tilespmem:s25], [sflag:$0x3] =	stream.linear.gather [hbm4b:s21+s25], $0x1400, $0x38;
	[tilespmem:$0x1E800] =	vst v63  }
0x57: {  	_ =	swait.ge [sflag:s11], $0x1400  }
0x58: {  	[sflag:s11] =	ssyncset.done $0x0  }
0x59: {  	[sflag:s11] =	ssyncadd.s32 $0xFFFFEC00  }
0x5a: {  	[tilespmem:s12], [sflag:$0x3] =	stream.linear.gather [hbm4b:s22+s25], $0x1400, $0x38;
	[tilespmem:$0x1E800] =	vst v63  }
0x5b: {  	_ =	swait.ge [sflag:s11], $0x1400  }
0x5c: {  	[sflag:s11] =	ssyncset.done $0x0  }
0x5d: {  	[sflag:s11] =	ssyncadd.s32 $0xFFFFEC00  }
0x5e: {  	[tilespmem:s14], [sflag:$0x1] =	stream.indirect.gather [hbm4b:s4+s13], $0x80, s25, s13, $0xb8;
	[tilespmem:$0x1E800] =	vst v63  }
0x5f: {  	_ =	swait.ge [sflag:s15], $0x4000  }
0x60: {  	[sflag:s15] =	ssyncset.done $0x0  }
0x61: {  	s28 =	simm.s32 $0x80;
	[sflag:s15] =	ssyncadd.s32 $0xFFFFC000  }
0x62: {  	[tilespmem:s16], [sflag:$0x2] =	stream.indirect.gather [hbm4b:s4+s13], $0x80, s28, s13, $0xb8;
	[tilespmem:$0x1E800] =	vst v63  }
0x63: {  	s29 =	simm.s32 $0x1400  }
0x64: {  	[spmem:s2] =	stream.indirect.scatter.add.f32 [tilespmem:s14], [sflag:$0x3], $0x80, s29, s13, $0xb8;
	[tilespmem:$0x1E800] =	vst v63  }
0x65: {  	_ =	swait.ge [sflag:s11], $0x4000  }
0x66: {  	[sflag:s11] =	ssyncset.done $0x0  }
0x67: {  	[sflag:s11] =	ssyncadd.s32 $0xFFFFC000  }
0x68: {  	_ =	swait.ge [sflag:s17], $0x4000  }
0x69: {  	[sflag:s17] =	ssyncset.done $0x0  }
0x6a: {  	s30 =	simm.s32 $0x100;
	[sflag:s17] =	ssyncadd.s32 $0xFFFFC000  }
0x6b: {  	[tilespmem:s14], [sflag:$0x1] =	stream.indirect.gather [hbm4b:s4+s13], $0x80, s30, s13, $0xb8;
	[tilespmem:$0x1E800] =	vst v63  }
0x6c: {  	s31 =	simm.s32 $0x1480  }
0x6d: {  	[spmem:s2] =	stream.indirect.scatter.add.f32 [tilespmem:s16], [sflag:$0x3], $0x80, s31, s13, $0xb8;
	[tilespmem:$0x1E800] =	vst v63  }
0x6e: {  	_ =	swait.ge [sflag:s11], $0x4000  }
0x6f: {  	s25 =	simm.s32 $0x400;
	[sflag:s11] =	ssyncset.done $0x0  }
.LBB2_4:
0x70: {  	p0 =	sne.s32 s25, $0x4800  }
0x71: {  	[sflag:s11] =	ssyncadd.s32 $0xFFFFC000;
	s26 =	smov.u32 s25;
	s25 =	sadd.s32 $0x400, s25  }
0x72: {  	_ = 	snop  }
0x73: {  	_ =	swait.ge [sflag:s15], $0x4000  }
0x74: {  	s26 =	sshra.s32 s26, $0x2;
	[sflag:s15] =	ssyncset.done $0x0  }
0x75: {  	s28 =	sadd.s32 $0x80, s26;
	[sflag:s15] =	ssyncadd.s32 $0xFFFFC000  }
0x76: {  	[tilespmem:s16], [sflag:$0x2] =	stream.indirect.gather [hbm4b:s4+s13], $0x80, s28, s13, $0xb8;
	[tilespmem:$0x1E800] =	vst v63  }
0x77: {  	s28 =	sadd.s32 $0x1400, s26  }
0x78: {  	[spmem:s2] =	stream.indirect.scatter.add.f32 [tilespmem:s14], [sflag:$0x3], $0x80, s28, s13, $0xb8;
	[tilespmem:$0x1E800] =	vst v63  }
0x79: {  	_ =	swait.ge [sflag:s11], $0x4000  }
0x7a: {  	[sflag:s11] =	ssyncset.done $0x0  }
0x7b: {  	[sflag:s11] =	ssyncadd.s32 $0xFFFFC000  }
0x7c: {  	_ =	swait.ge [sflag:s17], $0x4000  }
0x7d: {  	[sflag:s17] =	ssyncset.done $0x0  }
0x7e: {  	s28 =	sadd.s32 $0x100, s26;
	[sflag:s17] =	ssyncadd.s32 $0xFFFFC000  }
0x7f: {  	[tilespmem:s14], [sflag:$0x1] =	stream.indirect.gather [hbm4b:s4+s13], $0x80, s28, s13, $0xb8;
	[tilespmem:$0x1E800] =	vst v63  }
.Ltmp1:
0x80: {  	_ = 	snop;
	(pc) =	sbr.rel @p0 .LBB2_4-.Ltmp1, $4  }
0x81: {  	s26 =	sadd.s32 $0x1480, s26  }
0x82: {  	[spmem:s2] =	stream.indirect.scatter.add.f32 [tilespmem:s16], [sflag:$0x3], $0x80, s26, s13, $0xb8;
	[tilespmem:$0x1E800] =	vst v63  }
0x83: {  	_ =	swait.ge [sflag:s11], $0x4000  }
0x84: {  	[sflag:s11] =	ssyncset.done $0x0  }
0x85: {  	[sflag:s11] =	ssyncadd.s32 $0xFFFFC000  }
0x86: {  	_ =	swait.ge [sflag:s15], $0x4000  }
0x87: {  	[sflag:s15] =	ssyncset.done $0x0  }
0x88: {  	[sflag:s15] =	ssyncadd.s32 $0xFFFFC000  }
0x89: {  	[tilespmem:s16], [sflag:$0x2] =	stream.indirect.gather [hbm4b:s4+s13], $0x80, s18, s13, $0xb8;
	[tilespmem:$0x1E800] =	vst v63  }
0x8a: {  	_ = 	snop  }
0x8b: {  	[spmem:s2] =	stream.indirect.scatter.add.f32 [tilespmem:s14], [sflag:$0x3], $0x80, s19, s13, $0xb8;
	[tilespmem:$0x1E800] =	vst v63  }
0x8c: {  	_ =	swait.ge [sflag:s11], $0x4000  }
0x8d: {  	[sflag:s11] =	ssyncset.done $0x0  }
0x8e: {  	[sflag:s11] =	ssyncadd.s32 $0xFFFFC000  }
0x8f: {  	_ =	swait.ge [sflag:s17], $0x4000  }
0x90: {  	[sflag:s17] =	ssyncset.done $0x0  }
0x91: {  	[sflag:s17] =	ssyncadd.s32 $0xFFFFC000  }
0x92: {  	[spmem:s2] =	stream.indirect.scatter.add.f32 [tilespmem:s16], [sflag:$0x3], $0x80, s20, s13, $0xb8;
	[tilespmem:$0x1E800] =	vst v63  }
0x93: {  	_ =	swait.ge [sflag:s11], $0x4000  }
0x94: {  	s24 =	sadd.s32 $0x1, s24;
	[sflag:s11] =	ssyncset.done $0x0  }
0x95: {  	p0 =	sne.s32 s24, s9;
	[sflag:s11] =	ssyncadd.s32 $0xFFFFC000  }
.Ltmp2:
0x96: {  	[bflag:$0x0] =	sbarrier.arrive $0xFFFF;
	(pc) =	sbr.rel @p0 .LBB2_1-.Ltmp2, $4  }
0x97: {  	[hbm:s23], [sflag:s6] =	dma.local [spmem:s10], $0x2800  }
0x98: {  	_ =	swait.ge [sflag:s11], $0x2800  }
0x99: {  	[sflag:s11] =	ssyncset.done $0x0  }
0x9a: {  	[sflag:s11] =	ssyncadd.s32 $0xFFFFD800  }
0x9b: {  	_ =	sfence.sel $0x180000  }
0x9c: {  	[bflag:$0x0] =	sbarrier.arrive $0xFFFF  }
0x9d: {  	p0 =	sne.s32 s0, $0x0;
	_ =	strace $0x9000004A  }
0x9e: {  	s0 =	sadd.s32 @!p0 $0x100000, s1;
	[bflag:$0x2] =	sbarrier.arrive $0xFFFF  }
0x9f: {  	[sflag:s0] =	ssyncadd.tile.s32 @!p0 $0x1;
	_ =	shalt  }
.Lfunc_end2:
_tile_overlayer_lowered:
.L_overlay_start_2:
0xa0: {  	(tag) =	ssettag $0x2  }
0xa1: {  	s0 =	rddreg [dreg:$0x0];
	s2 =	stileid.u32  }
0xa2: {  	s1 =	rddreg [dreg:$0x1];
	p0 =	sne.s32 s2, $0x0  }
0xa3: {  	s3 =	rddreg [dreg:$0x2];
	[bflag:$0x3] =	sbarrier.arrive $0xFFFF;
	s2 =	simm.s32 @!p0 $0x1C03  }
0xa4: {  	[timem:s3], [sflag:s2] =	dma.local @!p0 [hbm:s0], s1  }
0xa5: {  	s0 =	simm.s32 @!p0 $0x3  }
0xa6: {  	_ =	swait.ge @!p0 [sflag:s0], s1  }
0xa7: {  	s1 =	ssub.s32 @!p0 $0x0, s1;
	[sflag:s0] =	ssyncset.done @!p0 $0x0  }
0xa8: {  	[sflag:s0] =	ssyncadd.s32 @!p0 s1  }
0xa9: {  	[bflag:$0x3] =	sbarrier.arrive $0xFFFF  }
0xaa: {  	_ =	shalt  }

// kernel: kernel.16.cloned.1.call-start
scs
__scs_entry_jumppad:
0x0: {  	(pc) =	sbr.rel $0x88, $3  }
0x1: {  	(tag) =	ssettag $0x0;
	lr =	simm.s32 $0x1  }
0x2: {  	[smem:$0x3F95] =	sst lr;
	_ =	strace $0xD0000000  }
0x3: {  	_ = 	snop  }
0x4: {  	_ = 	snop  }
0x5: {  	_ = 	snop  }
0x6: {  	_ = 	snop  }
0x7: {  	_ = 	snop  }
__scs_overlays_trampoline_lowered:
0x8: {  	[smem:$0x3FA4] =	sst s0  }
0x9: {  	[smem:$0x3FA5] =	sst s1  }
0xa: {  	[smem:$0x3FA6] =	sst s2  }
0xb: {  	[smem:$0x3FA7] =	sst s3  }
0xc: {  	[smem:$0x3FA8] =	sst s4  }
0xd: {  	[smem:$0x3FA9] =	sst s5  }
0xe: {  	[smem:$0x3FAA] =	sst s6  }
0xf: {  	[smem:$0x3FAB] =	sst s7  }
0x10: {  	[smem:$0x3FAC] =	sst s8  }
0x11: {  	[smem:$0x3FAD] =	sst s9;
	s0 =	simm.s32 @!p0 $0x0  }
0x12: {  	s1 =	sld [smem:$0x3F93];
	s0 =	simm.s32 @p0 $0x1  }
0x13: {  	[smem:$0x3FAE] =	sst s0;
	s0 =	simm.s32 @!p1 $0x0  }
0x14: {  	s2 =	sld [smem:$0x3F92];
	s0 =	simm.s32 @p1 $0x1  }
0x15: {  	[smem:$0x3FAF] =	sst s0;
	s0 =	simm.s32 @!p2 $0x0  }
0x16: {  	s3 =	sld [smem:$0x3FDB];
	s0 =	simm.s32 @p2 $0x1  }
0x17: {  	s4 =	simm.s32 $0x1BF5;
	[smem:$0x3FB1] =	sst s0  }
0x18: {  	s0 =	sld [smem:$0x3F94];
	_ =	swait.ge [sflag:s4], $0x0  }
0x19: {  	s7 =	sld [smem:$0x3F95]  }
0x1a: {  	s8 =	sadd.s32 $0xFFFFE003, lr  }
0x1b: {  	s9 =	sadd.s32 $0xFFFFFEF7, lr;
	s5 =	simm.s32 $0xFFFFFFFF;
	p2 =	slt.u32 s8, $0xFFFFF086  }
0x1c: {  	p1 =	slt.u32 s9, $0xF7A;
	s5 =	simm.s32 @!p2 $0x0  }
0x1d: {  	s5 =	simm.s32 @p1 $0x1;
	p0 =	seq.s32 s7, s2  }
0x1e: {  	s7 =	smul.u32 @!p0 $0xF7A, s2;
	p2 =	seq.s32 @!p0 s5, $0x0  }
0x1f: {  	s9 =	smul.u32 $0xF7A, s1;
	s8 =	simm.s32 @!p0 $0x1BF5;
	p2 =	por !p2, p0  }
0x20: {  	[sflag:s8] =	ssyncset.s32 @!p0 $0xFFFFF086;
	s6 =	sadd.s32 @!p0 s3, s7;
	s7 =	simm.s32 @!p0 $0x108  }
0x21: {  	s3 =	sadd.s32 s3, s9;
	s6 =	sadd.s32 @!p0 $0x88, s6;
	s7 =	simm.s32 @p2 $0x1082  }
0x22: {  	[simem:s7], [sflag:s8] =	dma.local @!p0 [hbm:s6], $0xF7A  }
0x23: {  	s9 =	sor.u32 $0xD0000000, s2;
	s6 =	simm.s32 $0x108;
	_ =	swait.ge @!p0 [sflag:s8], $0x0  }
0x24: {  	s3 =	sadd.s32 $0x88, s3;
	s6 =	simm.s32 @!p1 $0x1082;
	[sflag:s4] =	ssyncset.s32 $0xFFFFF086  }
0x25: {  	[simem:s6], [sflag:s4] =	dma.local [hbm:s3], $0xF7A  }
0x26: {  	[smem:$0x3F95] =	sst s1;
	(tag) =	ssettag s2;
	_ =	strace s9  }
0x27: {  	s1 =	sld [smem:$0x3FA5]  }
0x28: {  	s2 =	sld [smem:$0x3FA6]  }
0x29: {  	s4 =	sld [smem:$0x3FA8]  }
0x2a: {  	p0 =	seq.s32 s5, $0x0;
	s5 =	sld [smem:$0x3FA9]  }
0x2b: {  	s6 =	sld [smem:$0x3FAA]  }
0x2c: {  	s7 =	sld [smem:$0x3FAB]  }
0x2d: {  	s3 =	simm.s32 $0x108;
	s8 =	sld [smem:$0x3FAC]  }
0x2e: {  	s3 =	simm.s32 @!p0 $0x1082;
	s9 =	sld [smem:$0x3FAD]  }
0x2f: {  	lr =	sadd.s32 s0, s3;
	s0 =	sld [smem:$0x3FA4]  }
0x30: {  	s3 =	sld [smem:$0x3FA7]  }
0x31: {  	[smem:$0x3FB0] =	sst s10  }
0x32: {  	s10 =	sld [smem:$0x3FAE];
	_ =	sdelay $0x3  }
0x33: {  	p0 =	seq.s32 s10, $0x1;
	s10 =	sld [smem:$0x3FB0];
	_ =	sdelay $0x3  }
0x34: {  	[smem:$0x3FB0] =	sst s10  }
0x35: {  	s10 =	sld [smem:$0x3FAF];
	_ =	sdelay $0x3  }
0x36: {  	p1 =	seq.s32 s10, $0x1;
	s10 =	sld [smem:$0x3FB0];
	_ =	sdelay $0x3  }
0x37: {  	[smem:$0x3FB0] =	sst s10  }
0x38: {  	s10 =	sld [smem:$0x3FB1]  }
0x39: {  	_ = 	snop;
	(pc) =	sbr.ind lr, $3  }
0x3a: {  	_ = 	snop  }
0x3b: {  	_ = 	snop  }
0x3c: {  	p2 =	seq.s32 s10, $0x1;
	s10 =	sld [smem:$0x3FB0]  }
0x3d: {  	_ =	shalt  }
0x3e: {  	_ =	shalt  }
0x3f: {  	_ =	shalt  }
0x40: {  	_ =	shalt  }
0x41: {  	_ =	shalt  }
0x42: {  	_ =	shalt  }
0x43: {  	_ =	shalt  }
0x44: {  	_ =	shalt  }
0x45: {  	_ =	shalt  }
0x46: {  	_ =	shalt  }
0x47: {  	_ =	shalt  }
0x48: {  	_ =	shalt  }
0x49: {  	_ =	shalt  }
0x4a: {  	_ =	shalt  }
0x4b: {  	_ =	shalt  }
0x4c: {  	_ =	shalt  }
0x4d: {  	_ =	shalt  }
0x4e: {  	_ =	shalt  }
0x4f: {  	_ =	shalt  }
0x50: {  	_ =	shalt  }
0x51: {  	_ =	shalt  }
0x52: {  	_ =	shalt  }
0x53: {  	_ =	shalt  }
0x54: {  	_ =	shalt  }
0x55: {  	_ =	shalt  }
0x56: {  	_ =	shalt  }
0x57: {  	_ =	shalt  }
0x58: {  	_ =	shalt  }
0x59: {  	_ =	shalt  }
0x5a: {  	_ =	shalt  }
0x5b: {  	_ =	shalt  }
0x5c: {  	_ =	shalt  }
0x5d: {  	_ =	shalt  }
0x5e: {  	_ =	shalt  }
0x5f: {  	_ =	shalt  }
0x60: {  	_ =	shalt  }
0x61: {  	_ =	shalt  }
0x62: {  	_ =	shalt  }
0x63: {  	_ =	shalt  }
0x64: {  	_ =	shalt  }
0x65: {  	_ =	shalt  }
0x66: {  	_ =	shalt  }
0x67: {  	_ =	shalt  }
0x68: {  	_ =	shalt  }
0x69: {  	_ =	shalt  }
0x6a: {  	_ =	shalt  }
0x6b: {  	_ =	shalt  }
0x6c: {  	_ =	shalt  }
0x6d: {  	_ =	shalt  }
0x6e: {  	_ =	shalt  }
0x6f: {  	_ =	shalt  }
0x70: {  	_ =	shalt  }
0x71: {  	_ =	shalt  }
0x72: {  	_ =	shalt  }
0x73: {  	_ =	shalt  }
0x74: {  	_ =	shalt  }
0x75: {  	_ =	shalt  }
0x76: {  	_ =	shalt  }
0x77: {  	_ =	shalt  }
0x78: {  	_ =	shalt  }
0x79: {  	_ =	shalt  }
0x7a: {  	_ =	shalt  }
0x7b: {  	_ =	shalt  }
0x7c: {  	_ =	shalt  }
0x7d: {  	_ =	shalt  }
0x7e: {  	_ =	shalt  }
0x7f: {  	_ =	shalt  }
0x80: {  	_ =	shalt  }
0x81: {  	_ =	shalt  }
0x82: {  	_ =	shalt  }
0x83: {  	_ =	shalt  }
0x84: {  	_ =	shalt  }
0x85: {  	_ =	shalt  }
0x86: {  	_ =	shalt  }
0x87: {  	_ =	shalt  }
.Lfunc_end0:
.L_simem_size_0:
called_computation.2_lowered:
.L_overlay_start_0:
0x88: {  	s2 =	sld [smem:$0x3FD9]  }
0x89: {  	s3 =	sld [smem:$0x3FFE];
	_ =	sdelay $0x1  }
0x8a: {  	s1 =	srdreg.scid  }
0x8b: {  	s0 =	sand.u32 $0x1, s1  }
0x8c: {  	s16 =	sshll.u32 s0, $0xA;
	s2 =	sadd.s32 s3, s2  }
0x8d: {  	s2 =	sadd.s32 s2, s16  }
0x8e: {  	[smem:$0x3FBC] =	sst s2  }
0x8f: {  	_ = 	snop  }
0x90: {  	(tm) =	ssettm $0x1  }
0x91: {  	s17 =	sld [smem:$0x3FFB];
	_ =	sdelay $0x3  }
0x92: {  	_ =	strace s17  }
0x93: {  	s2 =	sld [smem:$0x3FFC];
	_ =	sdelay $0x3  }
0x94: {  	_ =	strace s2  }
0x95: {  	s2 =	sld [smem:$0x3FFD];
	_ =	sdelay $0x3  }
0x96: {  	_ =	strace s2  }
0x97: {  	_ =	strace $0x8FFFFFFF  }
0x98: {  	s18 =	sld [smem:$0x3FDB];
	_ =	sdelay $0x1  }
0x99: {  	s19 =	simm.s32 $_scs_section_size  }
0x9a: {  	s4 =	simm.s32 $_size__tile_overlayer_lowered;
	s5 =	simm.s32 $_tile_overlayer_lowered  }
0x9b: {  	s22 =	simm.s32 $0x1BFF;
	s21 =	sshll.u32 s5, $0x1;
	s2 =	sadd.s32 s19, s18  }
0x9c: {  	s6 =	simm.s32 $0x0;
	s20 =	sshll.u32 s4, $0x1;
	s4 =	sadd.s32 s21, s2  }
0x9d: {  	[timem:s6], [sflag:s22] =	dma.local [hbm:s4], s20  }
0x9e: {  	_ =	swait.ge [sflag:s22], s20  }
0x9f: {  	s3 =	ssub.s32 $0x0, s20;
	[sflag:s22] =	ssyncset.done $0x0  }
0xa0: {  	[sflag:s22] =	ssyncadd.s32 s3;
	_ =	sdelay $0x1  }
0xa1: {  	s23 =	simm.s32 $0x1B8B  }
0xa2: {  	_ =	swait.ge [sflag:s23], $0x1  }
0xa3: {  	[sflag:s23] =	ssyncset.done $0x0  }
0xa4: {  	s25 =	simm.s32 $0x1B8E;
	s24 =	sld [smem:$0x3FFE];
	[sflag:s23] =	ssyncadd.s32 $0xFFFFFFFF  }
0xa5: {  	s26 =	simm.s32 $execute0_lowered;
	[smem:$0x3FD2] =	sst s25  }
0xa6: {  	s4 =	sshll.u32 s26, $0x1;
	_ =	strace $0x8000004C;
	[dreg:$0x1] =	wrdreg $0xFFFFFFFF  }
0xa7: {  	s28 =	simm.s32 $_size_execute0_lowered;
	s2 =	sadd.s32 s2, s4;
	[dreg:$0x0] =	wrdreg $0x0  }
0xa8: {  	s4 =	sshll.u32 s28, $0x1;
	[dreg:$0x2] =	wrdreg s2  }
0xa9: {  	[dreg:$0x3] =	wrdreg s4  }
0xaa: {  	[dreg:$0x4] =	wrdreg $0xC0  }
0xab: {  	_ =	task [dreg:s6], $0x5FFFF  }
0xac: {  	[dreg:$0x1] =	wrdreg $0xFFFFFFFF  }
0xad: {  	[dreg:$0x0] =	wrdreg $0x60  }
0xae: {  	[dreg:$0x2] =	wrdreg s24  }
0xaf: {  	[dreg:$0x3] =	wrdreg $0xA8000  }
0xb0: {  	[dreg:$0x4] =	wrdreg $0x9  }
0xb1: {  	_ =	task.clear_ibuf [dreg:s6], $0x5FFFF;
	_ =	strace $0x9000004C  }
0xb2: {  	s29 =	simm.s32 $0x9;
	_ =	strace $0x8000004E  }
0xb3: {  	_ =	swait.ge [sflag:s29], $0x1  }
0xb4: {  	[sflag:s29] =	ssyncadd.s32 $0xFFFFFFFF  }
0xb5: {  	_ =	strace $0x9000004E  }
0xb6: {  	_ =	sfence  }
0xb7: {  	s30 =	sld [smem:$0x0];
	_ =	sdelay $0x2  }
0xb8: {  	s31 =	sshll.u32 s1, $0xD;
	s1 =	sshrl.u32 s1, $0x2  }
0xb9: {  	s3 =	sand.u32 $0x4000, s31;
	s1 =	sadd.s32 s1, s30  }
0xba: {  	s0 =	sor.u32 s3, s0;
	s1 =	sshll.u32 s1, $0x11  }
0xbb: {  	s0 =	sor.u32 s1, s0  }
0xbc: {  	s0 =	sadd.s32 $0x8F2B, s0  }
0xbd: {  	[sflag:s0] =	ssyncadd.remote.s32 $0x1  }
0xbe: {  	_ =	sfence.sel $0xFFFF  }
0xbf: {  	[dreg:$0x0] =	wrdreg $0xFFFFFFFF;
	(pc) =	sbr.abs _section_cstart, $3  }
0xc0: {  	[dreg:$0x1] =	wrdreg $0xFFFFFFFF  }
0xc1: {  	_ =	task.clear_ibuf [dreg:s6], $0x2FFFF;
	_ =	strace $0x9FFFFFFF  }
0xc2: {  	(tm) =	ssettm $0x7FFFFFFF  }
0xc3: {  	_ =	shalt  }
tec
execute0_lowered:
.L_overlay_start_1:
0x0: {  	(tag) =	ssettag $0x1  }
0x1: {  	s1 =	srdreg.scid;
	s6 =	rddreg [dreg:$0x0]  }
0x2: {  	s0 =	stileid.u32;
	s2 =	rddreg [dreg:$0x1]  }
0x3: {  	s3 =	simm.s32 $0x0;
	s13 =	simm.s32 $0x80;
	s14 =	simm.s32 $0x2800  }
0x4: {  	s15 =	simm.s32 $0x1;
	s16 =	simm.s32 $0x6800;
	s17 =	simm.s32 $0x2  }
0x5: {  	s18 =	simm.s32 $0x1380;
	s19 =	simm.s32 $0x2700;
	s20 =	simm.s32 $0x2780  }
0x6: {  	s5 =	sand.u32 $0x1, s1;
	s25 =	sshll.u32 s0, $0x1;
	s23 =	smul.u32 $0x2800, s0  }
0x7: {  	[smem:$0x7FF] =	sst s3;
	s4 =	sadd.s32 $0x17600, s6;
	s9 =	smul.u32 $0x50000, s0  }
0x8: {  	s31 =	sshll.u32 s0, $0x6;
	s1 =	sor.u32 s5, s25;
	s8 =	smul.u32 $0x28000, s5  }
0x9: {  	s5 =	ssub.s32 $0x2, s5;
	s7 =	smul.u32 $0x500, s1;
	s1 =	rddreg [dreg:$0x2]  }
0xa: {  	_ =	strace $0x8000004D;
	s26 =	sadd.s32 s23, s6;
	s28 =	sshrl.u32 s5, $0x1  }
0xb: {  	s29 =	sshrl.u32 s9, $0x2;
	s11 =	sadd.s32 s8, s6;
	s30 =	ssub.s32 s5, s28  }
0xc: {  	s12 =	sadd.s32 s29, s2;
	s5 =	sadd.s32 $0x3F600, s26;
	s10 =	sadd.s32 s7, s6  }
0xd: {  	s6 =	sor.u32 $0x1C03, s31;
	s24 =	sadd.s32 $0x67600, s11;
	s9 =	smax.u32 s30, $0x1  }
0xe: {  	s11 =	simm.s32 $0x3;
	s7 =	sadd.s32 $0xD600, s10;
	s8 =	sadd.s32 $0x3600, s10  }
0xf: {  	s10 =	sshrl.u32 s12, $0x3;
	s12 =	simm.s32 $0x1400;
	s23 =	sadd.s32 s23, s24  }
0x10: {  	s24 =	simm.s32 $0x0;
	s21 =	sadd.s32 $0x280, s7;
	s22 =	sadd.s32 $0x280, s8  }
.LBB2_1:
0x11: {  	[spmem:s10], [sflag:s6] =	dma.local [hbm:s5], $0x2800  }
0x12: {  	_ =	swait.ge [sflag:s11], $0x2800  }
0x13: {  	[sflag:s11] =	ssyncset.done $0x0  }
0x14: {  	[sflag:s11] =	ssyncadd.s32 $0xFFFFD800  }
0x15: {  	[bflag:$0x0] =	sbarrier.arrive $0xFFFF  }
0x16: {  	[tilespmem:s3], [sflag:$0x3] =	stream.linear.gather [hbm4b:s7+s3], $0x1400, $0x38;
	[tilespmem:$0x1E800] =	vst v63  }
0x17: {  	_ =	swait.ge [sflag:s11], $0x1400  }
0x18: {  	[sflag:s11] =	ssyncset.done $0x0  }
0x19: {  	[sflag:s11] =	ssyncadd.s32 $0xFFFFEC00  }
0x1a: {  	[tilespmem:s12], [sflag:$0x3] =	stream.linear.gather [hbm4b:s8+s3], $0x1400, $0x38;
	[tilespmem:$0x1E800] =	vst v63  }
0x1b: {  	_ =	swait.ge [sflag:s11], $0x1400  }
0x1c: {  	[sflag:s11] =	ssyncset.done $0x0  }
0x1d: {  	[sflag:s11] =	ssyncadd.s32 $0xFFFFEC00  }
0x1e: {  	[tilespmem:s14], [sflag:$0x1] =	stream.indirect.gather [hbm4b:s4+s13], $0x80, s3, s13, $0xb8;
	[tilespmem:$0x1E800] =	vst v63  }
0x1f: {  	_ =	swait.ge [sflag:s15], $0x4000  }
0x20: {  	[sflag:s15] =	ssyncset.done $0x0  }
0x21: {  	s25 =	simm.s32 $0x80;
	[sflag:s15] =	ssyncadd.s32 $0xFFFFC000  }
0x22: {  	[tilespmem:s16], [sflag:$0x2] =	stream.indirect.gather [hbm4b:s4+s13], $0x80, s25, s13, $0xb8;
	[tilespmem:$0x1E800] =	vst v63  }
0x23: {  	s29 =	simm.s32 $0x1400  }
0x24: {  	[spmem:s2] =	stream.indirect.scatter.add.f32 [tilespmem:s14], [sflag:$0x3], $0x80, s29, s13, $0xb8;
	[tilespmem:$0x1E800] =	vst v63  }
0x25: {  	_ =	swait.ge [sflag:s11], $0x4000  }
0x26: {  	[sflag:s11] =	ssyncset.done $0x0  }
0x27: {  	[sflag:s11] =	ssyncadd.s32 $0xFFFFC000  }
0x28: {  	_ =	swait.ge [sflag:s17], $0x4000  }
0x29: {  	[sflag:s17] =	ssyncset.done $0x0  }
0x2a: {  	s30 =	simm.s32 $0x100;
	[sflag:s17] =	ssyncadd.s32 $0xFFFFC000  }
0x2b: {  	[tilespmem:s14], [sflag:$0x1] =	stream.indirect.gather [hbm4b:s4+s13], $0x80, s30, s13, $0xb8;
	[tilespmem:$0x1E800] =	vst v63  }
0x2c: {  	s31 =	simm.s32 $0x1480  }
0x2d: {  	[spmem:s2] =	stream.indirect.scatter.add.f32 [tilespmem:s16], [sflag:$0x3], $0x80, s31, s13, $0xb8;
	[tilespmem:$0x1E800] =	vst v63  }
0x2e: {  	_ =	swait.ge [sflag:s11], $0x4000  }
0x2f: {  	s25 =	simm.s32 $0x400;
	[sflag:s11] =	ssyncset.done $0x0  }
.LBB2_2:
0x30: {  	p0 =	sne.s32 s25, $0x4800  }
0x31: {  	[sflag:s11] =	ssyncadd.s32 $0xFFFFC000;
	s26 =	smov.u32 s25;
	s25 =	sadd.s32 $0x400, s25  }
0x32: {  	_ = 	snop  }
0x33: {  	_ =	swait.ge [sflag:s15], $0x4000  }
0x34: {  	s26 =	sshra.s32 s26, $0x2;
	[sflag:s15] =	ssyncset.done $0x0  }
0x35: {  	s28 =	sadd.s32 $0x80, s26;
	[sflag:s15] =	ssyncadd.s32 $0xFFFFC000  }
0x36: {  	[tilespmem:s16], [sflag:$0x2] =	stream.indirect.gather [hbm4b:s4+s13], $0x80, s28, s13, $0xb8;
	[tilespmem:$0x1E800] =	vst v63  }
0x37: {  	s28 =	sadd.s32 $0x1400, s26  }
0x38: {  	[spmem:s2] =	stream.indirect.scatter.add.f32 [tilespmem:s14], [sflag:$0x3], $0x80, s28, s13, $0xb8;
	[tilespmem:$0x1E800] =	vst v63  }
0x39: {  	_ =	swait.ge [sflag:s11], $0x4000  }
0x3a: {  	[sflag:s11] =	ssyncset.done $0x0  }
0x3b: {  	[sflag:s11] =	ssyncadd.s32 $0xFFFFC000  }
0x3c: {  	_ =	swait.ge [sflag:s17], $0x4000  }
0x3d: {  	[sflag:s17] =	ssyncset.done $0x0  }
0x3e: {  	s28 =	sadd.s32 $0x100, s26;
	[sflag:s17] =	ssyncadd.s32 $0xFFFFC000  }
0x3f: {  	[tilespmem:s14], [sflag:$0x1] =	stream.indirect.gather [hbm4b:s4+s13], $0x80, s28, s13, $0xb8;
	[tilespmem:$0x1E800] =	vst v63  }
.Ltmp0:
0x40: {  	_ = 	snop;
	(pc) =	sbr.rel @p0 .LBB2_2-.Ltmp0, $4  }
0x41: {  	s26 =	sadd.s32 $0x1480, s26  }
0x42: {  	[spmem:s2] =	stream.indirect.scatter.add.f32 [tilespmem:s16], [sflag:$0x3], $0x80, s26, s13, $0xb8;
	[tilespmem:$0x1E800] =	vst v63  }
0x43: {  	_ =	swait.ge [sflag:s11], $0x4000  }
0x44: {  	[sflag:s11] =	ssyncset.done $0x0  }
0x45: {  	[sflag:s11] =	ssyncadd.s32 $0xFFFFC000  }
0x46: {  	_ =	swait.ge [sflag:s15], $0x4000  }
0x47: {  	[sflag:s15] =	ssyncset.done $0x0  }
0x48: {  	[sflag:s15] =	ssyncadd.s32 $0xFFFFC000  }
0x49: {  	[tilespmem:s16], [sflag:$0x2] =	stream.indirect.gather [hbm4b:s4+s13], $0x80, s18, s13, $0xb8;
	[tilespmem:$0x1E800] =	vst v63  }
0x4a: {  	_ = 	snop  }
0x4b: {  	[spmem:s2] =	stream.indirect.scatter.add.f32 [tilespmem:s14], [sflag:$0x3], $0x80, s19, s13, $0xb8;
	[tilespmem:$0x1E800] =	vst v63  }
0x4c: {  	_ =	swait.ge [sflag:s11], $0x4000  }
0x4d: {  	[sflag:s11] =	ssyncset.done $0x0  }
0x4e: {  	[sflag:s11] =	ssyncadd.s32 $0xFFFFC000  }
0x4f: {  	_ =	swait.ge [sflag:s17], $0x4000  }
0x50: {  	[sflag:s17] =	ssyncset.done $0x0  }
0x51: {  	[sflag:s17] =	ssyncadd.s32 $0xFFFFC000  }
0x52: {  	[spmem:s2] =	stream.indirect.scatter.add.f32 [tilespmem:s16], [sflag:$0x3], $0x80, s20, s13, $0xb8;
	[tilespmem:$0x1E800] =	vst v63  }
0x53: {  	_ =	swait.ge [sflag:s11], $0x4000  }
0x54: {  	[sflag:s11] =	ssyncset.done $0x0  }
0x55: {  	s25 =	simm.s32 $0x0;
	[sflag:s11] =	ssyncadd.s32 $0xFFFFC000  }
0x56: {  	[tilespmem:s25], [sflag:$0x3] =	stream.linear.gather [hbm4b:s21+s25], $0x1400, $0x38;
	[tilespmem:$0x1E800] =	vst v63  }
0x57: {  	_ =	swait.ge [sflag:s11], $0x1400  }
0x58: {  	[sflag:s11] =	ssyncset.done $0x0  }
0x59: {  	[sflag:s11] =	ssyncadd.s32 $0xFFFFEC00  }
0x5a: {  	[tilespmem:s12], [sflag:$0x3] =	stream.linear.gather [hbm4b:s22+s25], $0x1400, $0x38;
	[tilespmem:$0x1E800] =	vst v63  }
0x5b: {  	_ =	swait.ge [sflag:s11], $0x1400  }
0x5c: {  	[sflag:s11] =	ssyncset.done $0x0  }
0x5d: {  	[sflag:s11] =	ssyncadd.s32 $0xFFFFEC00  }
0x5e: {  	[tilespmem:s14], [sflag:$0x1] =	stream.indirect.gather [hbm4b:s4+s13], $0x80, s25, s13, $0xb8;
	[tilespmem:$0x1E800] =	vst v63  }
0x5f: {  	_ =	swait.ge [sflag:s15], $0x4000  }
0x60: {  	[sflag:s15] =	ssyncset.done $0x0  }
0x61: {  	s28 =	simm.s32 $0x80;
	[sflag:s15] =	ssyncadd.s32 $0xFFFFC000  }
0x62: {  	[tilespmem:s16], [sflag:$0x2] =	stream.indirect.gather [hbm4b:s4+s13], $0x80, s28, s13, $0xb8;
	[tilespmem:$0x1E800] =	vst v63  }
0x63: {  	s29 =	simm.s32 $0x1400  }
0x64: {  	[spmem:s2] =	stream.indirect.scatter.add.f32 [tilespmem:s14], [sflag:$0x3], $0x80, s29, s13, $0xb8;
	[tilespmem:$0x1E800] =	vst v63  }
0x65: {  	_ =	swait.ge [sflag:s11], $0x4000  }
0x66: {  	[sflag:s11] =	ssyncset.done $0x0  }
0x67: {  	[sflag:s11] =	ssyncadd.s32 $0xFFFFC000  }
0x68: {  	_ =	swait.ge [sflag:s17], $0x4000  }
0x69: {  	[sflag:s17] =	ssyncset.done $0x0  }
0x6a: {  	s30 =	simm.s32 $0x100;
	[sflag:s17] =	ssyncadd.s32 $0xFFFFC000  }
0x6b: {  	[tilespmem:s14], [sflag:$0x1] =	stream.indirect.gather [hbm4b:s4+s13], $0x80, s30, s13, $0xb8;
	[tilespmem:$0x1E800] =	vst v63  }
0x6c: {  	s31 =	simm.s32 $0x1480  }
0x6d: {  	[spmem:s2] =	stream.indirect.scatter.add.f32 [tilespmem:s16], [sflag:$0x3], $0x80, s31, s13, $0xb8;
	[tilespmem:$0x1E800] =	vst v63  }
0x6e: {  	_ =	swait.ge [sflag:s11], $0x4000  }
0x6f: {  	s25 =	simm.s32 $0x400;
	[sflag:s11] =	ssyncset.done $0x0  }
.LBB2_4:
0x70: {  	p0 =	sne.s32 s25, $0x4800  }
0x71: {  	[sflag:s11] =	ssyncadd.s32 $0xFFFFC000;
	s26 =	smov.u32 s25;
	s25 =	sadd.s32 $0x400, s25  }
0x72: {  	_ = 	snop  }
0x73: {  	_ =	swait.ge [sflag:s15], $0x4000  }
0x74: {  	s26 =	sshra.s32 s26, $0x2;
	[sflag:s15] =	ssyncset.done $0x0  }
0x75: {  	s28 =	sadd.s32 $0x80, s26;
	[sflag:s15] =	ssyncadd.s32 $0xFFFFC000  }
0x76: {  	[tilespmem:s16], [sflag:$0x2] =	stream.indirect.gather [hbm4b:s4+s13], $0x80, s28, s13, $0xb8;
	[tilespmem:$0x1E800] =	vst v63  }
0x77: {  	s28 =	sadd.s32 $0x1400, s26  }
0x78: {  	[spmem:s2] =	stream.indirect.scatter.add.f32 [tilespmem:s14], [sflag:$0x3], $0x80, s28, s13, $0xb8;
	[tilespmem:$0x1E800] =	vst v63  }
0x79: {  	_ =	swait.ge [sflag:s11], $0x4000  }
0x7a: {  	[sflag:s11] =	ssyncset.done $0x0  }
0x7b: {  	[sflag:s11] =	ssyncadd.s32 $0xFFFFC000  }
0x7c: {  	_ =	swait.ge [sflag:s17], $0x4000  }
0x7d: {  	[sflag:s17] =	ssyncset.done $0x0  }
0x7e: {  	s28 =	sadd.s32 $0x100, s26;
	[sflag:s17] =	ssyncadd.s32 $0xFFFFC000  }
0x7f: {  	[tilespmem:s14], [sflag:$0x1] =	stream.indirect.gather [hbm4b:s4+s13], $0x80, s28, s13, $0xb8;
	[tilespmem:$0x1E800] =	vst v63  }
.Ltmp1:
0x80: {  	_ = 	snop;
	(pc) =	sbr.rel @p0 .LBB2_4-.Ltmp1, $4  }
0x81: {  	s26 =	sadd.s32 $0x1480, s26  }
0x82: {  	[spmem:s2] =	stream.indirect.scatter.add.f32 [tilespmem:s16], [sflag:$0x3], $0x80, s26, s13, $0xb8;
	[tilespmem:$0x1E800] =	vst v63  }
0x83: {  	_ =	swait.ge [sflag:s11], $0x4000  }
0x84: {  	[sflag:s11] =	ssyncset.done $0x0  }
0x85: {  	[sflag:s11] =	ssyncadd.s32 $0xFFFFC000  }
0x86: {  	_ =	swait.ge [sflag:s15], $0x4000  }
0x87: {  	[sflag:s15] =	ssyncset.done $0x0  }
0x88: {  	[sflag:s15] =	ssyncadd.s32 $0xFFFFC000  }
0x89: {  	[tilespmem:s16], [sflag:$0x2] =	stream.indirect.gather [hbm4b:s4+s13], $0x80, s18, s13, $0xb8;
	[tilespmem:$0x1E800] =	vst v63  }
0x8a: {  	_ = 	snop  }
0x8b: {  	[spmem:s2] =	stream.indirect.scatter.add.f32 [tilespmem:s14], [sflag:$0x3], $0x80, s19, s13, $0xb8;
	[tilespmem:$0x1E800] =	vst v63  }
0x8c: {  	_ =	swait.ge [sflag:s11], $0x4000  }
0x8d: {  	[sflag:s11] =	ssyncset.done $0x0  }
0x8e: {  	[sflag:s11] =	ssyncadd.s32 $0xFFFFC000  }
0x8f: {  	_ =	swait.ge [sflag:s17], $0x4000  }
0x90: {  	[sflag:s17] =	ssyncset.done $0x0  }
0x91: {  	[sflag:s17] =	ssyncadd.s32 $0xFFFFC000  }
0x92: {  	[spmem:s2] =	stream.indirect.scatter.add.f32 [tilespmem:s16], [sflag:$0x3], $0x80, s20, s13, $0xb8;
	[tilespmem:$0x1E800] =	vst v63  }
0x93: {  	_ =	swait.ge [sflag:s11], $0x4000  }
0x94: {  	s24 =	sadd.s32 $0x1, s24;
	[sflag:s11] =	ssyncset.done $0x0  }
0x95: {  	p0 =	sne.s32 s24, s9;
	[sflag:s11] =	ssyncadd.s32 $0xFFFFC000  }
.Ltmp2:
0x96: {  	[bflag:$0x0] =	sbarrier.arrive $0xFFFF;
	(pc) =	sbr.rel @p0 .LBB2_1-.Ltmp2, $4  }
0x97: {  	[hbm:s23], [sflag:s6] =	dma.local [spmem:s10], $0x2800  }
0x98: {  	_ =	swait.ge [sflag:s11], $0x2800  }
0x99: {  	[sflag:s11] =	ssyncset.done $0x0  }
0x9a: {  	[sflag:s11] =	ssyncadd.s32 $0xFFFFD800  }
0x9b: {  	_ =	sfence.sel $0x180000  }
0x9c: {  	[bflag:$0x0] =	sbarrier.arrive $0xFFFF  }
0x9d: {  	p0 =	sne.s32 s0, $0x0;
	_ =	strace $0x9000004D  }
0x9e: {  	s0 =	sadd.s32 @!p0 $0x100000, s1;
	[bflag:$0x2] =	sbarrier.arrive $0xFFFF  }
0x9f: {  	[sflag:s0] =	ssyncadd.tile.s32 @!p0 $0x1;
	_ =	shalt  }
.Lfunc_end2:
_tile_overlayer_lowered:
.L_overlay_start_2:
0xa0: {  	(tag) =	ssettag $0x2  }
0xa1: {  	s0 =	rddreg [dreg:$0x0];
	s2 =	stileid.u32  }
0xa2: {  	s1 =	rddreg [dreg:$0x1];
	p0 =	sne.s32 s2, $0x0  }
0xa3: {  	s3 =	rddreg [dreg:$0x2];
	[bflag:$0x3] =	sbarrier.arrive $0xFFFF;
	s2 =	simm.s32 @!p0 $0x1C03  }
0xa4: {  	[timem:s3], [sflag:s2] =	dma.local @!p0 [hbm:s0], s1  }
0xa5: {  	s0 =	simm.s32 @!p0 $0x3  }
0xa6: {  	_ =	swait.ge @!p0 [sflag:s0], s1  }
0xa7: {  	s1 =	ssub.s32 @!p0 $0x0, s1;
	[sflag:s0] =	ssyncset.done @!p0 $0x0  }
0xa8: {  	[sflag:s0] =	ssyncadd.s32 @!p0 s1  }
0xa9: {  	[bflag:$0x3] =	sbarrier.arrive $0xFFFF  }
0xaa: {  	_ =	shalt  }

// kernel: kernel.19.cloned.1.call-start
scs
__scs_entry_jumppad:
0x0: {  	(pc) =	sbr.rel $0x88, $3  }
0x1: {  	(tag) =	ssettag $0x0;
	lr =	simm.s32 $0x1  }
0x2: {  	[smem:$0x3F95] =	sst lr;
	_ =	strace $0xD0000000  }
0x3: {  	_ = 	snop  }
0x4: {  	_ = 	snop  }
0x5: {  	_ = 	snop  }
0x6: {  	_ = 	snop  }
0x7: {  	_ = 	snop  }
__scs_overlays_trampoline_lowered:
0x8: {  	[smem:$0x3FA4] =	sst s0  }
0x9: {  	[smem:$0x3FA5] =	sst s1  }
0xa: {  	[smem:$0x3FA6] =	sst s2  }
0xb: {  	[smem:$0x3FA7] =	sst s3  }
0xc: {  	[smem:$0x3FA8] =	sst s4  }
0xd: {  	[smem:$0x3FA9] =	sst s5  }
0xe: {  	[smem:$0x3FAA] =	sst s6  }
0xf: {  	[smem:$0x3FAB] =	sst s7  }
0x10: {  	[smem:$0x3FAC] =	sst s8  }
0x11: {  	[smem:$0x3FAD] =	sst s9;
	s0 =	simm.s32 @!p0 $0x0  }
0x12: {  	s1 =	sld [smem:$0x3F93];
	s0 =	simm.s32 @p0 $0x1  }
0x13: {  	[smem:$0x3FAE] =	sst s0;
	s0 =	simm.s32 @!p1 $0x0  }
0x14: {  	s2 =	sld [smem:$0x3F92];
	s0 =	simm.s32 @p1 $0x1  }
0x15: {  	[smem:$0x3FAF] =	sst s0;
	s0 =	simm.s32 @!p2 $0x0  }
0x16: {  	s3 =	sld [smem:$0x3FDB];
	s0 =	simm.s32 @p2 $0x1  }
0x17: {  	s4 =	simm.s32 $0x1BF5;
	[smem:$0x3FB1] =	sst s0  }
0x18: {  	s0 =	sld [smem:$0x3F94];
	_ =	swait.ge [sflag:s4], $0x0  }
0x19: {  	s7 =	sld [smem:$0x3F95]  }
0x1a: {  	s8 =	sadd.s32 $0xFFFFE003, lr  }
0x1b: {  	s9 =	sadd.s32 $0xFFFFFEF7, lr;
	s5 =	simm.s32 $0xFFFFFFFF;
	p2 =	slt.u32 s8, $0xFFFFF086  }
0x1c: {  	p1 =	slt.u32 s9, $0xF7A;
	s5 =	simm.s32 @!p2 $0x0  }
0x1d: {  	s5 =	simm.s32 @p1 $0x1;
	p0 =	seq.s32 s7, s2  }
0x1e: {  	s7 =	smul.u32 @!p0 $0xF7A, s2;
	p2 =	seq.s32 @!p0 s5, $0x0  }
0x1f: {  	s9 =	smul.u32 $0xF7A, s1;
	s8 =	simm.s32 @!p0 $0x1BF5;
	p2 =	por !p2, p0  }
0x20: {  	[sflag:s8] =	ssyncset.s32 @!p0 $0xFFFFF086;
	s6 =	sadd.s32 @!p0 s3, s7;
	s7 =	simm.s32 @!p0 $0x108  }
0x21: {  	s3 =	sadd.s32 s3, s9;
	s6 =	sadd.s32 @!p0 $0x88, s6;
	s7 =	simm.s32 @p2 $0x1082  }
0x22: {  	[simem:s7], [sflag:s8] =	dma.local @!p0 [hbm:s6], $0xF7A  }
0x23: {  	s9 =	sor.u32 $0xD0000000, s2;
	s6 =	simm.s32 $0x108;
	_ =	swait.ge @!p0 [sflag:s8], $0x0  }
0x24: {  	s3 =	sadd.s32 $0x88, s3;
	s6 =	simm.s32 @!p1 $0x1082;
	[sflag:s4] =	ssyncset.s32 $0xFFFFF086  }
0x25: {  	[simem:s6], [sflag:s4] =	dma.local [hbm:s3], $0xF7A  }
0x26: {  	[smem:$0x3F95] =	sst s1;
	(tag) =	ssettag s2;
	_ =	strace s9  }
0x27: {  	s1 =	sld [smem:$0x3FA5]  }
0x28: {  	s2 =	sld [smem:$0x3FA6]  }
0x29: {  	s4 =	sld [smem:$0x3FA8]  }
0x2a: {  	p0 =	seq.s32 s5, $0x0;
	s5 =	sld [smem:$0x3FA9]  }
0x2b: {  	s6 =	sld [smem:$0x3FAA]  }
0x2c: {  	s7 =	sld [smem:$0x3FAB]  }
0x2d: {  	s3 =	simm.s32 $0x108;
	s8 =	sld [smem:$0x3FAC]  }
0x2e: {  	s3 =	simm.s32 @!p0 $0x1082;
	s9 =	sld [smem:$0x3FAD]  }
0x2f: {  	lr =	sadd.s32 s0, s3;
	s0 =	sld [smem:$0x3FA4]  }
0x30: {  	s3 =	sld [smem:$0x3FA7]  }
0x31: {  	[smem:$0x3FB0] =	sst s10  }
0x32: {  	s10 =	sld [smem:$0x3FAE];
	_ =	sdelay $0x3  }
0x33: {  	p0 =	seq.s32 s10, $0x1;
	s10 =	sld [smem:$0x3FB0];
	_ =	sdelay $0x3  }
0x34: {  	[smem:$0x3FB0] =	sst s10  }
0x35: {  	s10 =	sld [smem:$0x3FAF];
	_ =	sdelay $0x3  }
0x36: {  	p1 =	seq.s32 s10, $0x1;
	s10 =	sld [smem:$0x3FB0];
	_ =	sdelay $0x3  }
0x37: {  	[smem:$0x3FB0] =	sst s10  }
0x38: {  	s10 =	sld [smem:$0x3FB1]  }
0x39: {  	_ = 	snop;
	(pc) =	sbr.ind lr, $3  }
0x3a: {  	_ = 	snop  }
0x3b: {  	_ = 	snop  }
0x3c: {  	p2 =	seq.s32 s10, $0x1;
	s10 =	sld [smem:$0x3FB0]  }
0x3d: {  	_ =	shalt  }
0x3e: {  	_ =	shalt  }
0x3f: {  	_ =	shalt  }
0x40: {  	_ =	shalt  }
0x41: {  	_ =	shalt  }
0x42: {  	_ =	shalt  }
0x43: {  	_ =	shalt  }
0x44: {  	_ =	shalt  }
0x45: {  	_ =	shalt  }
0x46: {  	_ =	shalt  }
0x47: {  	_ =	shalt  }
0x48: {  	_ =	shalt  }
0x49: {  	_ =	shalt  }
0x4a: {  	_ =	shalt  }
0x4b: {  	_ =	shalt  }
0x4c: {  	_ =	shalt  }
0x4d: {  	_ =	shalt  }
0x4e: {  	_ =	shalt  }
0x4f: {  	_ =	shalt  }
0x50: {  	_ =	shalt  }
0x51: {  	_ =	shalt  }
0x52: {  	_ =	shalt  }
0x53: {  	_ =	shalt  }
0x54: {  	_ =	shalt  }
0x55: {  	_ =	shalt  }
0x56: {  	_ =	shalt  }
0x57: {  	_ =	shalt  }
0x58: {  	_ =	shalt  }
0x59: {  	_ =	shalt  }
0x5a: {  	_ =	shalt  }
0x5b: {  	_ =	shalt  }
0x5c: {  	_ =	shalt  }
0x5d: {  	_ =	shalt  }
0x5e: {  	_ =	shalt  }
0x5f: {  	_ =	shalt  }
0x60: {  	_ =	shalt  }
0x61: {  	_ =	shalt  }
0x62: {  	_ =	shalt  }
0x63: {  	_ =	shalt  }
0x64: {  	_ =	shalt  }
0x65: {  	_ =	shalt  }
0x66: {  	_ =	shalt  }
0x67: {  	_ =	shalt  }
0x68: {  	_ =	shalt  }
0x69: {  	_ =	shalt  }
0x6a: {  	_ =	shalt  }
0x6b: {  	_ =	shalt  }
0x6c: {  	_ =	shalt  }
0x6d: {  	_ =	shalt  }
0x6e: {  	_ =	shalt  }
0x6f: {  	_ =	shalt  }
0x70: {  	_ =	shalt  }
0x71: {  	_ =	shalt  }
0x72: {  	_ =	shalt  }
0x73: {  	_ =	shalt  }
0x74: {  	_ =	shalt  }
0x75: {  	_ =	shalt  }
0x76: {  	_ =	shalt  }
0x77: {  	_ =	shalt  }
0x78: {  	_ =	shalt  }
0x79: {  	_ =	shalt  }
0x7a: {  	_ =	shalt  }
0x7b: {  	_ =	shalt  }
0x7c: {  	_ =	shalt  }
0x7d: {  	_ =	shalt  }
0x7e: {  	_ =	shalt  }
0x7f: {  	_ =	shalt  }
0x80: {  	_ =	shalt  }
0x81: {  	_ =	shalt  }
0x82: {  	_ =	shalt  }
0x83: {  	_ =	shalt  }
0x84: {  	_ =	shalt  }
0x85: {  	_ =	shalt  }
0x86: {  	_ =	shalt  }
0x87: {  	_ =	shalt  }
.Lfunc_end0:
.L_simem_size_0:
called_computation.3_lowered:
.L_overlay_start_0:
0x88: {  	s2 =	sld [smem:$0x3FD9]  }
0x89: {  	s3 =	sld [smem:$0x3FFE];
	_ =	sdelay $0x1  }
0x8a: {  	s1 =	srdreg.scid  }
0x8b: {  	s0 =	sand.u32 $0x1, s1  }
0x8c: {  	s16 =	sshll.u32 s0, $0xA;
	s2 =	sadd.s32 s3, s2  }
0x8d: {  	s2 =	sadd.s32 s2, s16  }
0x8e: {  	[smem:$0x3FBC] =	sst s2  }
0x8f: {  	_ = 	snop  }
0x90: {  	(tm) =	ssettm $0x1  }
0x91: {  	s17 =	sld [smem:$0x3FFB];
	_ =	sdelay $0x3  }
0x92: {  	_ =	strace s17  }
0x93: {  	s2 =	sld [smem:$0x3FFC];
	_ =	sdelay $0x3  }
0x94: {  	_ =	strace s2  }
0x95: {  	s2 =	sld [smem:$0x3FFD];
	_ =	sdelay $0x3  }
0x96: {  	_ =	strace s2  }
0x97: {  	_ =	strace $0x8FFFFFFF  }
0x98: {  	s18 =	sld [smem:$0x3FDB];
	_ =	sdelay $0x1  }
0x99: {  	s19 =	simm.s32 $_scs_section_size  }
0x9a: {  	s4 =	simm.s32 $_size__tile_overlayer_lowered;
	s5 =	simm.s32 $_tile_overlayer_lowered  }
0x9b: {  	s22 =	simm.s32 $0x1BFF;
	s21 =	sshll.u32 s5, $0x1;
	s2 =	sadd.s32 s19, s18  }
0x9c: {  	s6 =	simm.s32 $0x0;
	s20 =	sshll.u32 s4, $0x1;
	s4 =	sadd.s32 s21, s2  }
0x9d: {  	[timem:s6], [sflag:s22] =	dma.local [hbm:s4], s20  }
0x9e: {  	_ =	swait.ge [sflag:s22], s20  }
0x9f: {  	s3 =	ssub.s32 $0x0, s20;
	[sflag:s22] =	ssyncset.done $0x0  }
0xa0: {  	[sflag:s22] =	ssyncadd.s32 s3;
	_ =	sdelay $0x1  }
0xa1: {  	s23 =	simm.s32 $0x1B8B  }
0xa2: {  	_ =	swait.ge [sflag:s23], $0x1  }
0xa3: {  	[sflag:s23] =	ssyncset.done $0x0  }
0xa4: {  	s25 =	simm.s32 $0x1B8E;
	s24 =	sld [smem:$0x3FFE];
	[sflag:s23] =	ssyncadd.s32 $0xFFFFFFFF  }
0xa5: {  	s26 =	simm.s32 $execute0_lowered;
	[smem:$0x3FD2] =	sst s25  }
0xa6: {  	s4 =	sshll.u32 s26, $0x1;
	_ =	strace $0x8000004F;
	[dreg:$0x1] =	wrdreg $0xFFFFFFFF  }
0xa7: {  	s28 =	simm.s32 $_size_execute0_lowered;
	s2 =	sadd.s32 s2, s4;
	[dreg:$0x0] =	wrdreg $0x0  }
0xa8: {  	s4 =	sshll.u32 s28, $0x1;
	[dreg:$0x2] =	wrdreg s2  }
0xa9: {  	[dreg:$0x3] =	wrdreg s4  }
0xaa: {  	[dreg:$0x4] =	wrdreg $0xC0  }
0xab: {  	_ =	task [dreg:s6], $0x5FFFF  }
0xac: {  	[dreg:$0x1] =	wrdreg $0xFFFFFFFF  }
0xad: {  	[dreg:$0x0] =	wrdreg $0x60  }
0xae: {  	[dreg:$0x2] =	wrdreg s24  }
0xaf: {  	[dreg:$0x3] =	wrdreg $0xA8000  }
0xb0: {  	[dreg:$0x4] =	wrdreg $0x9  }
0xb1: {  	_ =	task.clear_ibuf [dreg:s6], $0x5FFFF;
	_ =	strace $0x9000004F  }
0xb2: {  	s29 =	simm.s32 $0x9;
	_ =	strace $0x80000051  }
0xb3: {  	_ =	swait.ge [sflag:s29], $0x1  }
0xb4: {  	[sflag:s29] =	ssyncadd.s32 $0xFFFFFFFF  }
0xb5: {  	_ =	strace $0x90000051  }
0xb6: {  	_ =	sfence  }
0xb7: {  	s30 =	sld [smem:$0x0];
	_ =	sdelay $0x2  }
0xb8: {  	s31 =	sshll.u32 s1, $0xD;
	s1 =	sshrl.u32 s1, $0x2  }
0xb9: {  	s3 =	sand.u32 $0x4000, s31;
	s1 =	sadd.s32 s1, s30  }
0xba: {  	s0 =	sor.u32 s3, s0;
	s1 =	sshll.u32 s1, $0x11  }
0xbb: {  	s0 =	sor.u32 s1, s0  }
0xbc: {  	s0 =	sadd.s32 $0x8F2B, s0  }
0xbd: {  	[sflag:s0] =	ssyncadd.remote.s32 $0x1  }
0xbe: {  	_ =	sfence.sel $0xFFFF  }
0xbf: {  	[dreg:$0x0] =	wrdreg $0xFFFFFFFF;
	(pc) =	sbr.abs _section_cstart, $3  }
0xc0: {  	[dreg:$0x1] =	wrdreg $0xFFFFFFFF  }
0xc1: {  	_ =	task.clear_ibuf [dreg:s6], $0x2FFFF;
	_ =	strace $0x9FFFFFFF  }
0xc2: {  	(tm) =	ssettm $0x7FFFFFFF  }
0xc3: {  	_ =	shalt  }
tec
execute0_lowered:
.L_overlay_start_1:
0x0: {  	(tag) =	ssettag $0x1  }
0x1: {  	s1 =	srdreg.scid;
	s6 =	rddreg [dreg:$0x0]  }
0x2: {  	s0 =	stileid.u32;
	s2 =	rddreg [dreg:$0x1]  }
0x3: {  	s3 =	simm.s32 $0x0;
	s13 =	simm.s32 $0x80;
	s14 =	simm.s32 $0x2800  }
0x4: {  	s15 =	simm.s32 $0x1;
	s16 =	simm.s32 $0x6800;
	s17 =	simm.s32 $0x2  }
0x5: {  	s18 =	simm.s32 $0x1380;
	s19 =	simm.s32 $0x2700;
	s20 =	simm.s32 $0x2780  }
0x6: {  	s5 =	sand.u32 $0x1, s1;
	s25 =	sshll.u32 s0, $0x1;
	s23 =	smul.u32 $0x2800, s0  }
0x7: {  	[smem:$0x7FF] =	sst s3;
	s4 =	sadd.s32 $0x17600, s6;
	s9 =	smul.u32 $0x50000, s0  }
0x8: {  	s31 =	sshll.u32 s0, $0x6;
	s1 =	sor.u32 s5, s25;
	s8 =	smul.u32 $0x28000, s5  }
0x9: {  	s5 =	ssub.s32 $0x2, s5;
	s7 =	smul.u32 $0x500, s1;
	s1 =	rddreg [dreg:$0x2]  }
0xa: {  	_ =	strace $0x80000050;
	s26 =	sadd.s32 s23, s6;
	s28 =	sshrl.u32 s5, $0x1  }
0xb: {  	s29 =	sshrl.u32 s9, $0x2;
	s11 =	sadd.s32 s8, s6;
	s30 =	ssub.s32 s5, s28  }
0xc: {  	s12 =	sadd.s32 s29, s2;
	s5 =	sadd.s32 $0x3F600, s26;
	s10 =	sadd.s32 s7, s6  }
0xd: {  	s6 =	sor.u32 $0x1C03, s31;
	s24 =	sadd.s32 $0x67600, s11;
	s9 =	smax.u32 s30, $0x1  }
0xe: {  	s11 =	simm.s32 $0x3;
	s7 =	sadd.s32 $0xD600, s10;
	s8 =	sadd.s32 $0x3600, s10  }
0xf: {  	s10 =	sshrl.u32 s12, $0x3;
	s12 =	simm.s32 $0x1400;
	s23 =	sadd.s32 s23, s24  }
0x10: {  	s24 =	simm.s32 $0x0;
	s21 =	sadd.s32 $0x280, s7;
	s22 =	sadd.s32 $0x280, s8  }
.LBB2_1:
0x11: {  	[spmem:s10], [sflag:s6] =	dma.local [hbm:s5], $0x2800  }
0x12: {  	_ =	swait.ge [sflag:s11], $0x2800  }
0x13: {  	[sflag:s11] =	ssyncset.done $0x0  }
0x14: {  	[sflag:s11] =	ssyncadd.s32 $0xFFFFD800  }
0x15: {  	[bflag:$0x0] =	sbarrier.arrive $0xFFFF  }
0x16: {  	[tilespmem:s3], [sflag:$0x3] =	stream.linear.gather [hbm4b:s7+s3], $0x1400, $0x38;
	[tilespmem:$0x1E800] =	vst v63  }
0x17: {  	_ =	swait.ge [sflag:s11], $0x1400  }
0x18: {  	[sflag:s11] =	ssyncset.done $0x0  }
0x19: {  	[sflag:s11] =	ssyncadd.s32 $0xFFFFEC00  }
0x1a: {  	[tilespmem:s12], [sflag:$0x3] =	stream.linear.gather [hbm4b:s8+s3], $0x1400, $0x38;
	[tilespmem:$0x1E800] =	vst v63  }
0x1b: {  	_ =	swait.ge [sflag:s11], $0x1400  }
0x1c: {  	[sflag:s11] =	ssyncset.done $0x0  }
0x1d: {  	[sflag:s11] =	ssyncadd.s32 $0xFFFFEC00  }
0x1e: {  	[tilespmem:s14], [sflag:$0x1] =	stream.indirect.gather [hbm4b:s4+s13], $0x80, s3, s13, $0xb8;
	[tilespmem:$0x1E800] =	vst v63  }
0x1f: {  	_ =	swait.ge [sflag:s15], $0x4000  }
0x20: {  	[sflag:s15] =	ssyncset.done $0x0  }
0x21: {  	s25 =	simm.s32 $0x80;
	[sflag:s15] =	ssyncadd.s32 $0xFFFFC000  }
0x22: {  	[tilespmem:s16], [sflag:$0x2] =	stream.indirect.gather [hbm4b:s4+s13], $0x80, s25, s13, $0xb8;
	[tilespmem:$0x1E800] =	vst v63  }
0x23: {  	s29 =	simm.s32 $0x1400  }
0x24: {  	[spmem:s2] =	stream.indirect.scatter.add.f32 [tilespmem:s14], [sflag:$0x3], $0x80, s29, s13, $0xb8;
	[tilespmem:$0x1E800] =	vst v63  }
0x25: {  	_ =	swait.ge [sflag:s11], $0x4000  }
0x26: {  	[sflag:s11] =	ssyncset.done $0x0  }
0x27: {  	[sflag:s11] =	ssyncadd.s32 $0xFFFFC000  }
0x28: {  	_ =	swait.ge [sflag:s17], $0x4000  }
0x29: {  	[sflag:s17] =	ssyncset.done $0x0  }
0x2a: {  	s30 =	simm.s32 $0x100;
	[sflag:s17] =	ssyncadd.s32 $0xFFFFC000  }
0x2b: {  	[tilespmem:s14], [sflag:$0x1] =	stream.indirect.gather [hbm4b:s4+s13], $0x80, s30, s13, $0xb8;
	[tilespmem:$0x1E800] =	vst v63  }
0x2c: {  	s31 =	simm.s32 $0x1480  }
0x2d: {  	[spmem:s2] =	stream.indirect.scatter.add.f32 [tilespmem:s16], [sflag:$0x3], $0x80, s31, s13, $0xb8;
	[tilespmem:$0x1E800] =	vst v63  }
0x2e: {  	_ =	swait.ge [sflag:s11], $0x4000  }
0x2f: {  	s25 =	simm.s32 $0x400;
	[sflag:s11] =	ssyncset.done $0x0  }
.LBB2_2:
0x30: {  	p0 =	sne.s32 s25, $0x4800  }
0x31: {  	[sflag:s11] =	ssyncadd.s32 $0xFFFFC000;
	s26 =	smov.u32 s25;
	s25 =	sadd.s32 $0x400, s25  }
0x32: {  	_ = 	snop  }
0x33: {  	_ =	swait.ge [sflag:s15], $0x4000  }
0x34: {  	s26 =	sshra.s32 s26, $0x2;
	[sflag:s15] =	ssyncset.done $0x0  }
0x35: {  	s28 =	sadd.s32 $0x80, s26;
	[sflag:s15] =	ssyncadd.s32 $0xFFFFC000  }
0x36: {  	[tilespmem:s16], [sflag:$0x2] =	stream.indirect.gather [hbm4b:s4+s13], $0x80, s28, s13, $0xb8;
	[tilespmem:$0x1E800] =	vst v63  }
0x37: {  	s28 =	sadd.s32 $0x1400, s26  }
0x38: {  	[spmem:s2] =	stream.indirect.scatter.add.f32 [tilespmem:s14], [sflag:$0x3], $0x80, s28, s13, $0xb8;
	[tilespmem:$0x1E800] =	vst v63  }
0x39: {  	_ =	swait.ge [sflag:s11], $0x4000  }
0x3a: {  	[sflag:s11] =	ssyncset.done $0x0  }
0x3b: {  	[sflag:s11] =	ssyncadd.s32 $0xFFFFC000  }
0x3c: {  	_ =	swait.ge [sflag:s17], $0x4000  }
0x3d: {  	[sflag:s17] =	ssyncset.done $0x0  }
0x3e: {  	s28 =	sadd.s32 $0x100, s26;
	[sflag:s17] =	ssyncadd.s32 $0xFFFFC000  }
0x3f: {  	[tilespmem:s14], [sflag:$0x1] =	stream.indirect.gather [hbm4b:s4+s13], $0x80, s28, s13, $0xb8;
	[tilespmem:$0x1E800] =	vst v63  }
.Ltmp0:
0x40: {  	_ = 	snop;
	(pc) =	sbr.rel @p0 .LBB2_2-.Ltmp0, $4  }
0x41: {  	s26 =	sadd.s32 $0x1480, s26  }
0x42: {  	[spmem:s2] =	stream.indirect.scatter.add.f32 [tilespmem:s16], [sflag:$0x3], $0x80, s26, s13, $0xb8;
	[tilespmem:$0x1E800] =	vst v63  }
0x43: {  	_ =	swait.ge [sflag:s11], $0x4000  }
0x44: {  	[sflag:s11] =	ssyncset.done $0x0  }
0x45: {  	[sflag:s11] =	ssyncadd.s32 $0xFFFFC000  }
0x46: {  	_ =	swait.ge [sflag:s15], $0x4000  }
0x47: {  	[sflag:s15] =	ssyncset.done $0x0  }
0x48: {  	[sflag:s15] =	ssyncadd.s32 $0xFFFFC000  }
0x49: {  	[tilespmem:s16], [sflag:$0x2] =	stream.indirect.gather [hbm4b:s4+s13], $0x80, s18, s13, $0xb8;
	[tilespmem:$0x1E800] =	vst v63  }
0x4a: {  	_ = 	snop  }
0x4b: {  	[spmem:s2] =	stream.indirect.scatter.add.f32 [tilespmem:s14], [sflag:$0x3], $0x80, s19, s13, $0xb8;
	[tilespmem:$0x1E800] =	vst v63  }
0x4c: {  	_ =	swait.ge [sflag:s11], $0x4000  }
0x4d: {  	[sflag:s11] =	ssyncset.done $0x0  }
0x4e: {  	[sflag:s11] =	ssyncadd.s32 $0xFFFFC000  }
0x4f: {  	_ =	swait.ge [sflag:s17], $0x4000  }
0x50: {  	[sflag:s17] =	ssyncset.done $0x0  }
0x51: {  	[sflag:s17] =	ssyncadd.s32 $0xFFFFC000  }
0x52: {  	[spmem:s2] =	stream.indirect.scatter.add.f32 [tilespmem:s16], [sflag:$0x3], $0x80, s20, s13, $0xb8;
	[tilespmem:$0x1E800] =	vst v63  }
0x53: {  	_ =	swait.ge [sflag:s11], $0x4000  }
0x54: {  	[sflag:s11] =	ssyncset.done $0x0  }
0x55: {  	s25 =	simm.s32 $0x0;
	[sflag:s11] =	ssyncadd.s32 $0xFFFFC000  }
0x56: {  	[tilespmem:s25], [sflag:$0x3] =	stream.linear.gather [hbm4b:s21+s25], $0x1400, $0x38;
	[tilespmem:$0x1E800] =	vst v63  }
0x57: {  	_ =	swait.ge [sflag:s11], $0x1400  }
0x58: {  	[sflag:s11] =	ssyncset.done $0x0  }
0x59: {  	[sflag:s11] =	ssyncadd.s32 $0xFFFFEC00  }
0x5a: {  	[tilespmem:s12], [sflag:$0x3] =	stream.linear.gather [hbm4b:s22+s25], $0x1400, $0x38;
	[tilespmem:$0x1E800] =	vst v63  }
0x5b: {  	_ =	swait.ge [sflag:s11], $0x1400  }
0x5c: {  	[sflag:s11] =	ssyncset.done $0x0  }
0x5d: {  	[sflag:s11] =	ssyncadd.s32 $0xFFFFEC00  }
0x5e: {  	[tilespmem:s14], [sflag:$0x1] =	stream.indirect.gather [hbm4b:s4+s13], $0x80, s25, s13, $0xb8;
	[tilespmem:$0x1E800] =	vst v63  }
0x5f: {  	_ =	swait.ge [sflag:s15], $0x4000  }
0x60: {  	[sflag:s15] =	ssyncset.done $0x0  }
0x61: {  	s28 =	simm.s32 $0x80;
	[sflag:s15] =	ssyncadd.s32 $0xFFFFC000  }
0x62: {  	[tilespmem:s16], [sflag:$0x2] =	stream.indirect.gather [hbm4b:s4+s13], $0x80, s28, s13, $0xb8;
	[tilespmem:$0x1E800] =	vst v63  }
0x63: {  	s29 =	simm.s32 $0x1400  }
0x64: {  	[spmem:s2] =	stream.indirect.scatter.add.f32 [tilespmem:s14], [sflag:$0x3], $0x80, s29, s13, $0xb8;
	[tilespmem:$0x1E800] =	vst v63  }
0x65: {  	_ =	swait.ge [sflag:s11], $0x4000  }
0x66: {  	[sflag:s11] =	ssyncset.done $0x0  }
0x67: {  	[sflag:s11] =	ssyncadd.s32 $0xFFFFC000  }
0x68: {  	_ =	swait.ge [sflag:s17], $0x4000  }
0x69: {  	[sflag:s17] =	ssyncset.done $0x0  }
0x6a: {  	s30 =	simm.s32 $0x100;
	[sflag:s17] =	ssyncadd.s32 $0xFFFFC000  }
0x6b: {  	[tilespmem:s14], [sflag:$0x1] =	stream.indirect.gather [hbm4b:s4+s13], $0x80, s30, s13, $0xb8;
	[tilespmem:$0x1E800] =	vst v63  }
0x6c: {  	s31 =	simm.s32 $0x1480  }
0x6d: {  	[spmem:s2] =	stream.indirect.scatter.add.f32 [tilespmem:s16], [sflag:$0x3], $0x80, s31, s13, $0xb8;
	[tilespmem:$0x1E800] =	vst v63  }
0x6e: {  	_ =	swait.ge [sflag:s11], $0x4000  }
0x6f: {  	s25 =	simm.s32 $0x400;
	[sflag:s11] =	ssyncset.done $0x0  }
.LBB2_4:
0x70: {  	p0 =	sne.s32 s25, $0x4800  }
0x71: {  	[sflag:s11] =	ssyncadd.s32 $0xFFFFC000;
	s26 =	smov.u32 s25;
	s25 =	sadd.s32 $0x400, s25  }
0x72: {  	_ = 	snop  }
0x73: {  	_ =	swait.ge [sflag:s15], $0x4000  }
0x74: {  	s26 =	sshra.s32 s26, $0x2;
	[sflag:s15] =	ssyncset.done $0x0  }
0x75: {  	s28 =	sadd.s32 $0x80, s26;
	[sflag:s15] =	ssyncadd.s32 $0xFFFFC000  }
0x76: {  	[tilespmem:s16], [sflag:$0x2] =	stream.indirect.gather [hbm4b:s4+s13], $0x80, s28, s13, $0xb8;
	[tilespmem:$0x1E800] =	vst v63  }
0x77: {  	s28 =	sadd.s32 $0x1400, s26  }
0x78: {  	[spmem:s2] =	stream.indirect.scatter.add.f32 [tilespmem:s14], [sflag:$0x3], $0x80, s28, s13, $0xb8;
	[tilespmem:$0x1E800] =	vst v63  }
0x79: {  	_ =	swait.ge [sflag:s11], $0x4000  }
0x7a: {  	[sflag:s11] =	ssyncset.done $0x0  }
0x7b: {  	[sflag:s11] =	ssyncadd.s32 $0xFFFFC000  }
0x7c: {  	_ =	swait.ge [sflag:s17], $0x4000  }
0x7d: {  	[sflag:s17] =	ssyncset.done $0x0  }
0x7e: {  	s28 =	sadd.s32 $0x100, s26;
	[sflag:s17] =	ssyncadd.s32 $0xFFFFC000  }
0x7f: {  	[tilespmem:s14], [sflag:$0x1] =	stream.indirect.gather [hbm4b:s4+s13], $0x80, s28, s13, $0xb8;
	[tilespmem:$0x1E800] =	vst v63  }
.Ltmp1:
0x80: {  	_ = 	snop;
	(pc) =	sbr.rel @p0 .LBB2_4-.Ltmp1, $4  }
0x81: {  	s26 =	sadd.s32 $0x1480, s26  }
0x82: {  	[spmem:s2] =	stream.indirect.scatter.add.f32 [tilespmem:s16], [sflag:$0x3], $0x80, s26, s13, $0xb8;
	[tilespmem:$0x1E800] =	vst v63  }
0x83: {  	_ =	swait.ge [sflag:s11], $0x4000  }
0x84: {  	[sflag:s11] =	ssyncset.done $0x0  }
0x85: {  	[sflag:s11] =	ssyncadd.s32 $0xFFFFC000  }
0x86: {  	_ =	swait.ge [sflag:s15], $0x4000  }
0x87: {  	[sflag:s15] =	ssyncset.done $0x0  }
0x88: {  	[sflag:s15] =	ssyncadd.s32 $0xFFFFC000  }
0x89: {  	[tilespmem:s16], [sflag:$0x2] =	stream.indirect.gather [hbm4b:s4+s13], $0x80, s18, s13, $0xb8;
	[tilespmem:$0x1E800] =	vst v63  }
0x8a: {  	_ = 	snop  }
0x8b: {  	[spmem:s2] =	stream.indirect.scatter.add.f32 [tilespmem:s14], [sflag:$0x3], $0x80, s19, s13, $0xb8;
	[tilespmem:$0x1E800] =	vst v63  }
0x8c: {  	_ =	swait.ge [sflag:s11], $0x4000  }
0x8d: {  	[sflag:s11] =	ssyncset.done $0x0  }
0x8e: {  	[sflag:s11] =	ssyncadd.s32 $0xFFFFC000  }
0x8f: {  	_ =	swait.ge [sflag:s17], $0x4000  }
0x90: {  	[sflag:s17] =	ssyncset.done $0x0  }
0x91: {  	[sflag:s17] =	ssyncadd.s32 $0xFFFFC000  }
0x92: {  	[spmem:s2] =	stream.indirect.scatter.add.f32 [tilespmem:s16], [sflag:$0x3], $0x80, s20, s13, $0xb8;
	[tilespmem:$0x1E800] =	vst v63  }
0x93: {  	_ =	swait.ge [sflag:s11], $0x4000  }
0x94: {  	s24 =	sadd.s32 $0x1, s24;
	[sflag:s11] =	ssyncset.done $0x0  }
0x95: {  	p0 =	sne.s32 s24, s9;
	[sflag:s11] =	ssyncadd.s32 $0xFFFFC000  }
.Ltmp2:
0x96: {  	[bflag:$0x0] =	sbarrier.arrive $0xFFFF;
	(pc) =	sbr.rel @p0 .LBB2_1-.Ltmp2, $4  }
0x97: {  	[hbm:s23], [sflag:s6] =	dma.local [spmem:s10], $0x2800  }
0x98: {  	_ =	swait.ge [sflag:s11], $0x2800  }
0x99: {  	[sflag:s11] =	ssyncset.done $0x0  }
0x9a: {  	[sflag:s11] =	ssyncadd.s32 $0xFFFFD800  }
0x9b: {  	_ =	sfence.sel $0x180000  }
0x9c: {  	[bflag:$0x0] =	sbarrier.arrive $0xFFFF  }
0x9d: {  	p0 =	sne.s32 s0, $0x0;
	_ =	strace $0x90000050  }
0x9e: {  	s0 =	sadd.s32 @!p0 $0x100000, s1;
	[bflag:$0x2] =	sbarrier.arrive $0xFFFF  }
0x9f: {  	[sflag:s0] =	ssyncadd.tile.s32 @!p0 $0x1;
	_ =	shalt  }
.Lfunc_end2:
_tile_overlayer_lowered:
.L_overlay_start_2:
0xa0: {  	(tag) =	ssettag $0x2  }
0xa1: {  	s0 =	rddreg [dreg:$0x0];
	s2 =	stileid.u32  }
0xa2: {  	s1 =	rddreg [dreg:$0x1];
	p0 =	sne.s32 s2, $0x0  }
0xa3: {  	s3 =	rddreg [dreg:$0x2];
	[bflag:$0x3] =	sbarrier.arrive $0xFFFF;
	s2 =	simm.s32 @!p0 $0x1C03  }
0xa4: {  	[timem:s3], [sflag:s2] =	dma.local @!p0 [hbm:s0], s1  }
0xa5: {  	s0 =	simm.s32 @!p0 $0x3  }
0xa6: {  	_ =	swait.ge @!p0 [sflag:s0], s1  }
0xa7: {  	s1 =	ssub.s32 @!p0 $0x0, s1;
	[sflag:s0] =	ssyncset.done @!p0 $0x0  }
0xa8: {  	[sflag:s0] =	ssyncadd.s32 @!p0 s1  }
0xa9: {  	[bflag:$0x3] =	sbarrier.arrive $0xFFFF  }
0xaa: {  	_ =	shalt  }

</sc_bundles>
